<compile_context>
chip_gen: v7x
topology: tpu7x:2x2x1
jax: 0.10.2.dev20260603
libtpu: 0.0.44.dev20260713+nightly
codegen_flags: <defaults>
</compile_context>

<pallas_src>
import dataclasses

import jax
import jax.numpy as jnp
from jax import lax
from jax.experimental import pallas as pl
from jax.experimental.pallas import tpu as pltpu
from jax.experimental.pallas import tpu_sc as plsc

_N = 10000
_NPAD = 10240
_G = 64
_NC = 2
_NS = 16
_NW = _NC * _NS
_CK = 64
_BLK = 32
_RPS = _NPAD // _NS
_DR = _NPAD // 128
_R = 512
_HP = lax.Precision.HIGHEST


def _sc_agg(with_deg, cpw, nbuf):
  mesh = plsc.VectorSubcoreMesh(core_axis_name="c", subcore_axis_name="s")

  outs = [jax.ShapeDtypeStruct((_NC * _NPAD, 128), jnp.float32)]
  scr = [
      pltpu.VMEM((_BLK, _CK), jnp.int32),
      pltpu.VMEM((_BLK, _CK), jnp.int32),
      pltpu.VMEM((nbuf, _CK, 128), jnp.float32),
      pltpu.VMEM_SHARED((_NPAD + 128, 128), jnp.float32),
  ]
  if with_deg:
    outs.append(jax.ShapeDtypeStruct((_NC * _DR, 128), jnp.float32))
    scr.append(pltpu.VMEM((_DR, 128), jnp.float32))
    scr.append(pltpu.VMEM((_DR,), jnp.int32))
  scr.extend([pltpu.SemaphoreType.DMA] * nbuf)

  def body(*refs):
    if with_deg:
      (table, srcb, dstb, zrow, i80,
       aggp, degp, idx_s, idx_d, rows, agg_sh, deg_t, i80_v) = refs[:13]
      sems = refs[13:]
    else:
      (table, srcb, dstb, zrow,
       aggp, idx_s, idx_d, rows, agg_sh) = refs[:9]
      sems = refs[9:]

    cid = lax.axis_index("c")
    sid = lax.axis_index("s")
    wid = cid * _NS + sid

    pltpu.sync_copy(zrow.at[pl.ds(0, _CK)], rows.at[0])
    @pl.loop(0, _RPS // _CK)
    def _(z):
      pltpu.sync_copy(rows.at[0],
                      agg_sh.at[pl.ds(sid * _RPS + z * _CK, _CK)])
    if with_deg:
      pltpu.sync_copy(rows.at[0, pl.ds(0, 8)],
                      agg_sh.at[pl.ds(_NPAD + sid * 8, 8)])
      pltpu.sync_copy(zrow.at[pl.ds(0, _DR)], deg_t)
      pltpu.sync_copy(i80, i80_v)
    plsc.subcore_barrier()

    ones16 = jnp.ones((16,), jnp.float32)

    def scatter_chunk(g, b):
      pltpu.sync_copy(rows.at[b], agg_sh.at[idx_d.at[g]], add=True)
      if with_deg:
        for k in range(_CK // 16):
          dv = idx_d[g, pl.ds(k * 16, 16)]
          plsc.addupdate_scatter(
              deg_t, [lax.shift_right_logical(dv, 7), dv & 127], ones16)

    @pl.loop(0, cpw // _BLK)
    def _(bo):
      pltpu.sync_copy(srcb.at[pl.ds(wid * cpw + bo * _BLK, _BLK)], idx_s)
      pltpu.sync_copy(dstb.at[pl.ds(wid * cpw + bo * _BLK, _BLK)], idx_d)

      for b in range(nbuf):
        pltpu.async_copy(table.at[idx_s.at[b]], rows.at[b], sems[b])

      @pl.loop(0, _BLK // nbuf - 1)
      def _(jo):
        for b in range(nbuf):
          g = jo * nbuf + b
          pltpu.make_async_copy(table.at[idx_s.at[g]], rows.at[b],
                                sems[b]).wait()
          scatter_chunk(g, b)
          pltpu.async_copy(table.at[idx_s.at[g + nbuf]], rows.at[b], sems[b])

      for b in range(nbuf):
        g = _BLK - nbuf + b
        pltpu.make_async_copy(table.at[idx_s.at[g]], rows.at[b],
                              sems[b]).wait()
        scatter_chunk(g, b)

    plsc.subcore_barrier()

    if with_deg:
      pltpu.sync_copy(deg_t.at[pl.ds(0, _DR)], agg_sh.at[i80_v], add=True)
      plsc.subcore_barrier()

    @pl.loop(0, _RPS // _CK)
    def _(z):
      off = sid * _RPS + z * _CK
      pltpu.sync_copy(agg_sh.at[pl.ds(off, _CK)], rows.at[0])
      pltpu.sync_copy(rows.at[0], aggp.at[pl.ds(cid * _NPAD + off, _CK)])
    if with_deg:
      @pl.when(sid < _DR // 8)
      def _():
        pltpu.sync_copy(agg_sh.at[pl.ds(_NPAD + sid * 8, 8)],
                        rows.at[1, pl.ds(0, 8)])
        pltpu.sync_copy(rows.at[1, pl.ds(0, 8)],
                        degp.at[pl.ds(cid * _DR + sid * 8, 8)])

  cp = pltpu.CompilerParams()
  if "needs_layout_passes" in pltpu.CompilerParams.__dataclass_fields__:
    cp = dataclasses.replace(cp, needs_layout_passes=False)
  return pl.kernel(body, out_type=tuple(outs), mesh=mesh,
                   scratch_types=tuple(scr), compiler_params=cp)


def _linear(x, w_t, b_row):
  m = x.shape[0]

  def body(x_ref, w_ref, b_ref, o_ref):
    o_ref[...] = (jnp.dot(x_ref[...], w_ref[...], precision=_HP)
                  + b_ref[...])

  return pl.pallas_call(
      body,
      grid=(m // _R,),
      in_specs=[
          pl.BlockSpec((_R, 128), lambda i: (i, 0)),
          pl.BlockSpec((128, 128), lambda i: (0, 0)),
          pl.BlockSpec((1, 128), lambda i: (0, 0)),
      ],
      out_specs=pl.BlockSpec((_R, 128), lambda i: (i, 0)),
      out_shape=jax.ShapeDtypeStruct((m, 128), jnp.float32),
  )(x, w_t, b_row)


def _sage_relu(p, dinv, xr, wl_t):

  def body(p_ref, d_ref, xr_ref, w_ref, o_ref):
    agg = (p_ref[0] + p_ref[1]) * d_ref[...]
    o_ref[...] = jnp.maximum(
        jnp.dot(agg, w_ref[...], precision=_HP) + xr_ref[...], 0.0)

  return pl.pallas_call(
      body,
      grid=(_NPAD // _R,),
      in_specs=[
          pl.BlockSpec((_NC, _R, 128), lambda i: (0, i, 0)),
          pl.BlockSpec((_R, 1), lambda i: (i, 0)),
          pl.BlockSpec((_R, 128), lambda i: (i, 0)),
          pl.BlockSpec((128, 128), lambda i: (0, 0)),
      ],
      out_specs=pl.BlockSpec((_R, 128), lambda i: (i, 0)),
      out_shape=jax.ShapeDtypeStruct((_NPAD, 128), jnp.float32),
  )(p, dinv, xr, wl_t)


def _sage_pool(p, dinv, hr, wl_t, batch_col):
  steps = _NPAD // _R

  def body(p_ref, d_ref, hr_ref, w_ref, b_ref, o_ref, acc, cnt):
    i = pl.program_id(0)

    @pl.when(i == 0)
    def _():
      acc[...] = jnp.zeros((_G, 128), jnp.float32)
      cnt[...] = jnp.zeros((_G, 128), jnp.float32)

    agg = (p_ref[0] + p_ref[1]) * d_ref[...]
    h2 = jnp.dot(agg, w_ref[...], precision=_HP) + hr_ref[...]
    oh = (b_ref[...] == lax.broadcasted_iota(jnp.int32, (_R, _G), 1)
          ).astype(jnp.float32)
    acc[...] += lax.dot_general(oh, h2, (((0,), (0,)), ((), ())),
                                precision=_HP)
    cnt[...] += lax.dot_general(oh, jnp.ones((_R, 128), jnp.float32),
                                (((0,), (0,)), ((), ())), precision=_HP)

    @pl.when(i == steps - 1)
    def _():
      o_ref[...] = acc[...] / jnp.maximum(cnt[...], 1.0)

  return pl.pallas_call(
      body,
      grid=(steps,),
      in_specs=[
          pl.BlockSpec((_NC, _R, 128), lambda i: (0, i, 0)),
          pl.BlockSpec((_R, 1), lambda i: (i, 0)),
          pl.BlockSpec((_R, 128), lambda i: (i, 0)),
          pl.BlockSpec((128, 128), lambda i: (0, 0)),
          pl.BlockSpec((_R, 1), lambda i: (i, 0)),
      ],
      out_specs=pl.BlockSpec((_G, 128), lambda i: (0, 0)),
      out_shape=jax.ShapeDtypeStruct((_G, 128), jnp.float32),
      scratch_shapes=[
          pltpu.VMEM((_G, 128), jnp.float32),
          pltpu.VMEM((_G, 128), jnp.float32),
      ],
  )(p, dinv, hr, wl_t, batch_col)


def kernel(x, edge_index, batch, W1_l, W1_r, b1, W2_l, W2_r, b2):
  e = edge_index.shape[1]
  cpw = -(-e // (_NW * _CK * _BLK)) * _BLK
  epad = _NW * cpw * _CK

  src = edge_index[0]
  dst = edge_index[1]
  srcb = jnp.concatenate(
      [src, jnp.zeros((epad - e,), jnp.int32)]).reshape(_NW * cpw, _CK)
  dstb = jnp.concatenate(
      [dst, jnp.full((epad - e,), _N, jnp.int32)]).reshape(_NW * cpw, _CK)

  zrow = jnp.zeros((128, 128), jnp.float32)
  i80 = _NPAD + jnp.arange(_DR, dtype=jnp.int32)

  x_pad = jnp.pad(x, ((0, _NPAD - _N), (0, 0)))
  batch_col = jnp.concatenate(
      [batch, jnp.full((_NPAD - _N,), _G, jnp.int32)]).reshape(_NPAD, 1)

  sc_l1 = _sc_agg(True, cpw, 2)
  sc_l2 = _sc_agg(False, cpw, 4)

  xr = _linear(x_pad, W1_r.T, b1.reshape(1, 128))
  aggp1, degp = sc_l1(x, srcb, dstb, zrow, i80)
  aggp1 = aggp1.reshape(_NC, _NPAD, 128)

  deg = (degp[:_DR] + degp[_DR:]).reshape(_NPAD)
  dinv = (1.0 / jnp.maximum(deg, 1.0)).reshape(_NPAD, 1)

  h1 = _sage_relu(aggp1, dinv, xr, W1_l.T)

  hr = _linear(h1, W2_r.T, b2.reshape(1, 128))
  (aggp2,) = sc_l2(h1, srcb, dstb, zrow)
  aggp2 = aggp2.reshape(_NC, _NPAD, 128)

  return _sage_pool(aggp2, dinv, hr, W2_l.T, batch_col)

# --- scband reference (transcript-rebuilt; emitter-appended) ---
"""Pipeline reference for scband-transaction-graph-model-11871289606411 (READ-ONLY COPY).

The authoritative reference and input builder live on the scoring server;
editing this copy changes nothing except your own understanding.
"""

import jax, jax.numpy as jnp
import numpy as np

N = 10000
E = 320000
D_IN = 128
D_H = 128
D_OUT = 128
G = 64


def setup_inputs(seed: int = 0) -> dict:
    key = jax.random.key(seed)
    ks = jax.random.split(key, 10)
    x = jax.random.normal(ks[0], (N, D_IN), dtype=jnp.float32)
    edge_index = jax.random.randint(ks[1], (2, E), 0, N, dtype=jnp.int32)
    batch = jnp.sort(jax.random.randint(ks[2], (N,), 0, G, dtype=jnp.int32))
    # SAGEConv params: lin_l applied to aggregated neighbors (has bias), lin_r applied to root
    s1 = 1.0 / np.sqrt(D_IN)
    s2 = 1.0 / np.sqrt(D_H)
    W1_l = jax.random.uniform(ks[3], (D_H, D_IN), jnp.float32, -s1, s1)
    W1_r = jax.random.uniform(ks[4], (D_H, D_IN), jnp.float32, -s1, s1)
    b1 = jax.random.uniform(ks[5], (D_H,), jnp.float32, -s1, s1)
    W2_l = jax.random.uniform(ks[6], (D_OUT, D_H), jnp.float32, -s2, s2)
    W2_r = jax.random.uniform(ks[7], (D_OUT, D_H), jnp.float32, -s2, s2)
    b2 = jax.random.uniform(ks[8], (D_OUT,), jnp.float32, -s2, s2)
    return {"x": x, "edge_index": edge_index, "batch": batch,
            "W1_l": W1_l, "W1_r": W1_r, "b1": b1,
            "W2_l": W2_l, "W2_r": W2_r, "b2": b2}


def reference(x, edge_index, batch, W1_l, W1_r, b1, W2_l, W2_r, b2):
    src = edge_index[0]
    dst = edge_index[1]

    def sage(h, Wl, Wr, b):
        # mean aggregation of source-node features at destination nodes
        msgs = jnp.take(h, src, axis=0)
        agg = jax.ops.segment_sum(msgs, dst, num_segments=N)
        deg = jax.ops.segment_sum(jnp.ones((E,), h.dtype), dst, num_segments=N)
        agg = agg / jnp.maximum(deg, 1.0)[:, None]
        return agg @ Wl.T + b + h @ Wr.T

    h = jax.nn.relu(sage(x, W1_l, W1_r, b1))
    h = sage(h, W2_l, W2_r, b2)

    # global_mean_pool over batch segment ids
    pooled = jax.ops.segment_sum(h, batch, num_segments=G)
    cnt = jax.ops.segment_sum(jnp.ones((N,), h.dtype), batch, num_segments=G)
    return pooled / jnp.maximum(cnt, 1.0)[:, None]

if __name__ == "__main__":
    import jax
    _d = setup_inputs()
    print(jax.jit(kernel)(*tuple(_d.values())))

</pallas_src>

<mosaic_0001>
#map = affine_map<(d0, d1) -> (0, 0)>
module attributes {stable_mosaic.version = 14 : i64} {
  func.func @body(%arg0: i32, %arg1: i32, %arg2: memref<10240x128xf32, #tpu.memory_space<hbm>>, %arg3: memref<5120x64xi32, #tpu.memory_space<hbm>>, %arg4: memref<5120x64xi32, #tpu.memory_space<hbm>>, %arg5: memref<128x128xf32, #tpu.memory_space<hbm>>, %arg6: memref<20480x128xf32, #tpu.memory_space<hbm>>, %arg7: memref<32x64xi32, #tpu.memory_space<vmem>>, %arg8: memref<32x64xi32, #tpu.memory_space<vmem>>, %arg9: memref<4x64x128xf32, #tpu.memory_space<vmem>>, %arg10: memref<10368x128xf32, #tpu.memory_space<vmem_shared>>, %arg11: memref<!tpu.dma_semaphore, #tpu.memory_space<semaphore_mem>>, %arg12: memref<!tpu.dma_semaphore, #tpu.memory_space<semaphore_mem>>, %arg13: memref<!tpu.dma_semaphore, #tpu.memory_space<semaphore_mem>>, %arg14: memref<!tpu.dma_semaphore, #tpu.memory_space<semaphore_mem>>) attributes {dimension_semantics = [#tpu.dimension_semantics<core_parallel>, #tpu.dimension_semantics<subcore_parallel>], iteration_bounds = array<i64: 2, 16>, scalar_prefetch = 0 : i64, scratch_operands = 8 : i64, tpu.core_type = #tpu.core_type<sc_vector_subcore>, window_params = [{transform_indices = #map}, {transform_indices = #map}, {transform_indices = #map}, {transform_indices = #map}, {transform_indices = #map}]} {
    %mul3A = arith.constant 16 : i32
    %mul3A_0 = arith.muli %arg0, %mul3A : i32
    %add3A = arith.addi %mul3A_0, %arg1 : i32
    %run_scoped3A = arith.constant 0 : i32
    "tpu.region"() ({
      %run_scoped3A_17 = tpu.sem_alloc : memref<!tpu.dma_semaphore, #tpu.memory_space<semaphore_mem>>
      %dma_start3A = arith.constant 0 : i32
      %dma_start3A_18 = arith.constant 0 : i32
      %dma_start3A_19 = tpu.memref_slice %arg9[%run_scoped3A, %dma_start3A, %dma_start3A_18] : memref<4x64x128xf32, #tpu.memory_space<vmem>> -> memref<1x64x128xf32, #tpu.memory_space<vmem>>
      %dma_start3A_20 = tpu.memref_squeeze %dma_start3A_19 : memref<1x64x128xf32, #tpu.memory_space<vmem>> -> memref<64x128xf32, #tpu.memory_space<vmem>>
      %dma_start3A_21 = arith.constant 0 : i32
      %dma_start3A_22 = arith.constant 0 : i32
      %dma_start3A_23 = tpu.memref_slice %arg5[%dma_start3A_21, %dma_start3A_22] : memref<128x128xf32, #tpu.memory_space<hbm>> -> memref<64x128xf32, #tpu.memory_space<hbm>>
      %dma_start3A_24 = arith.constant 0 : i32
      %dma_start3A_25 = arith.constant 0 : i32
      %dma_start3A_26 = tpu.memref_slice %arg9[%run_scoped3A, %dma_start3A_24, %dma_start3A_25] : memref<4x64x128xf32, #tpu.memory_space<vmem>> -> memref<1x64x128xf32, #tpu.memory_space<vmem>>
      %dma_start3A_27 = tpu.memref_squeeze %dma_start3A_26 : memref<1x64x128xf32, #tpu.memory_space<vmem>> -> memref<64x128xf32, #tpu.memory_space<vmem>>
      %dma_start3A_28 = arith.constant 0 : i32
      %dma_start3A_29 = arith.constant 0 : i32
      %dma_start3A_30 = tpu.memref_slice %arg5[%dma_start3A_28, %dma_start3A_29] : memref<128x128xf32, #tpu.memory_space<hbm>> -> memref<64x128xf32, #tpu.memory_space<hbm>>
      tpu.enqueue_dma source(%dma_start3A_30 : memref<64x128xf32, #tpu.memory_space<hbm>>) target(%dma_start3A_27 : memref<64x128xf32, #tpu.memory_space<vmem>>) target_semaphore(%run_scoped3A_17 : memref<!tpu.dma_semaphore, #tpu.memory_space<semaphore_mem>>)
      %dma_wait3A = arith.constant 0 : i32
      %dma_wait3A_31 = arith.constant 0 : i32
      %dma_wait3A_32 = tpu.memref_slice %arg9[%run_scoped3A, %dma_wait3A, %dma_wait3A_31] : memref<4x64x128xf32, #tpu.memory_space<vmem>> -> memref<1x64x128xf32, #tpu.memory_space<vmem>>
      %dma_wait3A_33 = tpu.memref_squeeze %dma_wait3A_32 : memref<1x64x128xf32, #tpu.memory_space<vmem>> -> memref<64x128xf32, #tpu.memory_space<vmem>>
      %dma_wait3A_34 = arith.constant 0 : i32
      %dma_wait3A_35 = arith.constant 0 : i32
      %dma_wait3A_36 = tpu.memref_slice %arg5[%dma_wait3A_34, %dma_wait3A_35] : memref<128x128xf32, #tpu.memory_space<hbm>> -> memref<64x128xf32, #tpu.memory_space<hbm>>
      %dma_wait3A_37 = arith.constant 0 : i32
      %dma_wait3A_38 = arith.constant 0 : i32
      %dma_wait3A_39 = tpu.memref_slice %arg9[%run_scoped3A, %dma_wait3A_37, %dma_wait3A_38] : memref<4x64x128xf32, #tpu.memory_space<vmem>> -> memref<1x64x128xf32, #tpu.memory_space<vmem>>
      %dma_wait3A_40 = tpu.memref_squeeze %dma_wait3A_39 : memref<1x64x128xf32, #tpu.memory_space<vmem>> -> memref<64x128xf32, #tpu.memory_space<vmem>>
      %dma_wait3A_41 = arith.constant 0 : i32
      %dma_wait3A_42 = arith.constant 0 : i32
      %dma_wait3A_43 = tpu.memref_slice %arg5[%dma_wait3A_41, %dma_wait3A_42] : memref<128x128xf32, #tpu.memory_space<hbm>> -> memref<64x128xf32, #tpu.memory_space<hbm>>
      tpu.wait_dma2 semaphore(%run_scoped3A_17 : memref<!tpu.dma_semaphore, #tpu.memory_space<semaphore_mem>>) src(%dma_wait3A_43 : memref<64x128xf32, #tpu.memory_space<hbm>>) dst(%dma_wait3A_40 : memref<64x128xf32, #tpu.memory_space<vmem>>)
      tpu.yield
    }) : () -> ()
    %scan3A = arith.constant 0 : i32
    %scan3A_1 = arith.constant 10 : i32
    %scan3A_2 = arith.addi %scan3A, %scan3A_1 : i32
    %scan3A_3 = arith.constant 1 : i32
    scf.for %scan3A_17 = %scan3A to %scan3A_2 step %scan3A_3  : i32 {
      %mul3A_18 = arith.constant 1 : i32
      %mul3A_19 = arith.muli %scan3A_17, %mul3A_18 : i32
      %add3A_20 = arith.constant 0 : i32
      %add3A_21 = arith.addi %add3A_20, %mul3A_19 : i32
      %mul3A_22 = arith.constant 640 : i32
      %mul3A_23 = arith.muli %arg1, %mul3A_22 : i32
      %mul3A_24 = arith.constant 64 : i32
      %mul3A_25 = arith.muli %add3A_21, %mul3A_24 : i32
      %add3A_26 = arith.addi %mul3A_23, %mul3A_25 : i32
      %run_scoped3A_27 = arith.constant 0 : i32
      "tpu.region"() ({
        %run_scoped3A_28 = tpu.sem_alloc : memref<!tpu.dma_semaphore, #tpu.memory_space<semaphore_mem>>
        %dma_start3A = arith.constant 0 : i32
        %dma_start3A_29 = arith.constant 0 : i32
        %dma_start3A_30 = tpu.memref_slice %arg9[%run_scoped3A_27, %dma_start3A, %dma_start3A_29] : memref<4x64x128xf32, #tpu.memory_space<vmem>> -> memref<1x64x128xf32, #tpu.memory_space<vmem>>
        %dma_start3A_31 = tpu.memref_squeeze %dma_start3A_30 : memref<1x64x128xf32, #tpu.memory_space<vmem>> -> memref<64x128xf32, #tpu.memory_space<vmem>>
        %dma_start3A_32 = arith.constant 0 : i32
        %dma_start3A_33 = tpu.memref_slice %arg10[%add3A_26, %dma_start3A_32] : memref<10368x128xf32, #tpu.memory_space<vmem_shared>> -> memref<64x128xf32, #tpu.memory_space<vmem_shared>>
        %dma_start3A_34 = arith.constant 0 : i32
        %dma_start3A_35 = tpu.memref_slice %arg10[%add3A_26, %dma_start3A_34] : memref<10368x128xf32, #tpu.memory_space<vmem_shared>> -> memref<64x128xf32, #tpu.memory_space<vmem_shared>>
        %dma_start3A_36 = arith.constant 0 : i32
        %dma_start3A_37 = arith.constant 0 : i32
        %dma_start3A_38 = tpu.memref_slice %arg9[%run_scoped3A_27, %dma_start3A_36, %dma_start3A_37] : memref<4x64x128xf32, #tpu.memory_space<vmem>> -> memref<1x64x128xf32, #tpu.memory_space<vmem>>
        %dma_start3A_39 = tpu.memref_squeeze %dma_start3A_38 : memref<1x64x128xf32, #tpu.memory_space<vmem>> -> memref<64x128xf32, #tpu.memory_space<vmem>>
        tpu.enqueue_dma source(%dma_start3A_39 : memref<64x128xf32, #tpu.memory_space<vmem>>) target(%dma_start3A_35 : memref<64x128xf32, #tpu.memory_space<vmem_shared>>) target_semaphore(%run_scoped3A_28 : memref<!tpu.dma_semaphore, #tpu.memory_space<semaphore_mem>>)
        %dma_wait3A = arith.constant 0 : i32
        %dma_wait3A_40 = arith.constant 0 : i32
        %dma_wait3A_41 = tpu.memref_slice %arg9[%run_scoped3A_27, %dma_wait3A, %dma_wait3A_40] : memref<4x64x128xf32, #tpu.memory_space<vmem>> -> memref<1x64x128xf32, #tpu.memory_space<vmem>>
        %dma_wait3A_42 = tpu.memref_squeeze %dma_wait3A_41 : memref<1x64x128xf32, #tpu.memory_space<vmem>> -> memref<64x128xf32, #tpu.memory_space<vmem>>
        %dma_wait3A_43 = arith.constant 0 : i32
        %dma_wait3A_44 = tpu.memref_slice %arg10[%add3A_26, %dma_wait3A_43] : memref<10368x128xf32, #tpu.memory_space<vmem_shared>> -> memref<64x128xf32, #tpu.memory_space<vmem_shared>>
        %dma_wait3A_45 = arith.constant 0 : i32
        %dma_wait3A_46 = tpu.memref_slice %arg10[%add3A_26, %dma_wait3A_45] : memref<10368x128xf32, #tpu.memory_space<vmem_shared>> -> memref<64x128xf32, #tpu.memory_space<vmem_shared>>
        %dma_wait3A_47 = arith.constant 0 : i32
        %dma_wait3A_48 = arith.constant 0 : i32
        %dma_wait3A_49 = tpu.memref_slice %arg9[%run_scoped3A_27, %dma_wait3A_47, %dma_wait3A_48] : memref<4x64x128xf32, #tpu.memory_space<vmem>> -> memref<1x64x128xf32, #tpu.memory_space<vmem>>
        %dma_wait3A_50 = tpu.memref_squeeze %dma_wait3A_49 : memref<1x64x128xf32, #tpu.memory_space<vmem>> -> memref<64x128xf32, #tpu.memory_space<vmem>>
        tpu.wait_dma2 semaphore(%run_scoped3A_28 : memref<!tpu.dma_semaphore, #tpu.memory_space<semaphore_mem>>) src(%dma_wait3A_50 : memref<64x128xf32, #tpu.memory_space<vmem>>) dst(%dma_wait3A_46 : memref<64x128xf32, #tpu.memory_space<vmem_shared>>)
        tpu.yield
      }) : () -> ()
    }
    %scan3A_4 = arith.constant 10 : i32
    %barrier3A = arith.constant 0 : index
    tpu.barrier barrier_id(%barrier3A)
    %broadcast_in_dim3A = arith.constant 1.000000e+00 : f32
    %broadcast_in_dim3A_5 = vector.broadcast %broadcast_in_dim3A : f32 to vector<16xf32>
    %scan3A_6 = arith.constant 0 : i32
    %scan3A_7 = arith.constant 5 : i32
    %scan3A_8 = arith.addi %scan3A_6, %scan3A_7 : i32
    %scan3A_9 = arith.constant 1 : i32
    scf.for %scan3A_17 = %scan3A_6 to %scan3A_8 step %scan3A_9  : i32 {
      %mul3A_18 = arith.constant 1 : i32
      %mul3A_19 = arith.muli %scan3A_17, %mul3A_18 : i32
      %add3A_20 = arith.constant 0 : i32
      %add3A_21 = arith.addi %add3A_20, %mul3A_19 : i32
      %mul3A_22 = arith.constant 160 : i32
      %mul3A_23 = arith.muli %add3A, %mul3A_22 : i32
      %mul3A_24 = arith.constant 32 : i32
      %mul3A_25 = arith.muli %add3A_21, %mul3A_24 : i32
      %add3A_26 = arith.addi %mul3A_23, %mul3A_25 : i32
      "tpu.region"() ({
        %run_scoped3A_139 = tpu.sem_alloc : memref<!tpu.dma_semaphore, #tpu.memory_space<semaphore_mem>>
        %dma_start3A_140 = arith.constant 0 : i32
        %dma_start3A_141 = tpu.memref_slice %arg3[%add3A_26, %dma_start3A_140] : memref<5120x64xi32, #tpu.memory_space<hbm>> -> memref<32x64xi32, #tpu.memory_space<hbm>>
        %dma_start3A_142 = arith.constant 0 : i32
        %dma_start3A_143 = tpu.memref_slice %arg3[%add3A_26, %dma_start3A_142] : memref<5120x64xi32, #tpu.memory_space<hbm>> -> memref<32x64xi32, #tpu.memory_space<hbm>>
        tpu.enqueue_dma source(%dma_start3A_143 : memref<32x64xi32, #tpu.memory_space<hbm>>) target(%arg7 : memref<32x64xi32, #tpu.memory_space<vmem>>) target_semaphore(%run_scoped3A_139 : memref<!tpu.dma_semaphore, #tpu.memory_space<semaphore_mem>>)
        %dma_wait3A_144 = arith.constant 0 : i32
        %dma_wait3A_145 = tpu.memref_slice %arg3[%add3A_26, %dma_wait3A_144] : memref<5120x64xi32, #tpu.memory_space<hbm>> -> memref<32x64xi32, #tpu.memory_space<hbm>>
        %dma_wait3A_146 = arith.constant 0 : i32
        %dma_wait3A_147 = tpu.memref_slice %arg3[%add3A_26, %dma_wait3A_146] : memref<5120x64xi32, #tpu.memory_space<hbm>> -> memref<32x64xi32, #tpu.memory_space<hbm>>
        tpu.wait_dma2 semaphore(%run_scoped3A_139 : memref<!tpu.dma_semaphore, #tpu.memory_space<semaphore_mem>>) src(%dma_wait3A_147 : memref<32x64xi32, #tpu.memory_space<hbm>>) dst(%arg7 : memref<32x64xi32, #tpu.memory_space<vmem>>)
        tpu.yield
      }) : () -> ()
      %mul3A_27 = arith.constant 160 : i32
      %mul3A_28 = arith.muli %add3A, %mul3A_27 : i32
      %mul3A_29 = arith.constant 32 : i32
      %mul3A_30 = arith.muli %add3A_21, %mul3A_29 : i32
      %add3A_31 = arith.addi %mul3A_28, %mul3A_30 : i32
      "tpu.region"() ({
        %run_scoped3A_139 = tpu.sem_alloc : memref<!tpu.dma_semaphore, #tpu.memory_space<semaphore_mem>>
        %dma_start3A_140 = arith.constant 0 : i32
        %dma_start3A_141 = tpu.memref_slice %arg4[%add3A_31, %dma_start3A_140] : memref<5120x64xi32, #tpu.memory_space<hbm>> -> memref<32x64xi32, #tpu.memory_space<hbm>>
        %dma_start3A_142 = arith.constant 0 : i32
        %dma_start3A_143 = tpu.memref_slice %arg4[%add3A_31, %dma_start3A_142] : memref<5120x64xi32, #tpu.memory_space<hbm>> -> memref<32x64xi32, #tpu.memory_space<hbm>>
        tpu.enqueue_dma source(%dma_start3A_143 : memref<32x64xi32, #tpu.memory_space<hbm>>) target(%arg8 : memref<32x64xi32, #tpu.memory_space<vmem>>) target_semaphore(%run_scoped3A_139 : memref<!tpu.dma_semaphore, #tpu.memory_space<semaphore_mem>>)
        %dma_wait3A_144 = arith.constant 0 : i32
        %dma_wait3A_145 = tpu.memref_slice %arg4[%add3A_31, %dma_wait3A_144] : memref<5120x64xi32, #tpu.memory_space<hbm>> -> memref<32x64xi32, #tpu.memory_space<hbm>>
        %dma_wait3A_146 = arith.constant 0 : i32
        %dma_wait3A_147 = tpu.memref_slice %arg4[%add3A_31, %dma_wait3A_146] : memref<5120x64xi32, #tpu.memory_space<hbm>> -> memref<32x64xi32, #tpu.memory_space<hbm>>
        tpu.wait_dma2 semaphore(%run_scoped3A_139 : memref<!tpu.dma_semaphore, #tpu.memory_space<semaphore_mem>>) src(%dma_wait3A_147 : memref<32x64xi32, #tpu.memory_space<hbm>>) dst(%arg8 : memref<32x64xi32, #tpu.memory_space<vmem>>)
        tpu.yield
      }) : () -> ()
      %dma_start3A = arith.constant 0 : i32
      %dma_start3A_32 = arith.constant 0 : i32
      %dma_start3A_33 = arith.constant 0 : i32
      %dma_start3A_34 = arith.constant 0 : i32
      %dma_start3A_35 = tpu.memref_slice %arg9[%dma_start3A_32, %dma_start3A_33, %dma_start3A_34] : memref<4x64x128xf32, #tpu.memory_space<vmem>> -> memref<1x64x128xf32, #tpu.memory_space<vmem>>
      %dma_start3A_36 = tpu.memref_squeeze %dma_start3A_35 : memref<1x64x128xf32, #tpu.memory_space<vmem>> -> memref<64x128xf32, #tpu.memory_space<vmem>>
      %dma_start3A_37 = arith.constant 0 : i32
      %dma_start3A_38 = tpu.memref_slice %arg7[%dma_start3A, %dma_start3A_37] : memref<32x64xi32, #tpu.memory_space<vmem>> -> memref<1x64xi32, #tpu.memory_space<vmem>>
      %dma_start3A_39 = tpu.memref_squeeze %dma_start3A_38 : memref<1x64xi32, #tpu.memory_space<vmem>> -> memref<64xi32, #tpu.memory_space<vmem>>
      %dma_start3A_40 = arith.constant 0 : i32
      %dma_start3A_41 = arith.constant 0 : i32
      %dma_start3A_42 = tpu.memref_slice %arg2[%dma_start3A_40, %dma_start3A_41] : memref<10240x128xf32, #tpu.memory_space<hbm>> -> memref<10240x128xf32, #tpu.memory_space<hbm>>
      tpu.enqueue_indirect_dma source(%dma_start3A_42 : memref<10240x128xf32, #tpu.memory_space<hbm>>) target(%dma_start3A_36 : memref<64x128xf32, #tpu.memory_space<vmem>>) offsets(%dma_start3A_39 : memref<64xi32, #tpu.memory_space<vmem>>) semaphore(%arg11 : memref<!tpu.dma_semaphore, #tpu.memory_space<semaphore_mem>>)
      %dma_start3A_43 = arith.constant 1 : i32
      %dma_start3A_44 = arith.constant 1 : i32
      %dma_start3A_45 = arith.constant 0 : i32
      %dma_start3A_46 = arith.constant 0 : i32
      %dma_start3A_47 = tpu.memref_slice %arg9[%dma_start3A_44, %dma_start3A_45, %dma_start3A_46] : memref<4x64x128xf32, #tpu.memory_space<vmem>> -> memref<1x64x128xf32, #tpu.memory_space<vmem>>
      %dma_start3A_48 = tpu.memref_squeeze %dma_start3A_47 : memref<1x64x128xf32, #tpu.memory_space<vmem>> -> memref<64x128xf32, #tpu.memory_space<vmem>>
      %dma_start3A_49 = arith.constant 0 : i32
      %dma_start3A_50 = tpu.memref_slice %arg7[%dma_start3A_43, %dma_start3A_49] : memref<32x64xi32, #tpu.memory_space<vmem>> -> memref<1x64xi32, #tpu.memory_space<vmem>>
      %dma_start3A_51 = tpu.memref_squeeze %dma_start3A_50 : memref<1x64xi32, #tpu.memory_space<vmem>> -> memref<64xi32, #tpu.memory_space<vmem>>
      %dma_start3A_52 = arith.constant 0 : i32
      %dma_start3A_53 = arith.constant 0 : i32
      %dma_start3A_54 = tpu.memref_slice %arg2[%dma_start3A_52, %dma_start3A_53] : memref<10240x128xf32, #tpu.memory_space<hbm>> -> memref<10240x128xf32, #tpu.memory_space<hbm>>
      tpu.enqueue_indirect_dma source(%dma_start3A_54 : memref<10240x128xf32, #tpu.memory_space<hbm>>) target(%dma_start3A_48 : memref<64x128xf32, #tpu.memory_space<vmem>>) offsets(%dma_start3A_51 : memref<64xi32, #tpu.memory_space<vmem>>) semaphore(%arg12 : memref<!tpu.dma_semaphore, #tpu.memory_space<semaphore_mem>>)
      %dma_start3A_55 = arith.constant 2 : i32
      %dma_start3A_56 = arith.constant 2 : i32
      %dma_start3A_57 = arith.constant 0 : i32
      %dma_start3A_58 = arith.constant 0 : i32
      %dma_start3A_59 = tpu.memref_slice %arg9[%dma_start3A_56, %dma_start3A_57, %dma_start3A_58] : memref<4x64x128xf32, #tpu.memory_space<vmem>> -> memref<1x64x128xf32, #tpu.memory_space<vmem>>
      %dma_start3A_60 = tpu.memref_squeeze %dma_start3A_59 : memref<1x64x128xf32, #tpu.memory_space<vmem>> -> memref<64x128xf32, #tpu.memory_space<vmem>>
      %dma_start3A_61 = arith.constant 0 : i32
      %dma_start3A_62 = tpu.memref_slice %arg7[%dma_start3A_55, %dma_start3A_61] : memref<32x64xi32, #tpu.memory_space<vmem>> -> memref<1x64xi32, #tpu.memory_space<vmem>>
      %dma_start3A_63 = tpu.memref_squeeze %dma_start3A_62 : memref<1x64xi32, #tpu.memory_space<vmem>> -> memref<64xi32, #tpu.memory_space<vmem>>
      %dma_start3A_64 = arith.constant 0 : i32
      %dma_start3A_65 = arith.constant 0 : i32
      %dma_start3A_66 = tpu.memref_slice %arg2[%dma_start3A_64, %dma_start3A_65] : memref<10240x128xf32, #tpu.memory_space<hbm>> -> memref<10240x128xf32, #tpu.memory_space<hbm>>
      tpu.enqueue_indirect_dma source(%dma_start3A_66 : memref<10240x128xf32, #tpu.memory_space<hbm>>) target(%dma_start3A_60 : memref<64x128xf32, #tpu.memory_space<vmem>>) offsets(%dma_start3A_63 : memref<64xi32, #tpu.memory_space<vmem>>) semaphore(%arg13 : memref<!tpu.dma_semaphore, #tpu.memory_space<semaphore_mem>>)
      %dma_start3A_67 = arith.constant 3 : i32
      %dma_start3A_68 = arith.constant 3 : i32
      %dma_start3A_69 = arith.constant 0 : i32
      %dma_start3A_70 = arith.constant 0 : i32
      %dma_start3A_71 = tpu.memref_slice %arg9[%dma_start3A_68, %dma_start3A_69, %dma_start3A_70] : memref<4x64x128xf32, #tpu.memory_space<vmem>> -> memref<1x64x128xf32, #tpu.memory_space<vmem>>
      %dma_start3A_72 = tpu.memref_squeeze %dma_start3A_71 : memref<1x64x128xf32, #tpu.memory_space<vmem>> -> memref<64x128xf32, #tpu.memory_space<vmem>>
      %dma_start3A_73 = arith.constant 0 : i32
      %dma_start3A_74 = tpu.memref_slice %arg7[%dma_start3A_67, %dma_start3A_73] : memref<32x64xi32, #tpu.memory_space<vmem>> -> memref<1x64xi32, #tpu.memory_space<vmem>>
      %dma_start3A_75 = tpu.memref_squeeze %dma_start3A_74 : memref<1x64xi32, #tpu.memory_space<vmem>> -> memref<64xi32, #tpu.memory_space<vmem>>
      %dma_start3A_76 = arith.constant 0 : i32
      %dma_start3A_77 = arith.constant 0 : i32
      %dma_start3A_78 = tpu.memref_slice %arg2[%dma_start3A_76, %dma_start3A_77] : memref<10240x128xf32, #tpu.memory_space<hbm>> -> memref<10240x128xf32, #tpu.memory_space<hbm>>
      tpu.enqueue_indirect_dma source(%dma_start3A_78 : memref<10240x128xf32, #tpu.memory_space<hbm>>) target(%dma_start3A_72 : memref<64x128xf32, #tpu.memory_space<vmem>>) offsets(%dma_start3A_75 : memref<64xi32, #tpu.memory_space<vmem>>) semaphore(%arg14 : memref<!tpu.dma_semaphore, #tpu.memory_space<semaphore_mem>>)
      %scan3A_79 = arith.constant 0 : i32
      %scan3A_80 = arith.constant 7 : i32
      %scan3A_81 = arith.addi %scan3A_79, %scan3A_80 : i32
      %scan3A_82 = arith.constant 1 : i32
      scf.for %scan3A_139 = %scan3A_79 to %scan3A_81 step %scan3A_82  : i32 {
        %mul3A_140 = arith.constant 1 : i32
        %mul3A_141 = arith.muli %scan3A_139, %mul3A_140 : i32
        %add3A_142 = arith.constant 0 : i32
        %add3A_143 = arith.addi %add3A_142, %mul3A_141 : i32
        %mul3A_144 = arith.constant 4 : i32
        %mul3A_145 = arith.muli %add3A_143, %mul3A_144 : i32
        %add3A_146 = arith.constant 0 : i32
        %add3A_147 = arith.addi %mul3A_145, %add3A_146 : i32
        %dma_wait3A_148 = arith.constant 0 : i32
        %dma_wait3A_149 = arith.constant 0 : i32
        %dma_wait3A_150 = arith.constant 0 : i32
        %dma_wait3A_151 = tpu.memref_slice %arg9[%dma_wait3A_148, %dma_wait3A_149, %dma_wait3A_150] : memref<4x64x128xf32, #tpu.memory_space<vmem>> -> memref<1x64x128xf32, #tpu.memory_space<vmem>>
        %dma_wait3A_152 = tpu.memref_squeeze %dma_wait3A_151 : memref<1x64x128xf32, #tpu.memory_space<vmem>> -> memref<64x128xf32, #tpu.memory_space<vmem>>
        %dma_wait3A_153 = arith.constant 0 : i32
        %dma_wait3A_154 = tpu.memref_slice %arg7[%add3A_147, %dma_wait3A_153] : memref<32x64xi32, #tpu.memory_space<vmem>> -> memref<1x64xi32, #tpu.memory_space<vmem>>
        %dma_wait3A_155 = tpu.memref_squeeze %dma_wait3A_154 : memref<1x64xi32, #tpu.memory_space<vmem>> -> memref<64xi32, #tpu.memory_space<vmem>>
        %dma_wait3A_156 = arith.constant 0 : i32
        %dma_wait3A_157 = arith.constant 0 : i32
        %dma_wait3A_158 = tpu.memref_slice %arg2[%dma_wait3A_156, %dma_wait3A_157] : memref<10240x128xf32, #tpu.memory_space<hbm>> -> memref<10240x128xf32, #tpu.memory_space<hbm>>
        tpu.wait_indirect_dma semaphore(%arg11 : memref<!tpu.dma_semaphore, #tpu.memory_space<semaphore_mem>>) src(%dma_wait3A_158 : memref<10240x128xf32, #tpu.memory_space<hbm>>) dst(%dma_wait3A_152 : memref<64x128xf32, #tpu.memory_space<vmem>>)
        %run_scoped3A_159 = arith.constant 0 : i32
        "tpu.region"() ({
          %run_scoped3A_260 = tpu.sem_alloc : memref<!tpu.dma_semaphore, #tpu.memory_space<semaphore_mem>>
          %dma_start3A_261 = arith.constant 0 : i32
          %dma_start3A_262 = arith.constant 0 : i32
          %dma_start3A_263 = tpu.memref_slice %arg9[%run_scoped3A_159, %dma_start3A_261, %dma_start3A_262] : memref<4x64x128xf32, #tpu.memory_space<vmem>> -> memref<1x64x128xf32, #tpu.memory_space<vmem>>
          %dma_start3A_264 = tpu.memref_squeeze %dma_start3A_263 : memref<1x64x128xf32, #tpu.memory_space<vmem>> -> memref<64x128xf32, #tpu.memory_space<vmem>>
          %dma_start3A_265 = arith.constant 0 : i32
          %dma_start3A_266 = tpu.memref_slice %arg8[%add3A_147, %dma_start3A_265] : memref<32x64xi32, #tpu.memory_space<vmem>> -> memref<1x64xi32, #tpu.memory_space<vmem>>
          %dma_start3A_267 = tpu.memref_squeeze %dma_start3A_266 : memref<1x64xi32, #tpu.memory_space<vmem>> -> memref<64xi32, #tpu.memory_space<vmem>>
          %dma_start3A_268 = arith.constant 0 : i32
          %dma_start3A_269 = arith.constant 0 : i32
          %dma_start3A_270 = tpu.memref_slice %arg10[%dma_start3A_268, %dma_start3A_269] : memref<10368x128xf32, #tpu.memory_space<vmem_shared>> -> memref<10368x128xf32, #tpu.memory_space<vmem_shared>>
          tpu.enqueue_indirect_dma source(%dma_start3A_264 : memref<64x128xf32, #tpu.memory_space<vmem>>) target(%dma_start3A_270 : memref<10368x128xf32, #tpu.memory_space<vmem_shared>>) offsets(%dma_start3A_267 : memref<64xi32, #tpu.memory_space<vmem>>) semaphore(%run_scoped3A_260 : memref<!tpu.dma_semaphore, #tpu.memory_space<semaphore_mem>>) {add = true}
          %dma_wait3A_271 = arith.constant 0 : i32
          %dma_wait3A_272 = arith.constant 0 : i32
          %dma_wait3A_273 = tpu.memref_slice %arg9[%run_scoped3A_159, %dma_wait3A_271, %dma_wait3A_272] : memref<4x64x128xf32, #tpu.memory_space<vmem>> -> memref<1x64x128xf32, #tpu.memory_space<vmem>>
          %dma_wait3A_274 = tpu.memref_squeeze %dma_wait3A_273 : memref<1x64x128xf32, #tpu.memory_space<vmem>> -> memref<64x128xf32, #tpu.memory_space<vmem>>
          %dma_wait3A_275 = arith.constant 0 : i32
          %dma_wait3A_276 = tpu.memref_slice %arg8[%add3A_147, %dma_wait3A_275] : memref<32x64xi32, #tpu.memory_space<vmem>> -> memref<1x64xi32, #tpu.memory_space<vmem>>
          %dma_wait3A_277 = tpu.memref_squeeze %dma_wait3A_276 : memref<1x64xi32, #tpu.memory_space<vmem>> -> memref<64xi32, #tpu.memory_space<vmem>>
          %dma_wait3A_278 = arith.constant 0 : i32
          %dma_wait3A_279 = arith.constant 0 : i32
          %dma_wait3A_280 = tpu.memref_slice %arg10[%dma_wait3A_278, %dma_wait3A_279] : memref<10368x128xf32, #tpu.memory_space<vmem_shared>> -> memref<10368x128xf32, #tpu.memory_space<vmem_shared>>
          tpu.wait_indirect_dma semaphore(%run_scoped3A_260 : memref<!tpu.dma_semaphore, #tpu.memory_space<semaphore_mem>>) src(%dma_wait3A_274 : memref<64x128xf32, #tpu.memory_space<vmem>>) dst(%dma_wait3A_280 : memref<10368x128xf32, #tpu.memory_space<vmem_shared>>)
          tpu.yield
        }) : () -> ()
        %add3A_160 = arith.constant 4 : i32
        %add3A_161 = arith.addi %add3A_147, %add3A_160 : i32
        %dma_start3A_162 = arith.constant 0 : i32
        %dma_start3A_163 = arith.constant 0 : i32
        %dma_start3A_164 = arith.constant 0 : i32
        %dma_start3A_165 = tpu.memref_slice %arg9[%dma_start3A_162, %dma_start3A_163, %dma_start3A_164] : memref<4x64x128xf32, #tpu.memory_space<vmem>> -> memref<1x64x128xf32, #tpu.memory_space<vmem>>
        %dma_start3A_166 = tpu.memref_squeeze %dma_start3A_165 : memref<1x64x128xf32, #tpu.memory_space<vmem>> -> memref<64x128xf32, #tpu.memory_space<vmem>>
        %dma_start3A_167 = arith.constant 0 : i32
        %dma_start3A_168 = tpu.memref_slice %arg7[%add3A_161, %dma_start3A_167] : memref<32x64xi32, #tpu.memory_space<vmem>> -> memref<1x64xi32, #tpu.memory_space<vmem>>
        %dma_start3A_169 = tpu.memref_squeeze %dma_start3A_168 : memref<1x64xi32, #tpu.memory_space<vmem>> -> memref<64xi32, #tpu.memory_space<vmem>>
        %dma_start3A_170 = arith.constant 0 : i32
        %dma_start3A_171 = arith.constant 0 : i32
        %dma_start3A_172 = tpu.memref_slice %arg2[%dma_start3A_170, %dma_start3A_171] : memref<10240x128xf32, #tpu.memory_space<hbm>> -> memref<10240x128xf32, #tpu.memory_space<hbm>>
        tpu.enqueue_indirect_dma source(%dma_start3A_172 : memref<10240x128xf32, #tpu.memory_space<hbm>>) target(%dma_start3A_166 : memref<64x128xf32, #tpu.memory_space<vmem>>) offsets(%dma_start3A_169 : memref<64xi32, #tpu.memory_space<vmem>>) semaphore(%arg11 : memref<!tpu.dma_semaphore, #tpu.memory_space<semaphore_mem>>)
        %mul3A_173 = arith.constant 4 : i32
        %mul3A_174 = arith.muli %add3A_143, %mul3A_173 : i32
        %add3A_175 = arith.constant 1 : i32
        %add3A_176 = arith.addi %mul3A_174, %add3A_175 : i32
        %dma_wait3A_177 = arith.constant 1 : i32
        %dma_wait3A_178 = arith.constant 0 : i32
        %dma_wait3A_179 = arith.constant 0 : i32
        %dma_wait3A_180 = tpu.memref_slice %arg9[%dma_wait3A_177, %dma_wait3A_178, %dma_wait3A_179] : memref<4x64x128xf32, #tpu.memory_space<vmem>> -> memref<1x64x128xf32, #tpu.memory_space<vmem>>
        %dma_wait3A_181 = tpu.memref_squeeze %dma_wait3A_180 : memref<1x64x128xf32, #tpu.memory_space<vmem>> -> memref<64x128xf32, #tpu.memory_space<vmem>>
        %dma_wait3A_182 = arith.constant 0 : i32
        %dma_wait3A_183 = tpu.memref_slice %arg7[%add3A_176, %dma_wait3A_182] : memref<32x64xi32, #tpu.memory_space<vmem>> -> memref<1x64xi32, #tpu.memory_space<vmem>>
        %dma_wait3A_184 = tpu.memref_squeeze %dma_wait3A_183 : memref<1x64xi32, #tpu.memory_space<vmem>> -> memref<64xi32, #tpu.memory_space<vmem>>
        %dma_wait3A_185 = arith.constant 0 : i32
        %dma_wait3A_186 = arith.constant 0 : i32
        %dma_wait3A_187 = tpu.memref_slice %arg2[%dma_wait3A_185, %dma_wait3A_186] : memref<10240x128xf32, #tpu.memory_space<hbm>> -> memref<10240x128xf32, #tpu.memory_space<hbm>>
        tpu.wait_indirect_dma semaphore(%arg12 : memref<!tpu.dma_semaphore, #tpu.memory_space<semaphore_mem>>) src(%dma_wait3A_187 : memref<10240x128xf32, #tpu.memory_space<hbm>>) dst(%dma_wait3A_181 : memref<64x128xf32, #tpu.memory_space<vmem>>)
        %run_scoped3A_188 = arith.constant 1 : i32
        "tpu.region"() ({
          %run_scoped3A_260 = tpu.sem_alloc : memref<!tpu.dma_semaphore, #tpu.memory_space<semaphore_mem>>
          %dma_start3A_261 = arith.constant 0 : i32
          %dma_start3A_262 = arith.constant 0 : i32
          %dma_start3A_263 = tpu.memref_slice %arg9[%run_scoped3A_188, %dma_start3A_261, %dma_start3A_262] : memref<4x64x128xf32, #tpu.memory_space<vmem>> -> memref<1x64x128xf32, #tpu.memory_space<vmem>>
          %dma_start3A_264 = tpu.memref_squeeze %dma_start3A_263 : memref<1x64x128xf32, #tpu.memory_space<vmem>> -> memref<64x128xf32, #tpu.memory_space<vmem>>
          %dma_start3A_265 = arith.constant 0 : i32
          %dma_start3A_266 = tpu.memref_slice %arg8[%add3A_176, %dma_start3A_265] : memref<32x64xi32, #tpu.memory_space<vmem>> -> memref<1x64xi32, #tpu.memory_space<vmem>>
          %dma_start3A_267 = tpu.memref_squeeze %dma_start3A_266 : memref<1x64xi32, #tpu.memory_space<vmem>> -> memref<64xi32, #tpu.memory_space<vmem>>
          %dma_start3A_268 = arith.constant 0 : i32
          %dma_start3A_269 = arith.constant 0 : i32
          %dma_start3A_270 = tpu.memref_slice %arg10[%dma_start3A_268, %dma_start3A_269] : memref<10368x128xf32, #tpu.memory_space<vmem_shared>> -> memref<10368x128xf32, #tpu.memory_space<vmem_shared>>
          tpu.enqueue_indirect_dma source(%dma_start3A_264 : memref<64x128xf32, #tpu.memory_space<vmem>>) target(%dma_start3A_270 : memref<10368x128xf32, #tpu.memory_space<vmem_shared>>) offsets(%dma_start3A_267 : memref<64xi32, #tpu.memory_space<vmem>>) semaphore(%run_scoped3A_260 : memref<!tpu.dma_semaphore, #tpu.memory_space<semaphore_mem>>) {add = true}
          %dma_wait3A_271 = arith.constant 0 : i32
          %dma_wait3A_272 = arith.constant 0 : i32
          %dma_wait3A_273 = tpu.memref_slice %arg9[%run_scoped3A_188, %dma_wait3A_271, %dma_wait3A_272] : memref<4x64x128xf32, #tpu.memory_space<vmem>> -> memref<1x64x128xf32, #tpu.memory_space<vmem>>
          %dma_wait3A_274 = tpu.memref_squeeze %dma_wait3A_273 : memref<1x64x128xf32, #tpu.memory_space<vmem>> -> memref<64x128xf32, #tpu.memory_space<vmem>>
          %dma_wait3A_275 = arith.constant 0 : i32
          %dma_wait3A_276 = tpu.memref_slice %arg8[%add3A_176, %dma_wait3A_275] : memref<32x64xi32, #tpu.memory_space<vmem>> -> memref<1x64xi32, #tpu.memory_space<vmem>>
          %dma_wait3A_277 = tpu.memref_squeeze %dma_wait3A_276 : memref<1x64xi32, #tpu.memory_space<vmem>> -> memref<64xi32, #tpu.memory_space<vmem>>
          %dma_wait3A_278 = arith.constant 0 : i32
          %dma_wait3A_279 = arith.constant 0 : i32
          %dma_wait3A_280 = tpu.memref_slice %arg10[%dma_wait3A_278, %dma_wait3A_279] : memref<10368x128xf32, #tpu.memory_space<vmem_shared>> -> memref<10368x128xf32, #tpu.memory_space<vmem_shared>>
          tpu.wait_indirect_dma semaphore(%run_scoped3A_260 : memref<!tpu.dma_semaphore, #tpu.memory_space<semaphore_mem>>) src(%dma_wait3A_274 : memref<64x128xf32, #tpu.memory_space<vmem>>) dst(%dma_wait3A_280 : memref<10368x128xf32, #tpu.memory_space<vmem_shared>>)
          tpu.yield
        }) : () -> ()
        %add3A_189 = arith.constant 4 : i32
        %add3A_190 = arith.addi %add3A_176, %add3A_189 : i32
        %dma_start3A_191 = arith.constant 1 : i32
        %dma_start3A_192 = arith.constant 0 : i32
        %dma_start3A_193 = arith.constant 0 : i32
        %dma_start3A_194 = tpu.memref_slice %arg9[%dma_start3A_191, %dma_start3A_192, %dma_start3A_193] : memref<4x64x128xf32, #tpu.memory_space<vmem>> -> memref<1x64x128xf32, #tpu.memory_space<vmem>>
        %dma_start3A_195 = tpu.memref_squeeze %dma_start3A_194 : memref<1x64x128xf32, #tpu.memory_space<vmem>> -> memref<64x128xf32, #tpu.memory_space<vmem>>
        %dma_start3A_196 = arith.constant 0 : i32
        %dma_start3A_197 = tpu.memref_slice %arg7[%add3A_190, %dma_start3A_196] : memref<32x64xi32, #tpu.memory_space<vmem>> -> memref<1x64xi32, #tpu.memory_space<vmem>>
        %dma_start3A_198 = tpu.memref_squeeze %dma_start3A_197 : memref<1x64xi32, #tpu.memory_space<vmem>> -> memref<64xi32, #tpu.memory_space<vmem>>
        %dma_start3A_199 = arith.constant 0 : i32
        %dma_start3A_200 = arith.constant 0 : i32
        %dma_start3A_201 = tpu.memref_slice %arg2[%dma_start3A_199, %dma_start3A_200] : memref<10240x128xf32, #tpu.memory_space<hbm>> -> memref<10240x128xf32, #tpu.memory_space<hbm>>
        tpu.enqueue_indirect_dma source(%dma_start3A_201 : memref<10240x128xf32, #tpu.memory_space<hbm>>) target(%dma_start3A_195 : memref<64x128xf32, #tpu.memory_space<vmem>>) offsets(%dma_start3A_198 : memref<64xi32, #tpu.memory_space<vmem>>) semaphore(%arg12 : memref<!tpu.dma_semaphore, #tpu.memory_space<semaphore_mem>>)
        %mul3A_202 = arith.constant 4 : i32
        %mul3A_203 = arith.muli %add3A_143, %mul3A_202 : i32
        %add3A_204 = arith.constant 2 : i32
        %add3A_205 = arith.addi %mul3A_203, %add3A_204 : i32
        %dma_wait3A_206 = arith.constant 2 : i32
        %dma_wait3A_207 = arith.constant 0 : i32
        %dma_wait3A_208 = arith.constant 0 : i32
        %dma_wait3A_209 = tpu.memref_slice %arg9[%dma_wait3A_206, %dma_wait3A_207, %dma_wait3A_208] : memref<4x64x128xf32, #tpu.memory_space<vmem>> -> memref<1x64x128xf32, #tpu.memory_space<vmem>>
        %dma_wait3A_210 = tpu.memref_squeeze %dma_wait3A_209 : memref<1x64x128xf32, #tpu.memory_space<vmem>> -> memref<64x128xf32, #tpu.memory_space<vmem>>
        %dma_wait3A_211 = arith.constant 0 : i32
        %dma_wait3A_212 = tpu.memref_slice %arg7[%add3A_205, %dma_wait3A_211] : memref<32x64xi32, #tpu.memory_space<vmem>> -> memref<1x64xi32, #tpu.memory_space<vmem>>
        %dma_wait3A_213 = tpu.memref_squeeze %dma_wait3A_212 : memref<1x64xi32, #tpu.memory_space<vmem>> -> memref<64xi32, #tpu.memory_space<vmem>>
        %dma_wait3A_214 = arith.constant 0 : i32
        %dma_wait3A_215 = arith.constant 0 : i32
        %dma_wait3A_216 = tpu.memref_slice %arg2[%dma_wait3A_214, %dma_wait3A_215] : memref<10240x128xf32, #tpu.memory_space<hbm>> -> memref<10240x128xf32, #tpu.memory_space<hbm>>
        tpu.wait_indirect_dma semaphore(%arg13 : memref<!tpu.dma_semaphore, #tpu.memory_space<semaphore_mem>>) src(%dma_wait3A_216 : memref<10240x128xf32, #tpu.memory_space<hbm>>) dst(%dma_wait3A_210 : memref<64x128xf32, #tpu.memory_space<vmem>>)
        %run_scoped3A_217 = arith.constant 2 : i32
        "tpu.region"() ({
          %run_scoped3A_260 = tpu.sem_alloc : memref<!tpu.dma_semaphore, #tpu.memory_space<semaphore_mem>>
          %dma_start3A_261 = arith.constant 0 : i32
          %dma_start3A_262 = arith.constant 0 : i32
          %dma_start3A_263 = tpu.memref_slice %arg9[%run_scoped3A_217, %dma_start3A_261, %dma_start3A_262] : memref<4x64x128xf32, #tpu.memory_space<vmem>> -> memref<1x64x128xf32, #tpu.memory_space<vmem>>
          %dma_start3A_264 = tpu.memref_squeeze %dma_start3A_263 : memref<1x64x128xf32, #tpu.memory_space<vmem>> -> memref<64x128xf32, #tpu.memory_space<vmem>>
          %dma_start3A_265 = arith.constant 0 : i32
          %dma_start3A_266 = tpu.memref_slice %arg8[%add3A_205, %dma_start3A_265] : memref<32x64xi32, #tpu.memory_space<vmem>> -> memref<1x64xi32, #tpu.memory_space<vmem>>
          %dma_start3A_267 = tpu.memref_squeeze %dma_start3A_266 : memref<1x64xi32, #tpu.memory_space<vmem>> -> memref<64xi32, #tpu.memory_space<vmem>>
          %dma_start3A_268 = arith.constant 0 : i32
          %dma_start3A_269 = arith.constant 0 : i32
          %dma_start3A_270 = tpu.memref_slice %arg10[%dma_start3A_268, %dma_start3A_269] : memref<10368x128xf32, #tpu.memory_space<vmem_shared>> -> memref<10368x128xf32, #tpu.memory_space<vmem_shared>>
          tpu.enqueue_indirect_dma source(%dma_start3A_264 : memref<64x128xf32, #tpu.memory_space<vmem>>) target(%dma_start3A_270 : memref<10368x128xf32, #tpu.memory_space<vmem_shared>>) offsets(%dma_start3A_267 : memref<64xi32, #tpu.memory_space<vmem>>) semaphore(%run_scoped3A_260 : memref<!tpu.dma_semaphore, #tpu.memory_space<semaphore_mem>>) {add = true}
          %dma_wait3A_271 = arith.constant 0 : i32
          %dma_wait3A_272 = arith.constant 0 : i32
          %dma_wait3A_273 = tpu.memref_slice %arg9[%run_scoped3A_217, %dma_wait3A_271, %dma_wait3A_272] : memref<4x64x128xf32, #tpu.memory_space<vmem>> -> memref<1x64x128xf32, #tpu.memory_space<vmem>>
          %dma_wait3A_274 = tpu.memref_squeeze %dma_wait3A_273 : memref<1x64x128xf32, #tpu.memory_space<vmem>> -> memref<64x128xf32, #tpu.memory_space<vmem>>
          %dma_wait3A_275 = arith.constant 0 : i32
          %dma_wait3A_276 = tpu.memref_slice %arg8[%add3A_205, %dma_wait3A_275] : memref<32x64xi32, #tpu.memory_space<vmem>> -> memref<1x64xi32, #tpu.memory_space<vmem>>
          %dma_wait3A_277 = tpu.memref_squeeze %dma_wait3A_276 : memref<1x64xi32, #tpu.memory_space<vmem>> -> memref<64xi32, #tpu.memory_space<vmem>>
          %dma_wait3A_278 = arith.constant 0 : i32
          %dma_wait3A_279 = arith.constant 0 : i32
          %dma_wait3A_280 = tpu.memref_slice %arg10[%dma_wait3A_278, %dma_wait3A_279] : memref<10368x128xf32, #tpu.memory_space<vmem_shared>> -> memref<10368x128xf32, #tpu.memory_space<vmem_shared>>
          tpu.wait_indirect_dma semaphore(%run_scoped3A_260 : memref<!tpu.dma_semaphore, #tpu.memory_space<semaphore_mem>>) src(%dma_wait3A_274 : memref<64x128xf32, #tpu.memory_space<vmem>>) dst(%dma_wait3A_280 : memref<10368x128xf32, #tpu.memory_space<vmem_shared>>)
          tpu.yield
        }) : () -> ()
        %add3A_218 = arith.constant 4 : i32
        %add3A_219 = arith.addi %add3A_205, %add3A_218 : i32
        %dma_start3A_220 = arith.constant 2 : i32
        %dma_start3A_221 = arith.constant 0 : i32
        %dma_start3A_222 = arith.constant 0 : i32
        %dma_start3A_223 = tpu.memref_slice %arg9[%dma_start3A_220, %dma_start3A_221, %dma_start3A_222] : memref<4x64x128xf32, #tpu.memory_space<vmem>> -> memref<1x64x128xf32, #tpu.memory_space<vmem>>
        %dma_start3A_224 = tpu.memref_squeeze %dma_start3A_223 : memref<1x64x128xf32, #tpu.memory_space<vmem>> -> memref<64x128xf32, #tpu.memory_space<vmem>>
        %dma_start3A_225 = arith.constant 0 : i32
        %dma_start3A_226 = tpu.memref_slice %arg7[%add3A_219, %dma_start3A_225] : memref<32x64xi32, #tpu.memory_space<vmem>> -> memref<1x64xi32, #tpu.memory_space<vmem>>
        %dma_start3A_227 = tpu.memref_squeeze %dma_start3A_226 : memref<1x64xi32, #tpu.memory_space<vmem>> -> memref<64xi32, #tpu.memory_space<vmem>>
        %dma_start3A_228 = arith.constant 0 : i32
        %dma_start3A_229 = arith.constant 0 : i32
        %dma_start3A_230 = tpu.memref_slice %arg2[%dma_start3A_228, %dma_start3A_229] : memref<10240x128xf32, #tpu.memory_space<hbm>> -> memref<10240x128xf32, #tpu.memory_space<hbm>>
        tpu.enqueue_indirect_dma source(%dma_start3A_230 : memref<10240x128xf32, #tpu.memory_space<hbm>>) target(%dma_start3A_224 : memref<64x128xf32, #tpu.memory_space<vmem>>) offsets(%dma_start3A_227 : memref<64xi32, #tpu.memory_space<vmem>>) semaphore(%arg13 : memref<!tpu.dma_semaphore, #tpu.memory_space<semaphore_mem>>)
        %mul3A_231 = arith.constant 4 : i32
        %mul3A_232 = arith.muli %add3A_143, %mul3A_231 : i32
        %add3A_233 = arith.constant 3 : i32
        %add3A_234 = arith.addi %mul3A_232, %add3A_233 : i32
        %dma_wait3A_235 = arith.constant 3 : i32
        %dma_wait3A_236 = arith.constant 0 : i32
        %dma_wait3A_237 = arith.constant 0 : i32
        %dma_wait3A_238 = tpu.memref_slice %arg9[%dma_wait3A_235, %dma_wait3A_236, %dma_wait3A_237] : memref<4x64x128xf32, #tpu.memory_space<vmem>> -> memref<1x64x128xf32, #tpu.memory_space<vmem>>
        %dma_wait3A_239 = tpu.memref_squeeze %dma_wait3A_238 : memref<1x64x128xf32, #tpu.memory_space<vmem>> -> memref<64x128xf32, #tpu.memory_space<vmem>>
        %dma_wait3A_240 = arith.constant 0 : i32
        %dma_wait3A_241 = tpu.memref_slice %arg7[%add3A_234, %dma_wait3A_240] : memref<32x64xi32, #tpu.memory_space<vmem>> -> memref<1x64xi32, #tpu.memory_space<vmem>>
        %dma_wait3A_242 = tpu.memref_squeeze %dma_wait3A_241 : memref<1x64xi32, #tpu.memory_space<vmem>> -> memref<64xi32, #tpu.memory_space<vmem>>
        %dma_wait3A_243 = arith.constant 0 : i32
        %dma_wait3A_244 = arith.constant 0 : i32
        %dma_wait3A_245 = tpu.memref_slice %arg2[%dma_wait3A_243, %dma_wait3A_244] : memref<10240x128xf32, #tpu.memory_space<hbm>> -> memref<10240x128xf32, #tpu.memory_space<hbm>>
        tpu.wait_indirect_dma semaphore(%arg14 : memref<!tpu.dma_semaphore, #tpu.memory_space<semaphore_mem>>) src(%dma_wait3A_245 : memref<10240x128xf32, #tpu.memory_space<hbm>>) dst(%dma_wait3A_239 : memref<64x128xf32, #tpu.memory_space<vmem>>)
        %run_scoped3A_246 = arith.constant 3 : i32
        "tpu.region"() ({
          %run_scoped3A_260 = tpu.sem_alloc : memref<!tpu.dma_semaphore, #tpu.memory_space<semaphore_mem>>
          %dma_start3A_261 = arith.constant 0 : i32
          %dma_start3A_262 = arith.constant 0 : i32
          %dma_start3A_263 = tpu.memref_slice %arg9[%run_scoped3A_246, %dma_start3A_261, %dma_start3A_262] : memref<4x64x128xf32, #tpu.memory_space<vmem>> -> memref<1x64x128xf32, #tpu.memory_space<vmem>>
          %dma_start3A_264 = tpu.memref_squeeze %dma_start3A_263 : memref<1x64x128xf32, #tpu.memory_space<vmem>> -> memref<64x128xf32, #tpu.memory_space<vmem>>
          %dma_start3A_265 = arith.constant 0 : i32
          %dma_start3A_266 = tpu.memref_slice %arg8[%add3A_234, %dma_start3A_265] : memref<32x64xi32, #tpu.memory_space<vmem>> -> memref<1x64xi32, #tpu.memory_space<vmem>>
          %dma_start3A_267 = tpu.memref_squeeze %dma_start3A_266 : memref<1x64xi32, #tpu.memory_space<vmem>> -> memref<64xi32, #tpu.memory_space<vmem>>
          %dma_start3A_268 = arith.constant 0 : i32
          %dma_start3A_269 = arith.constant 0 : i32
          %dma_start3A_270 = tpu.memref_slice %arg10[%dma_start3A_268, %dma_start3A_269] : memref<10368x128xf32, #tpu.memory_space<vmem_shared>> -> memref<10368x128xf32, #tpu.memory_space<vmem_shared>>
          tpu.enqueue_indirect_dma source(%dma_start3A_264 : memref<64x128xf32, #tpu.memory_space<vmem>>) target(%dma_start3A_270 : memref<10368x128xf32, #tpu.memory_space<vmem_shared>>) offsets(%dma_start3A_267 : memref<64xi32, #tpu.memory_space<vmem>>) semaphore(%run_scoped3A_260 : memref<!tpu.dma_semaphore, #tpu.memory_space<semaphore_mem>>) {add = true}
          %dma_wait3A_271 = arith.constant 0 : i32
          %dma_wait3A_272 = arith.constant 0 : i32
          %dma_wait3A_273 = tpu.memref_slice %arg9[%run_scoped3A_246, %dma_wait3A_271, %dma_wait3A_272] : memref<4x64x128xf32, #tpu.memory_space<vmem>> -> memref<1x64x128xf32, #tpu.memory_space<vmem>>
          %dma_wait3A_274 = tpu.memref_squeeze %dma_wait3A_273 : memref<1x64x128xf32, #tpu.memory_space<vmem>> -> memref<64x128xf32, #tpu.memory_space<vmem>>
          %dma_wait3A_275 = arith.constant 0 : i32
          %dma_wait3A_276 = tpu.memref_slice %arg8[%add3A_234, %dma_wait3A_275] : memref<32x64xi32, #tpu.memory_space<vmem>> -> memref<1x64xi32, #tpu.memory_space<vmem>>
          %dma_wait3A_277 = tpu.memref_squeeze %dma_wait3A_276 : memref<1x64xi32, #tpu.memory_space<vmem>> -> memref<64xi32, #tpu.memory_space<vmem>>
          %dma_wait3A_278 = arith.constant 0 : i32
          %dma_wait3A_279 = arith.constant 0 : i32
          %dma_wait3A_280 = tpu.memref_slice %arg10[%dma_wait3A_278, %dma_wait3A_279] : memref<10368x128xf32, #tpu.memory_space<vmem_shared>> -> memref<10368x128xf32, #tpu.memory_space<vmem_shared>>
          tpu.wait_indirect_dma semaphore(%run_scoped3A_260 : memref<!tpu.dma_semaphore, #tpu.memory_space<semaphore_mem>>) src(%dma_wait3A_274 : memref<64x128xf32, #tpu.memory_space<vmem>>) dst(%dma_wait3A_280 : memref<10368x128xf32, #tpu.memory_space<vmem_shared>>)
          tpu.yield
        }) : () -> ()
        %add3A_247 = arith.constant 4 : i32
        %add3A_248 = arith.addi %add3A_234, %add3A_247 : i32
        %dma_start3A_249 = arith.constant 3 : i32
        %dma_start3A_250 = arith.constant 0 : i32
        %dma_start3A_251 = arith.constant 0 : i32
        %dma_start3A_252 = tpu.memref_slice %arg9[%dma_start3A_249, %dma_start3A_250, %dma_start3A_251] : memref<4x64x128xf32, #tpu.memory_space<vmem>> -> memref<1x64x128xf32, #tpu.memory_space<vmem>>
        %dma_start3A_253 = tpu.memref_squeeze %dma_start3A_252 : memref<1x64x128xf32, #tpu.memory_space<vmem>> -> memref<64x128xf32, #tpu.memory_space<vmem>>
        %dma_start3A_254 = arith.constant 0 : i32
        %dma_start3A_255 = tpu.memref_slice %arg7[%add3A_248, %dma_start3A_254] : memref<32x64xi32, #tpu.memory_space<vmem>> -> memref<1x64xi32, #tpu.memory_space<vmem>>
        %dma_start3A_256 = tpu.memref_squeeze %dma_start3A_255 : memref<1x64xi32, #tpu.memory_space<vmem>> -> memref<64xi32, #tpu.memory_space<vmem>>
        %dma_start3A_257 = arith.constant 0 : i32
        %dma_start3A_258 = arith.constant 0 : i32
        %dma_start3A_259 = tpu.memref_slice %arg2[%dma_start3A_257, %dma_start3A_258] : memref<10240x128xf32, #tpu.memory_space<hbm>> -> memref<10240x128xf32, #tpu.memory_space<hbm>>
        tpu.enqueue_indirect_dma source(%dma_start3A_259 : memref<10240x128xf32, #tpu.memory_space<hbm>>) target(%dma_start3A_253 : memref<64x128xf32, #tpu.memory_space<vmem>>) offsets(%dma_start3A_256 : memref<64xi32, #tpu.memory_space<vmem>>) semaphore(%arg14 : memref<!tpu.dma_semaphore, #tpu.memory_space<semaphore_mem>>)
      }
      %scan3A_83 = arith.constant 7 : i32
      %dma_wait3A = arith.constant 28 : i32
      %dma_wait3A_84 = arith.constant 0 : i32
      %dma_wait3A_85 = arith.constant 0 : i32
      %dma_wait3A_86 = arith.constant 0 : i32
      %dma_wait3A_87 = tpu.memref_slice %arg9[%dma_wait3A_84, %dma_wait3A_85, %dma_wait3A_86] : memref<4x64x128xf32, #tpu.memory_space<vmem>> -> memref<1x64x128xf32, #tpu.memory_space<vmem>>
      %dma_wait3A_88 = tpu.memref_squeeze %dma_wait3A_87 : memref<1x64x128xf32, #tpu.memory_space<vmem>> -> memref<64x128xf32, #tpu.memory_space<vmem>>
      %dma_wait3A_89 = arith.constant 0 : i32
      %dma_wait3A_90 = tpu.memref_slice %arg7[%dma_wait3A, %dma_wait3A_89] : memref<32x64xi32, #tpu.memory_space<vmem>> -> memref<1x64xi32, #tpu.memory_space<vmem>>
      %dma_wait3A_91 = tpu.memref_squeeze %dma_wait3A_90 : memref<1x64xi32, #tpu.memory_space<vmem>> -> memref<64xi32, #tpu.memory_space<vmem>>
      %dma_wait3A_92 = arith.constant 0 : i32
      %dma_wait3A_93 = arith.constant 0 : i32
      %dma_wait3A_94 = tpu.memref_slice %arg2[%dma_wait3A_92, %dma_wait3A_93] : memref<10240x128xf32, #tpu.memory_space<hbm>> -> memref<10240x128xf32, #tpu.memory_space<hbm>>
      tpu.wait_indirect_dma semaphore(%arg11 : memref<!tpu.dma_semaphore, #tpu.memory_space<semaphore_mem>>) src(%dma_wait3A_94 : memref<10240x128xf32, #tpu.memory_space<hbm>>) dst(%dma_wait3A_88 : memref<64x128xf32, #tpu.memory_space<vmem>>)
      %run_scoped3A_95 = arith.constant 0 : i32
      %run_scoped3A_96 = arith.constant 28 : i32
      "tpu.region"() ({
        %run_scoped3A_139 = tpu.sem_alloc : memref<!tpu.dma_semaphore, #tpu.memory_space<semaphore_mem>>
        %dma_start3A_140 = arith.constant 0 : i32
        %dma_start3A_141 = arith.constant 0 : i32
        %dma_start3A_142 = tpu.memref_slice %arg9[%run_scoped3A_95, %dma_start3A_140, %dma_start3A_141] : memref<4x64x128xf32, #tpu.memory_space<vmem>> -> memref<1x64x128xf32, #tpu.memory_space<vmem>>
        %dma_start3A_143 = tpu.memref_squeeze %dma_start3A_142 : memref<1x64x128xf32, #tpu.memory_space<vmem>> -> memref<64x128xf32, #tpu.memory_space<vmem>>
        %dma_start3A_144 = arith.constant 0 : i32
        %dma_start3A_145 = tpu.memref_slice %arg8[%run_scoped3A_96, %dma_start3A_144] : memref<32x64xi32, #tpu.memory_space<vmem>> -> memref<1x64xi32, #tpu.memory_space<vmem>>
        %dma_start3A_146 = tpu.memref_squeeze %dma_start3A_145 : memref<1x64xi32, #tpu.memory_space<vmem>> -> memref<64xi32, #tpu.memory_space<vmem>>
        %dma_start3A_147 = arith.constant 0 : i32
        %dma_start3A_148 = arith.constant 0 : i32
        %dma_start3A_149 = tpu.memref_slice %arg10[%dma_start3A_147, %dma_start3A_148] : memref<10368x128xf32, #tpu.memory_space<vmem_shared>> -> memref<10368x128xf32, #tpu.memory_space<vmem_shared>>
        tpu.enqueue_indirect_dma source(%dma_start3A_143 : memref<64x128xf32, #tpu.memory_space<vmem>>) target(%dma_start3A_149 : memref<10368x128xf32, #tpu.memory_space<vmem_shared>>) offsets(%dma_start3A_146 : memref<64xi32, #tpu.memory_space<vmem>>) semaphore(%run_scoped3A_139 : memref<!tpu.dma_semaphore, #tpu.memory_space<semaphore_mem>>) {add = true}
        %dma_wait3A_150 = arith.constant 0 : i32
        %dma_wait3A_151 = arith.constant 0 : i32
        %dma_wait3A_152 = tpu.memref_slice %arg9[%run_scoped3A_95, %dma_wait3A_150, %dma_wait3A_151] : memref<4x64x128xf32, #tpu.memory_space<vmem>> -> memref<1x64x128xf32, #tpu.memory_space<vmem>>
        %dma_wait3A_153 = tpu.memref_squeeze %dma_wait3A_152 : memref<1x64x128xf32, #tpu.memory_space<vmem>> -> memref<64x128xf32, #tpu.memory_space<vmem>>
        %dma_wait3A_154 = arith.constant 0 : i32
        %dma_wait3A_155 = tpu.memref_slice %arg8[%run_scoped3A_96, %dma_wait3A_154] : memref<32x64xi32, #tpu.memory_space<vmem>> -> memref<1x64xi32, #tpu.memory_space<vmem>>
        %dma_wait3A_156 = tpu.memref_squeeze %dma_wait3A_155 : memref<1x64xi32, #tpu.memory_space<vmem>> -> memref<64xi32, #tpu.memory_space<vmem>>
        %dma_wait3A_157 = arith.constant 0 : i32
        %dma_wait3A_158 = arith.constant 0 : i32
        %dma_wait3A_159 = tpu.memref_slice %arg10[%dma_wait3A_157, %dma_wait3A_158] : memref<10368x128xf32, #tpu.memory_space<vmem_shared>> -> memref<10368x128xf32, #tpu.memory_space<vmem_shared>>
        tpu.wait_indirect_dma semaphore(%run_scoped3A_139 : memref<!tpu.dma_semaphore, #tpu.memory_space<semaphore_mem>>) src(%dma_wait3A_153 : memref<64x128xf32, #tpu.memory_space<vmem>>) dst(%dma_wait3A_159 : memref<10368x128xf32, #tpu.memory_space<vmem_shared>>)
        tpu.yield
      }) : () -> ()
      %dma_wait3A_97 = arith.constant 29 : i32
      %dma_wait3A_98 = arith.constant 1 : i32
      %dma_wait3A_99 = arith.constant 0 : i32
      %dma_wait3A_100 = arith.constant 0 : i32
      %dma_wait3A_101 = tpu.memref_slice %arg9[%dma_wait3A_98, %dma_wait3A_99, %dma_wait3A_100] : memref<4x64x128xf32, #tpu.memory_space<vmem>> -> memref<1x64x128xf32, #tpu.memory_space<vmem>>
      %dma_wait3A_102 = tpu.memref_squeeze %dma_wait3A_101 : memref<1x64x128xf32, #tpu.memory_space<vmem>> -> memref<64x128xf32, #tpu.memory_space<vmem>>
      %dma_wait3A_103 = arith.constant 0 : i32
      %dma_wait3A_104 = tpu.memref_slice %arg7[%dma_wait3A_97, %dma_wait3A_103] : memref<32x64xi32, #tpu.memory_space<vmem>> -> memref<1x64xi32, #tpu.memory_space<vmem>>
      %dma_wait3A_105 = tpu.memref_squeeze %dma_wait3A_104 : memref<1x64xi32, #tpu.memory_space<vmem>> -> memref<64xi32, #tpu.memory_space<vmem>>
      %dma_wait3A_106 = arith.constant 0 : i32
      %dma_wait3A_107 = arith.constant 0 : i32
      %dma_wait3A_108 = tpu.memref_slice %arg2[%dma_wait3A_106, %dma_wait3A_107] : memref<10240x128xf32, #tpu.memory_space<hbm>> -> memref<10240x128xf32, #tpu.memory_space<hbm>>
      tpu.wait_indirect_dma semaphore(%arg12 : memref<!tpu.dma_semaphore, #tpu.memory_space<semaphore_mem>>) src(%dma_wait3A_108 : memref<10240x128xf32, #tpu.memory_space<hbm>>) dst(%dma_wait3A_102 : memref<64x128xf32, #tpu.memory_space<vmem>>)
      %run_scoped3A_109 = arith.constant 1 : i32
      %run_scoped3A_110 = arith.constant 29 : i32
      "tpu.region"() ({
        %run_scoped3A_139 = tpu.sem_alloc : memref<!tpu.dma_semaphore, #tpu.memory_space<semaphore_mem>>
        %dma_start3A_140 = arith.constant 0 : i32
        %dma_start3A_141 = arith.constant 0 : i32
        %dma_start3A_142 = tpu.memref_slice %arg9[%run_scoped3A_109, %dma_start3A_140, %dma_start3A_141] : memref<4x64x128xf32, #tpu.memory_space<vmem>> -> memref<1x64x128xf32, #tpu.memory_space<vmem>>
        %dma_start3A_143 = tpu.memref_squeeze %dma_start3A_142 : memref<1x64x128xf32, #tpu.memory_space<vmem>> -> memref<64x128xf32, #tpu.memory_space<vmem>>
        %dma_start3A_144 = arith.constant 0 : i32
        %dma_start3A_145 = tpu.memref_slice %arg8[%run_scoped3A_110, %dma_start3A_144] : memref<32x64xi32, #tpu.memory_space<vmem>> -> memref<1x64xi32, #tpu.memory_space<vmem>>
        %dma_start3A_146 = tpu.memref_squeeze %dma_start3A_145 : memref<1x64xi32, #tpu.memory_space<vmem>> -> memref<64xi32, #tpu.memory_space<vmem>>
        %dma_start3A_147 = arith.constant 0 : i32
        %dma_start3A_148 = arith.constant 0 : i32
        %dma_start3A_149 = tpu.memref_slice %arg10[%dma_start3A_147, %dma_start3A_148] : memref<10368x128xf32, #tpu.memory_space<vmem_shared>> -> memref<10368x128xf32, #tpu.memory_space<vmem_shared>>
        tpu.enqueue_indirect_dma source(%dma_start3A_143 : memref<64x128xf32, #tpu.memory_space<vmem>>) target(%dma_start3A_149 : memref<10368x128xf32, #tpu.memory_space<vmem_shared>>) offsets(%dma_start3A_146 : memref<64xi32, #tpu.memory_space<vmem>>) semaphore(%run_scoped3A_139 : memref<!tpu.dma_semaphore, #tpu.memory_space<semaphore_mem>>) {add = true}
        %dma_wait3A_150 = arith.constant 0 : i32
        %dma_wait3A_151 = arith.constant 0 : i32
        %dma_wait3A_152 = tpu.memref_slice %arg9[%run_scoped3A_109, %dma_wait3A_150, %dma_wait3A_151] : memref<4x64x128xf32, #tpu.memory_space<vmem>> -> memref<1x64x128xf32, #tpu.memory_space<vmem>>
        %dma_wait3A_153 = tpu.memref_squeeze %dma_wait3A_152 : memref<1x64x128xf32, #tpu.memory_space<vmem>> -> memref<64x128xf32, #tpu.memory_space<vmem>>
        %dma_wait3A_154 = arith.constant 0 : i32
        %dma_wait3A_155 = tpu.memref_slice %arg8[%run_scoped3A_110, %dma_wait3A_154] : memref<32x64xi32, #tpu.memory_space<vmem>> -> memref<1x64xi32, #tpu.memory_space<vmem>>
        %dma_wait3A_156 = tpu.memref_squeeze %dma_wait3A_155 : memref<1x64xi32, #tpu.memory_space<vmem>> -> memref<64xi32, #tpu.memory_space<vmem>>
        %dma_wait3A_157 = arith.constant 0 : i32
        %dma_wait3A_158 = arith.constant 0 : i32
        %dma_wait3A_159 = tpu.memref_slice %arg10[%dma_wait3A_157, %dma_wait3A_158] : memref<10368x128xf32, #tpu.memory_space<vmem_shared>> -> memref<10368x128xf32, #tpu.memory_space<vmem_shared>>
        tpu.wait_indirect_dma semaphore(%run_scoped3A_139 : memref<!tpu.dma_semaphore, #tpu.memory_space<semaphore_mem>>) src(%dma_wait3A_153 : memref<64x128xf32, #tpu.memory_space<vmem>>) dst(%dma_wait3A_159 : memref<10368x128xf32, #tpu.memory_space<vmem_shared>>)
        tpu.yield
      }) : () -> ()
      %dma_wait3A_111 = arith.constant 30 : i32
      %dma_wait3A_112 = arith.constant 2 : i32
      %dma_wait3A_113 = arith.constant 0 : i32
      %dma_wait3A_114 = arith.constant 0 : i32
      %dma_wait3A_115 = tpu.memref_slice %arg9[%dma_wait3A_112, %dma_wait3A_113, %dma_wait3A_114] : memref<4x64x128xf32, #tpu.memory_space<vmem>> -> memref<1x64x128xf32, #tpu.memory_space<vmem>>
      %dma_wait3A_116 = tpu.memref_squeeze %dma_wait3A_115 : memref<1x64x128xf32, #tpu.memory_space<vmem>> -> memref<64x128xf32, #tpu.memory_space<vmem>>
      %dma_wait3A_117 = arith.constant 0 : i32
      %dma_wait3A_118 = tpu.memref_slice %arg7[%dma_wait3A_111, %dma_wait3A_117] : memref<32x64xi32, #tpu.memory_space<vmem>> -> memref<1x64xi32, #tpu.memory_space<vmem>>
      %dma_wait3A_119 = tpu.memref_squeeze %dma_wait3A_118 : memref<1x64xi32, #tpu.memory_space<vmem>> -> memref<64xi32, #tpu.memory_space<vmem>>
      %dma_wait3A_120 = arith.constant 0 : i32
      %dma_wait3A_121 = arith.constant 0 : i32
      %dma_wait3A_122 = tpu.memref_slice %arg2[%dma_wait3A_120, %dma_wait3A_121] : memref<10240x128xf32, #tpu.memory_space<hbm>> -> memref<10240x128xf32, #tpu.memory_space<hbm>>
      tpu.wait_indirect_dma semaphore(%arg13 : memref<!tpu.dma_semaphore, #tpu.memory_space<semaphore_mem>>) src(%dma_wait3A_122 : memref<10240x128xf32, #tpu.memory_space<hbm>>) dst(%dma_wait3A_116 : memref<64x128xf32, #tpu.memory_space<vmem>>)
      %run_scoped3A_123 = arith.constant 2 : i32
      %run_scoped3A_124 = arith.constant 30 : i32
      "tpu.region"() ({
        %run_scoped3A_139 = tpu.sem_alloc : memref<!tpu.dma_semaphore, #tpu.memory_space<semaphore_mem>>
        %dma_start3A_140 = arith.constant 0 : i32
        %dma_start3A_141 = arith.constant 0 : i32
        %dma_start3A_142 = tpu.memref_slice %arg9[%run_scoped3A_123, %dma_start3A_140, %dma_start3A_141] : memref<4x64x128xf32, #tpu.memory_space<vmem>> -> memref<1x64x128xf32, #tpu.memory_space<vmem>>
        %dma_start3A_143 = tpu.memref_squeeze %dma_start3A_142 : memref<1x64x128xf32, #tpu.memory_space<vmem>> -> memref<64x128xf32, #tpu.memory_space<vmem>>
        %dma_start3A_144 = arith.constant 0 : i32
        %dma_start3A_145 = tpu.memref_slice %arg8[%run_scoped3A_124, %dma_start3A_144] : memref<32x64xi32, #tpu.memory_space<vmem>> -> memref<1x64xi32, #tpu.memory_space<vmem>>
        %dma_start3A_146 = tpu.memref_squeeze %dma_start3A_145 : memref<1x64xi32, #tpu.memory_space<vmem>> -> memref<64xi32, #tpu.memory_space<vmem>>
        %dma_start3A_147 = arith.constant 0 : i32
        %dma_start3A_148 = arith.constant 0 : i32
        %dma_start3A_149 = tpu.memref_slice %arg10[%dma_start3A_147, %dma_start3A_148] : memref<10368x128xf32, #tpu.memory_space<vmem_shared>> -> memref<10368x128xf32, #tpu.memory_space<vmem_shared>>
        tpu.enqueue_indirect_dma source(%dma_start3A_143 : memref<64x128xf32, #tpu.memory_space<vmem>>) target(%dma_start3A_149 : memref<10368x128xf32, #tpu.memory_space<vmem_shared>>) offsets(%dma_start3A_146 : memref<64xi32, #tpu.memory_space<vmem>>) semaphore(%run_scoped3A_139 : memref<!tpu.dma_semaphore, #tpu.memory_space<semaphore_mem>>) {add = true}
        %dma_wait3A_150 = arith.constant 0 : i32
        %dma_wait3A_151 = arith.constant 0 : i32
        %dma_wait3A_152 = tpu.memref_slice %arg9[%run_scoped3A_123, %dma_wait3A_150, %dma_wait3A_151] : memref<4x64x128xf32, #tpu.memory_space<vmem>> -> memref<1x64x128xf32, #tpu.memory_space<vmem>>
        %dma_wait3A_153 = tpu.memref_squeeze %dma_wait3A_152 : memref<1x64x128xf32, #tpu.memory_space<vmem>> -> memref<64x128xf32, #tpu.memory_space<vmem>>
        %dma_wait3A_154 = arith.constant 0 : i32
        %dma_wait3A_155 = tpu.memref_slice %arg8[%run_scoped3A_124, %dma_wait3A_154] : memref<32x64xi32, #tpu.memory_space<vmem>> -> memref<1x64xi32, #tpu.memory_space<vmem>>
        %dma_wait3A_156 = tpu.memref_squeeze %dma_wait3A_155 : memref<1x64xi32, #tpu.memory_space<vmem>> -> memref<64xi32, #tpu.memory_space<vmem>>
        %dma_wait3A_157 = arith.constant 0 : i32
        %dma_wait3A_158 = arith.constant 0 : i32
        %dma_wait3A_159 = tpu.memref_slice %arg10[%dma_wait3A_157, %dma_wait3A_158] : memref<10368x128xf32, #tpu.memory_space<vmem_shared>> -> memref<10368x128xf32, #tpu.memory_space<vmem_shared>>
        tpu.wait_indirect_dma semaphore(%run_scoped3A_139 : memref<!tpu.dma_semaphore, #tpu.memory_space<semaphore_mem>>) src(%dma_wait3A_153 : memref<64x128xf32, #tpu.memory_space<vmem>>) dst(%dma_wait3A_159 : memref<10368x128xf32, #tpu.memory_space<vmem_shared>>)
        tpu.yield
      }) : () -> ()
      %dma_wait3A_125 = arith.constant 31 : i32
      %dma_wait3A_126 = arith.constant 3 : i32
      %dma_wait3A_127 = arith.constant 0 : i32
      %dma_wait3A_128 = arith.constant 0 : i32
      %dma_wait3A_129 = tpu.memref_slice %arg9[%dma_wait3A_126, %dma_wait3A_127, %dma_wait3A_128] : memref<4x64x128xf32, #tpu.memory_space<vmem>> -> memref<1x64x128xf32, #tpu.memory_space<vmem>>
      %dma_wait3A_130 = tpu.memref_squeeze %dma_wait3A_129 : memref<1x64x128xf32, #tpu.memory_space<vmem>> -> memref<64x128xf32, #tpu.memory_space<vmem>>
      %dma_wait3A_131 = arith.constant 0 : i32
      %dma_wait3A_132 = tpu.memref_slice %arg7[%dma_wait3A_125, %dma_wait3A_131] : memref<32x64xi32, #tpu.memory_space<vmem>> -> memref<1x64xi32, #tpu.memory_space<vmem>>
      %dma_wait3A_133 = tpu.memref_squeeze %dma_wait3A_132 : memref<1x64xi32, #tpu.memory_space<vmem>> -> memref<64xi32, #tpu.memory_space<vmem>>
      %dma_wait3A_134 = arith.constant 0 : i32
      %dma_wait3A_135 = arith.constant 0 : i32
      %dma_wait3A_136 = tpu.memref_slice %arg2[%dma_wait3A_134, %dma_wait3A_135] : memref<10240x128xf32, #tpu.memory_space<hbm>> -> memref<10240x128xf32, #tpu.memory_space<hbm>>
      tpu.wait_indirect_dma semaphore(%arg14 : memref<!tpu.dma_semaphore, #tpu.memory_space<semaphore_mem>>) src(%dma_wait3A_136 : memref<10240x128xf32, #tpu.memory_space<hbm>>) dst(%dma_wait3A_130 : memref<64x128xf32, #tpu.memory_space<vmem>>)
      %run_scoped3A_137 = arith.constant 3 : i32
      %run_scoped3A_138 = arith.constant 31 : i32
      "tpu.region"() ({
        %run_scoped3A_139 = tpu.sem_alloc : memref<!tpu.dma_semaphore, #tpu.memory_space<semaphore_mem>>
        %dma_start3A_140 = arith.constant 0 : i32
        %dma_start3A_141 = arith.constant 0 : i32
        %dma_start3A_142 = tpu.memref_slice %arg9[%run_scoped3A_137, %dma_start3A_140, %dma_start3A_141] : memref<4x64x128xf32, #tpu.memory_space<vmem>> -> memref<1x64x128xf32, #tpu.memory_space<vmem>>
        %dma_start3A_143 = tpu.memref_squeeze %dma_start3A_142 : memref<1x64x128xf32, #tpu.memory_space<vmem>> -> memref<64x128xf32, #tpu.memory_space<vmem>>
        %dma_start3A_144 = arith.constant 0 : i32
        %dma_start3A_145 = tpu.memref_slice %arg8[%run_scoped3A_138, %dma_start3A_144] : memref<32x64xi32, #tpu.memory_space<vmem>> -> memref<1x64xi32, #tpu.memory_space<vmem>>
        %dma_start3A_146 = tpu.memref_squeeze %dma_start3A_145 : memref<1x64xi32, #tpu.memory_space<vmem>> -> memref<64xi32, #tpu.memory_space<vmem>>
        %dma_start3A_147 = arith.constant 0 : i32
        %dma_start3A_148 = arith.constant 0 : i32
        %dma_start3A_149 = tpu.memref_slice %arg10[%dma_start3A_147, %dma_start3A_148] : memref<10368x128xf32, #tpu.memory_space<vmem_shared>> -> memref<10368x128xf32, #tpu.memory_space<vmem_shared>>
        tpu.enqueue_indirect_dma source(%dma_start3A_143 : memref<64x128xf32, #tpu.memory_space<vmem>>) target(%dma_start3A_149 : memref<10368x128xf32, #tpu.memory_space<vmem_shared>>) offsets(%dma_start3A_146 : memref<64xi32, #tpu.memory_space<vmem>>) semaphore(%run_scoped3A_139 : memref<!tpu.dma_semaphore, #tpu.memory_space<semaphore_mem>>) {add = true}
        %dma_wait3A_150 = arith.constant 0 : i32
        %dma_wait3A_151 = arith.constant 0 : i32
        %dma_wait3A_152 = tpu.memref_slice %arg9[%run_scoped3A_137, %dma_wait3A_150, %dma_wait3A_151] : memref<4x64x128xf32, #tpu.memory_space<vmem>> -> memref<1x64x128xf32, #tpu.memory_space<vmem>>
        %dma_wait3A_153 = tpu.memref_squeeze %dma_wait3A_152 : memref<1x64x128xf32, #tpu.memory_space<vmem>> -> memref<64x128xf32, #tpu.memory_space<vmem>>
        %dma_wait3A_154 = arith.constant 0 : i32
        %dma_wait3A_155 = tpu.memref_slice %arg8[%run_scoped3A_138, %dma_wait3A_154] : memref<32x64xi32, #tpu.memory_space<vmem>> -> memref<1x64xi32, #tpu.memory_space<vmem>>
        %dma_wait3A_156 = tpu.memref_squeeze %dma_wait3A_155 : memref<1x64xi32, #tpu.memory_space<vmem>> -> memref<64xi32, #tpu.memory_space<vmem>>
        %dma_wait3A_157 = arith.constant 0 : i32
        %dma_wait3A_158 = arith.constant 0 : i32
        %dma_wait3A_159 = tpu.memref_slice %arg10[%dma_wait3A_157, %dma_wait3A_158] : memref<10368x128xf32, #tpu.memory_space<vmem_shared>> -> memref<10368x128xf32, #tpu.memory_space<vmem_shared>>
        tpu.wait_indirect_dma semaphore(%run_scoped3A_139 : memref<!tpu.dma_semaphore, #tpu.memory_space<semaphore_mem>>) src(%dma_wait3A_153 : memref<64x128xf32, #tpu.memory_space<vmem>>) dst(%dma_wait3A_159 : memref<10368x128xf32, #tpu.memory_space<vmem_shared>>)
        tpu.yield
      }) : () -> ()
    }
    %scan3A_10 = arith.constant 5 : i32
    %barrier3A_11 = arith.constant 0 : index
    tpu.barrier barrier_id(%barrier3A_11)
    %scan3A_12 = arith.constant 0 : i32
    %scan3A_13 = arith.constant 10 : i32
    %scan3A_14 = arith.addi %scan3A_12, %scan3A_13 : i32
    %scan3A_15 = arith.constant 1 : i32
    scf.for %scan3A_17 = %scan3A_12 to %scan3A_14 step %scan3A_15  : i32 {
      %mul3A_18 = arith.constant 1 : i32
      %mul3A_19 = arith.muli %scan3A_17, %mul3A_18 : i32
      %add3A_20 = arith.constant 0 : i32
      %add3A_21 = arith.addi %add3A_20, %mul3A_19 : i32
      %mul3A_22 = arith.constant 640 : i32
      %mul3A_23 = arith.muli %arg1, %mul3A_22 : i32
      %mul3A_24 = arith.constant 64 : i32
      %mul3A_25 = arith.muli %add3A_21, %mul3A_24 : i32
      %add3A_26 = arith.addi %mul3A_23, %mul3A_25 : i32
      %run_scoped3A_27 = arith.constant 0 : i32
      "tpu.region"() ({
        %run_scoped3A_32 = tpu.sem_alloc : memref<!tpu.dma_semaphore, #tpu.memory_space<semaphore_mem>>
        %dma_start3A = arith.constant 0 : i32
        %dma_start3A_33 = arith.constant 0 : i32
        %dma_start3A_34 = tpu.memref_slice %arg9[%run_scoped3A_27, %dma_start3A, %dma_start3A_33] : memref<4x64x128xf32, #tpu.memory_space<vmem>> -> memref<1x64x128xf32, #tpu.memory_space<vmem>>
        %dma_start3A_35 = tpu.memref_squeeze %dma_start3A_34 : memref<1x64x128xf32, #tpu.memory_space<vmem>> -> memref<64x128xf32, #tpu.memory_space<vmem>>
        %dma_start3A_36 = arith.constant 0 : i32
        %dma_start3A_37 = tpu.memref_slice %arg10[%add3A_26, %dma_start3A_36] : memref<10368x128xf32, #tpu.memory_space<vmem_shared>> -> memref<64x128xf32, #tpu.memory_space<vmem_shared>>
        %dma_start3A_38 = arith.constant 0 : i32
        %dma_start3A_39 = arith.constant 0 : i32
        %dma_start3A_40 = tpu.memref_slice %arg9[%run_scoped3A_27, %dma_start3A_38, %dma_start3A_39] : memref<4x64x128xf32, #tpu.memory_space<vmem>> -> memref<1x64x128xf32, #tpu.memory_space<vmem>>
        %dma_start3A_41 = tpu.memref_squeeze %dma_start3A_40 : memref<1x64x128xf32, #tpu.memory_space<vmem>> -> memref<64x128xf32, #tpu.memory_space<vmem>>
        %dma_start3A_42 = arith.constant 0 : i32
        %dma_start3A_43 = tpu.memref_slice %arg10[%add3A_26, %dma_start3A_42] : memref<10368x128xf32, #tpu.memory_space<vmem_shared>> -> memref<64x128xf32, #tpu.memory_space<vmem_shared>>
        tpu.enqueue_dma source(%dma_start3A_43 : memref<64x128xf32, #tpu.memory_space<vmem_shared>>) target(%dma_start3A_41 : memref<64x128xf32, #tpu.memory_space<vmem>>) target_semaphore(%run_scoped3A_32 : memref<!tpu.dma_semaphore, #tpu.memory_space<semaphore_mem>>)
        %dma_wait3A = arith.constant 0 : i32
        %dma_wait3A_44 = arith.constant 0 : i32
        %dma_wait3A_45 = tpu.memref_slice %arg9[%run_scoped3A_27, %dma_wait3A, %dma_wait3A_44] : memref<4x64x128xf32, #tpu.memory_space<vmem>> -> memref<1x64x128xf32, #tpu.memory_space<vmem>>
        %dma_wait3A_46 = tpu.memref_squeeze %dma_wait3A_45 : memref<1x64x128xf32, #tpu.memory_space<vmem>> -> memref<64x128xf32, #tpu.memory_space<vmem>>
        %dma_wait3A_47 = arith.constant 0 : i32
        %dma_wait3A_48 = tpu.memref_slice %arg10[%add3A_26, %dma_wait3A_47] : memref<10368x128xf32, #tpu.memory_space<vmem_shared>> -> memref<64x128xf32, #tpu.memory_space<vmem_shared>>
        %dma_wait3A_49 = arith.constant 0 : i32
        %dma_wait3A_50 = arith.constant 0 : i32
        %dma_wait3A_51 = tpu.memref_slice %arg9[%run_scoped3A_27, %dma_wait3A_49, %dma_wait3A_50] : memref<4x64x128xf32, #tpu.memory_space<vmem>> -> memref<1x64x128xf32, #tpu.memory_space<vmem>>
        %dma_wait3A_52 = tpu.memref_squeeze %dma_wait3A_51 : memref<1x64x128xf32, #tpu.memory_space<vmem>> -> memref<64x128xf32, #tpu.memory_space<vmem>>
        %dma_wait3A_53 = arith.constant 0 : i32
        %dma_wait3A_54 = tpu.memref_slice %arg10[%add3A_26, %dma_wait3A_53] : memref<10368x128xf32, #tpu.memory_space<vmem_shared>> -> memref<64x128xf32, #tpu.memory_space<vmem_shared>>
        tpu.wait_dma2 semaphore(%run_scoped3A_32 : memref<!tpu.dma_semaphore, #tpu.memory_space<semaphore_mem>>) src(%dma_wait3A_54 : memref<64x128xf32, #tpu.memory_space<vmem_shared>>) dst(%dma_wait3A_52 : memref<64x128xf32, #tpu.memory_space<vmem>>)
        tpu.yield
      }) : () -> ()
      %mul3A_28 = arith.constant 10240 : i32
      %mul3A_29 = arith.muli %arg0, %mul3A_28 : i32
      %add3A_30 = arith.addi %mul3A_29, %add3A_26 : i32
      %run_scoped3A_31 = arith.constant 0 : i32
      "tpu.region"() ({
        %run_scoped3A_32 = tpu.sem_alloc : memref<!tpu.dma_semaphore, #tpu.memory_space<semaphore_mem>>
        %dma_start3A = arith.constant 0 : i32
        %dma_start3A_33 = arith.constant 0 : i32
        %dma_start3A_34 = tpu.memref_slice %arg9[%run_scoped3A_31, %dma_start3A, %dma_start3A_33] : memref<4x64x128xf32, #tpu.memory_space<vmem>> -> memref<1x64x128xf32, #tpu.memory_space<vmem>>
        %dma_start3A_35 = tpu.memref_squeeze %dma_start3A_34 : memref<1x64x128xf32, #tpu.memory_space<vmem>> -> memref<64x128xf32, #tpu.memory_space<vmem>>
        %dma_start3A_36 = arith.constant 0 : i32
        %dma_start3A_37 = tpu.memref_slice %arg6[%add3A_30, %dma_start3A_36] : memref<20480x128xf32, #tpu.memory_space<hbm>> -> memref<64x128xf32, #tpu.memory_space<hbm>>
        %dma_start3A_38 = arith.constant 0 : i32
        %dma_start3A_39 = tpu.memref_slice %arg6[%add3A_30, %dma_start3A_38] : memref<20480x128xf32, #tpu.memory_space<hbm>> -> memref<64x128xf32, #tpu.memory_space<hbm>>
        %dma_start3A_40 = arith.constant 0 : i32
        %dma_start3A_41 = arith.constant 0 : i32
        %dma_start3A_42 = tpu.memref_slice %arg9[%run_scoped3A_31, %dma_start3A_40, %dma_start3A_41] : memref<4x64x128xf32, #tpu.memory_space<vmem>> -> memref<1x64x128xf32, #tpu.memory_space<vmem>>
        %dma_start3A_43 = tpu.memref_squeeze %dma_start3A_42 : memref<1x64x128xf32, #tpu.memory_space<vmem>> -> memref<64x128xf32, #tpu.memory_space<vmem>>
        tpu.enqueue_dma source(%dma_start3A_43 : memref<64x128xf32, #tpu.memory_space<vmem>>) target(%dma_start3A_39 : memref<64x128xf32, #tpu.memory_space<hbm>>) target_semaphore(%run_scoped3A_32 : memref<!tpu.dma_semaphore, #tpu.memory_space<semaphore_mem>>)
        %dma_wait3A = arith.constant 0 : i32
        %dma_wait3A_44 = arith.constant 0 : i32
        %dma_wait3A_45 = tpu.memref_slice %arg9[%run_scoped3A_31, %dma_wait3A, %dma_wait3A_44] : memref<4x64x128xf32, #tpu.memory_space<vmem>> -> memref<1x64x128xf32, #tpu.memory_space<vmem>>
        %dma_wait3A_46 = tpu.memref_squeeze %dma_wait3A_45 : memref<1x64x128xf32, #tpu.memory_space<vmem>> -> memref<64x128xf32, #tpu.memory_space<vmem>>
        %dma_wait3A_47 = arith.constant 0 : i32
        %dma_wait3A_48 = tpu.memref_slice %arg6[%add3A_30, %dma_wait3A_47] : memref<20480x128xf32, #tpu.memory_space<hbm>> -> memref<64x128xf32, #tpu.memory_space<hbm>>
        %dma_wait3A_49 = arith.constant 0 : i32
        %dma_wait3A_50 = tpu.memref_slice %arg6[%add3A_30, %dma_wait3A_49] : memref<20480x128xf32, #tpu.memory_space<hbm>> -> memref<64x128xf32, #tpu.memory_space<hbm>>
        %dma_wait3A_51 = arith.constant 0 : i32
        %dma_wait3A_52 = arith.constant 0 : i32
        %dma_wait3A_53 = tpu.memref_slice %arg9[%run_scoped3A_31, %dma_wait3A_51, %dma_wait3A_52] : memref<4x64x128xf32, #tpu.memory_space<vmem>> -> memref<1x64x128xf32, #tpu.memory_space<vmem>>
        %dma_wait3A_54 = tpu.memref_squeeze %dma_wait3A_53 : memref<1x64x128xf32, #tpu.memory_space<vmem>> -> memref<64x128xf32, #tpu.memory_space<vmem>>
        tpu.wait_dma2 semaphore(%run_scoped3A_32 : memref<!tpu.dma_semaphore, #tpu.memory_space<semaphore_mem>>) src(%dma_wait3A_54 : memref<64x128xf32, #tpu.memory_space<vmem>>) dst(%dma_wait3A_50 : memref<64x128xf32, #tpu.memory_space<hbm>>)
        tpu.yield
      }) : () -> ()
    }
    %scan3A_16 = arith.constant 10 : i32
    return
  }
}

#map = affine_map<(d0, d1) -> (0, 0)>
#map1 = affine_map<(d0, d1) -> (0)>
module attributes {stable_mosaic.version = 14 : i64} {
  func.func @body(%arg0: i32, %arg1: i32, %arg2: memref<10000x128xf32, #tpu.memory_space<hbm>>, %arg3: memref<5120x64xi32, #tpu.memory_space<hbm>>, %arg4: memref<5120x64xi32, #tpu.memory_space<hbm>>, %arg5: memref<128x128xf32, #tpu.memory_space<hbm>>, %arg6: memref<80xi32, #tpu.memory_space<hbm>>, %arg7: memref<20480x128xf32, #tpu.memory_space<hbm>>, %arg8: memref<160x128xf32, #tpu.memory_space<hbm>>, %arg9: memref<32x64xi32, #tpu.memory_space<vmem>>, %arg10: memref<32x64xi32, #tpu.memory_space<vmem>>, %arg11: memref<2x64x128xf32, #tpu.memory_space<vmem>>, %arg12: memref<10368x128xf32, #tpu.memory_space<vmem_shared>>, %arg13: memref<80x128xf32, #tpu.memory_space<vmem>>, %arg14: memref<80xi32, #tpu.memory_space<vmem>>, %arg15: memref<!tpu.dma_semaphore, #tpu.memory_space<semaphore_mem>>, %arg16: memref<!tpu.dma_semaphore, #tpu.memory_space<semaphore_mem>>) attributes {dimension_semantics = [#tpu.dimension_semantics<core_parallel>, #tpu.dimension_semantics<subcore_parallel>], iteration_bounds = array<i64: 2, 16>, scalar_prefetch = 0 : i64, scratch_operands = 8 : i64, tpu.core_type = #tpu.core_type<sc_vector_subcore>, window_params = [{transform_indices = #map}, {transform_indices = #map}, {transform_indices = #map}, {transform_indices = #map}, {transform_indices = #map1}, {transform_indices = #map}, {transform_indices = #map}]} {
    %mul3A = arith.constant 16 : i32
    %mul3A_0 = arith.muli %arg0, %mul3A : i32
    %add3A = arith.addi %mul3A_0, %arg1 : i32
    %run_scoped3A = arith.constant 0 : i32
    "tpu.region"() ({
      %run_scoped3A_25 = tpu.sem_alloc : memref<!tpu.dma_semaphore, #tpu.memory_space<semaphore_mem>>
      %dma_start3A = arith.constant 0 : i32
      %dma_start3A_26 = arith.constant 0 : i32
      %dma_start3A_27 = tpu.memref_slice %arg11[%run_scoped3A, %dma_start3A, %dma_start3A_26] : memref<2x64x128xf32, #tpu.memory_space<vmem>> -> memref<1x64x128xf32, #tpu.memory_space<vmem>>
      %dma_start3A_28 = tpu.memref_squeeze %dma_start3A_27 : memref<1x64x128xf32, #tpu.memory_space<vmem>> -> memref<64x128xf32, #tpu.memory_space<vmem>>
      %dma_start3A_29 = arith.constant 0 : i32
      %dma_start3A_30 = arith.constant 0 : i32
      %dma_start3A_31 = tpu.memref_slice %arg5[%dma_start3A_29, %dma_start3A_30] : memref<128x128xf32, #tpu.memory_space<hbm>> -> memref<64x128xf32, #tpu.memory_space<hbm>>
      %dma_start3A_32 = arith.constant 0 : i32
      %dma_start3A_33 = arith.constant 0 : i32
      %dma_start3A_34 = tpu.memref_slice %arg11[%run_scoped3A, %dma_start3A_32, %dma_start3A_33] : memref<2x64x128xf32, #tpu.memory_space<vmem>> -> memref<1x64x128xf32, #tpu.memory_space<vmem>>
      %dma_start3A_35 = tpu.memref_squeeze %dma_start3A_34 : memref<1x64x128xf32, #tpu.memory_space<vmem>> -> memref<64x128xf32, #tpu.memory_space<vmem>>
      %dma_start3A_36 = arith.constant 0 : i32
      %dma_start3A_37 = arith.constant 0 : i32
      %dma_start3A_38 = tpu.memref_slice %arg5[%dma_start3A_36, %dma_start3A_37] : memref<128x128xf32, #tpu.memory_space<hbm>> -> memref<64x128xf32, #tpu.memory_space<hbm>>
      tpu.enqueue_dma source(%dma_start3A_38 : memref<64x128xf32, #tpu.memory_space<hbm>>) target(%dma_start3A_35 : memref<64x128xf32, #tpu.memory_space<vmem>>) target_semaphore(%run_scoped3A_25 : memref<!tpu.dma_semaphore, #tpu.memory_space<semaphore_mem>>)
      %dma_wait3A = arith.constant 0 : i32
      %dma_wait3A_39 = arith.constant 0 : i32
      %dma_wait3A_40 = tpu.memref_slice %arg11[%run_scoped3A, %dma_wait3A, %dma_wait3A_39] : memref<2x64x128xf32, #tpu.memory_space<vmem>> -> memref<1x64x128xf32, #tpu.memory_space<vmem>>
      %dma_wait3A_41 = tpu.memref_squeeze %dma_wait3A_40 : memref<1x64x128xf32, #tpu.memory_space<vmem>> -> memref<64x128xf32, #tpu.memory_space<vmem>>
      %dma_wait3A_42 = arith.constant 0 : i32
      %dma_wait3A_43 = arith.constant 0 : i32
      %dma_wait3A_44 = tpu.memref_slice %arg5[%dma_wait3A_42, %dma_wait3A_43] : memref<128x128xf32, #tpu.memory_space<hbm>> -> memref<64x128xf32, #tpu.memory_space<hbm>>
      %dma_wait3A_45 = arith.constant 0 : i32
      %dma_wait3A_46 = arith.constant 0 : i32
      %dma_wait3A_47 = tpu.memref_slice %arg11[%run_scoped3A, %dma_wait3A_45, %dma_wait3A_46] : memref<2x64x128xf32, #tpu.memory_space<vmem>> -> memref<1x64x128xf32, #tpu.memory_space<vmem>>
      %dma_wait3A_48 = tpu.memref_squeeze %dma_wait3A_47 : memref<1x64x128xf32, #tpu.memory_space<vmem>> -> memref<64x128xf32, #tpu.memory_space<vmem>>
      %dma_wait3A_49 = arith.constant 0 : i32
      %dma_wait3A_50 = arith.constant 0 : i32
      %dma_wait3A_51 = tpu.memref_slice %arg5[%dma_wait3A_49, %dma_wait3A_50] : memref<128x128xf32, #tpu.memory_space<hbm>> -> memref<64x128xf32, #tpu.memory_space<hbm>>
      tpu.wait_dma2 semaphore(%run_scoped3A_25 : memref<!tpu.dma_semaphore, #tpu.memory_space<semaphore_mem>>) src(%dma_wait3A_51 : memref<64x128xf32, #tpu.memory_space<hbm>>) dst(%dma_wait3A_48 : memref<64x128xf32, #tpu.memory_space<vmem>>)
      tpu.yield
    }) : () -> ()
    %scan3A = arith.constant 0 : i32
    %scan3A_1 = arith.constant 10 : i32
    %scan3A_2 = arith.addi %scan3A, %scan3A_1 : i32
    %scan3A_3 = arith.constant 1 : i32
    scf.for %scan3A_25 = %scan3A to %scan3A_2 step %scan3A_3  : i32 {
      %mul3A_26 = arith.constant 1 : i32
      %mul3A_27 = arith.muli %scan3A_25, %mul3A_26 : i32
      %add3A_28 = arith.constant 0 : i32
      %add3A_29 = arith.addi %add3A_28, %mul3A_27 : i32
      %mul3A_30 = arith.constant 640 : i32
      %mul3A_31 = arith.muli %arg1, %mul3A_30 : i32
      %mul3A_32 = arith.constant 64 : i32
      %mul3A_33 = arith.muli %add3A_29, %mul3A_32 : i32
      %add3A_34 = arith.addi %mul3A_31, %mul3A_33 : i32
      %run_scoped3A_35 = arith.constant 0 : i32
      "tpu.region"() ({
        %run_scoped3A_36 = tpu.sem_alloc : memref<!tpu.dma_semaphore, #tpu.memory_space<semaphore_mem>>
        %dma_start3A = arith.constant 0 : i32
        %dma_start3A_37 = arith.constant 0 : i32
        %dma_start3A_38 = tpu.memref_slice %arg11[%run_scoped3A_35, %dma_start3A, %dma_start3A_37] : memref<2x64x128xf32, #tpu.memory_space<vmem>> -> memref<1x64x128xf32, #tpu.memory_space<vmem>>
        %dma_start3A_39 = tpu.memref_squeeze %dma_start3A_38 : memref<1x64x128xf32, #tpu.memory_space<vmem>> -> memref<64x128xf32, #tpu.memory_space<vmem>>
        %dma_start3A_40 = arith.constant 0 : i32
        %dma_start3A_41 = tpu.memref_slice %arg12[%add3A_34, %dma_start3A_40] : memref<10368x128xf32, #tpu.memory_space<vmem_shared>> -> memref<64x128xf32, #tpu.memory_space<vmem_shared>>
        %dma_start3A_42 = arith.constant 0 : i32
        %dma_start3A_43 = tpu.memref_slice %arg12[%add3A_34, %dma_start3A_42] : memref<10368x128xf32, #tpu.memory_space<vmem_shared>> -> memref<64x128xf32, #tpu.memory_space<vmem_shared>>
        %dma_start3A_44 = arith.constant 0 : i32
        %dma_start3A_45 = arith.constant 0 : i32
        %dma_start3A_46 = tpu.memref_slice %arg11[%run_scoped3A_35, %dma_start3A_44, %dma_start3A_45] : memref<2x64x128xf32, #tpu.memory_space<vmem>> -> memref<1x64x128xf32, #tpu.memory_space<vmem>>
        %dma_start3A_47 = tpu.memref_squeeze %dma_start3A_46 : memref<1x64x128xf32, #tpu.memory_space<vmem>> -> memref<64x128xf32, #tpu.memory_space<vmem>>
        tpu.enqueue_dma source(%dma_start3A_47 : memref<64x128xf32, #tpu.memory_space<vmem>>) target(%dma_start3A_43 : memref<64x128xf32, #tpu.memory_space<vmem_shared>>) target_semaphore(%run_scoped3A_36 : memref<!tpu.dma_semaphore, #tpu.memory_space<semaphore_mem>>)
        %dma_wait3A = arith.constant 0 : i32
        %dma_wait3A_48 = arith.constant 0 : i32
        %dma_wait3A_49 = tpu.memref_slice %arg11[%run_scoped3A_35, %dma_wait3A, %dma_wait3A_48] : memref<2x64x128xf32, #tpu.memory_space<vmem>> -> memref<1x64x128xf32, #tpu.memory_space<vmem>>
        %dma_wait3A_50 = tpu.memref_squeeze %dma_wait3A_49 : memref<1x64x128xf32, #tpu.memory_space<vmem>> -> memref<64x128xf32, #tpu.memory_space<vmem>>
        %dma_wait3A_51 = arith.constant 0 : i32
        %dma_wait3A_52 = tpu.memref_slice %arg12[%add3A_34, %dma_wait3A_51] : memref<10368x128xf32, #tpu.memory_space<vmem_shared>> -> memref<64x128xf32, #tpu.memory_space<vmem_shared>>
        %dma_wait3A_53 = arith.constant 0 : i32
        %dma_wait3A_54 = tpu.memref_slice %arg12[%add3A_34, %dma_wait3A_53] : memref<10368x128xf32, #tpu.memory_space<vmem_shared>> -> memref<64x128xf32, #tpu.memory_space<vmem_shared>>
        %dma_wait3A_55 = arith.constant 0 : i32
        %dma_wait3A_56 = arith.constant 0 : i32
        %dma_wait3A_57 = tpu.memref_slice %arg11[%run_scoped3A_35, %dma_wait3A_55, %dma_wait3A_56] : memref<2x64x128xf32, #tpu.memory_space<vmem>> -> memref<1x64x128xf32, #tpu.memory_space<vmem>>
        %dma_wait3A_58 = tpu.memref_squeeze %dma_wait3A_57 : memref<1x64x128xf32, #tpu.memory_space<vmem>> -> memref<64x128xf32, #tpu.memory_space<vmem>>
        tpu.wait_dma2 semaphore(%run_scoped3A_36 : memref<!tpu.dma_semaphore, #tpu.memory_space<semaphore_mem>>) src(%dma_wait3A_58 : memref<64x128xf32, #tpu.memory_space<vmem>>) dst(%dma_wait3A_54 : memref<64x128xf32, #tpu.memory_space<vmem_shared>>)
        tpu.yield
      }) : () -> ()
    }
    %scan3A_4 = arith.constant 10 : i32
    %mul3A_5 = arith.constant 8 : i32
    %mul3A_6 = arith.muli %arg1, %mul3A_5 : i32
    %add3A_7 = arith.constant 10240 : i32
    %add3A_8 = arith.addi %add3A_7, %mul3A_6 : i32
    %run_scoped3A_9 = arith.constant 0 : i32
    "tpu.region"() ({
      %run_scoped3A_25 = tpu.sem_alloc : memref<!tpu.dma_semaphore, #tpu.memory_space<semaphore_mem>>
      %dma_start3A = arith.constant 0 : i32
      %dma_start3A_26 = arith.constant 0 : i32
      %dma_start3A_27 = tpu.memref_slice %arg11[%run_scoped3A_9, %dma_start3A, %dma_start3A_26] : memref<2x64x128xf32, #tpu.memory_space<vmem>> -> memref<1x8x128xf32, #tpu.memory_space<vmem>>
      %dma_start3A_28 = tpu.memref_squeeze %dma_start3A_27 : memref<1x8x128xf32, #tpu.memory_space<vmem>> -> memref<8x128xf32, #tpu.memory_space<vmem>>
      %dma_start3A_29 = arith.constant 0 : i32
      %dma_start3A_30 = tpu.memref_slice %arg12[%add3A_8, %dma_start3A_29] : memref<10368x128xf32, #tpu.memory_space<vmem_shared>> -> memref<8x128xf32, #tpu.memory_space<vmem_shared>>
      %dma_start3A_31 = arith.constant 0 : i32
      %dma_start3A_32 = tpu.memref_slice %arg12[%add3A_8, %dma_start3A_31] : memref<10368x128xf32, #tpu.memory_space<vmem_shared>> -> memref<8x128xf32, #tpu.memory_space<vmem_shared>>
      %dma_start3A_33 = arith.constant 0 : i32
      %dma_start3A_34 = arith.constant 0 : i32
      %dma_start3A_35 = tpu.memref_slice %arg11[%run_scoped3A_9, %dma_start3A_33, %dma_start3A_34] : memref<2x64x128xf32, #tpu.memory_space<vmem>> -> memref<1x8x128xf32, #tpu.memory_space<vmem>>
      %dma_start3A_36 = tpu.memref_squeeze %dma_start3A_35 : memref<1x8x128xf32, #tpu.memory_space<vmem>> -> memref<8x128xf32, #tpu.memory_space<vmem>>
      tpu.enqueue_dma source(%dma_start3A_36 : memref<8x128xf32, #tpu.memory_space<vmem>>) target(%dma_start3A_32 : memref<8x128xf32, #tpu.memory_space<vmem_shared>>) target_semaphore(%run_scoped3A_25 : memref<!tpu.dma_semaphore, #tpu.memory_space<semaphore_mem>>)
      %dma_wait3A = arith.constant 0 : i32
      %dma_wait3A_37 = arith.constant 0 : i32
      %dma_wait3A_38 = tpu.memref_slice %arg11[%run_scoped3A_9, %dma_wait3A, %dma_wait3A_37] : memref<2x64x128xf32, #tpu.memory_space<vmem>> -> memref<1x8x128xf32, #tpu.memory_space<vmem>>
      %dma_wait3A_39 = tpu.memref_squeeze %dma_wait3A_38 : memref<1x8x128xf32, #tpu.memory_space<vmem>> -> memref<8x128xf32, #tpu.memory_space<vmem>>
      %dma_wait3A_40 = arith.constant 0 : i32
      %dma_wait3A_41 = tpu.memref_slice %arg12[%add3A_8, %dma_wait3A_40] : memref<10368x128xf32, #tpu.memory_space<vmem_shared>> -> memref<8x128xf32, #tpu.memory_space<vmem_shared>>
      %dma_wait3A_42 = arith.constant 0 : i32
      %dma_wait3A_43 = tpu.memref_slice %arg12[%add3A_8, %dma_wait3A_42] : memref<10368x128xf32, #tpu.memory_space<vmem_shared>> -> memref<8x128xf32, #tpu.memory_space<vmem_shared>>
      %dma_wait3A_44 = arith.constant 0 : i32
      %dma_wait3A_45 = arith.constant 0 : i32
      %dma_wait3A_46 = tpu.memref_slice %arg11[%run_scoped3A_9, %dma_wait3A_44, %dma_wait3A_45] : memref<2x64x128xf32, #tpu.memory_space<vmem>> -> memref<1x8x128xf32, #tpu.memory_space<vmem>>
      %dma_wait3A_47 = tpu.memref_squeeze %dma_wait3A_46 : memref<1x8x128xf32, #tpu.memory_space<vmem>> -> memref<8x128xf32, #tpu.memory_space<vmem>>
      tpu.wait_dma2 semaphore(%run_scoped3A_25 : memref<!tpu.dma_semaphore, #tpu.memory_space<semaphore_mem>>) src(%dma_wait3A_47 : memref<8x128xf32, #tpu.memory_space<vmem>>) dst(%dma_wait3A_43 : memref<8x128xf32, #tpu.memory_space<vmem_shared>>)
      tpu.yield
    }) : () -> ()
    "tpu.region"() ({
      %run_scoped3A_25 = tpu.sem_alloc : memref<!tpu.dma_semaphore, #tpu.memory_space<semaphore_mem>>
      %dma_start3A = arith.constant 0 : i32
      %dma_start3A_26 = arith.constant 0 : i32
      %dma_start3A_27 = tpu.memref_slice %arg5[%dma_start3A, %dma_start3A_26] : memref<128x128xf32, #tpu.memory_space<hbm>> -> memref<80x128xf32, #tpu.memory_space<hbm>>
      %dma_start3A_28 = arith.constant 0 : i32
      %dma_start3A_29 = arith.constant 0 : i32
      %dma_start3A_30 = tpu.memref_slice %arg5[%dma_start3A_28, %dma_start3A_29] : memref<128x128xf32, #tpu.memory_space<hbm>> -> memref<80x128xf32, #tpu.memory_space<hbm>>
      tpu.enqueue_dma source(%dma_start3A_30 : memref<80x128xf32, #tpu.memory_space<hbm>>) target(%arg13 : memref<80x128xf32, #tpu.memory_space<vmem>>) target_semaphore(%run_scoped3A_25 : memref<!tpu.dma_semaphore, #tpu.memory_space<semaphore_mem>>)
      %dma_wait3A = arith.constant 0 : i32
      %dma_wait3A_31 = arith.constant 0 : i32
      %dma_wait3A_32 = tpu.memref_slice %arg5[%dma_wait3A, %dma_wait3A_31] : memref<128x128xf32, #tpu.memory_space<hbm>> -> memref<80x128xf32, #tpu.memory_space<hbm>>
      %dma_wait3A_33 = arith.constant 0 : i32
      %dma_wait3A_34 = arith.constant 0 : i32
      %dma_wait3A_35 = tpu.memref_slice %arg5[%dma_wait3A_33, %dma_wait3A_34] : memref<128x128xf32, #tpu.memory_space<hbm>> -> memref<80x128xf32, #tpu.memory_space<hbm>>
      tpu.wait_dma2 semaphore(%run_scoped3A_25 : memref<!tpu.dma_semaphore, #tpu.memory_space<semaphore_mem>>) src(%dma_wait3A_35 : memref<80x128xf32, #tpu.memory_space<hbm>>) dst(%arg13 : memref<80x128xf32, #tpu.memory_space<vmem>>)
      tpu.yield
    }) : () -> ()
    "tpu.region"() ({
      %run_scoped3A_25 = tpu.sem_alloc : memref<!tpu.dma_semaphore, #tpu.memory_space<semaphore_mem>>
      tpu.enqueue_dma source(%arg6 : memref<80xi32, #tpu.memory_space<hbm>>) target(%arg14 : memref<80xi32, #tpu.memory_space<vmem>>) target_semaphore(%run_scoped3A_25 : memref<!tpu.dma_semaphore, #tpu.memory_space<semaphore_mem>>)
      tpu.wait_dma2 semaphore(%run_scoped3A_25 : memref<!tpu.dma_semaphore, #tpu.memory_space<semaphore_mem>>) src(%arg6 : memref<80xi32, #tpu.memory_space<hbm>>) dst(%arg14 : memref<80xi32, #tpu.memory_space<vmem>>)
      tpu.yield
    }) : () -> ()
    %barrier3A = arith.constant 0 : index
    tpu.barrier barrier_id(%barrier3A)
    %broadcast_in_dim3A = arith.constant 1.000000e+00 : f32
    %broadcast_in_dim3A_10 = vector.broadcast %broadcast_in_dim3A : f32 to vector<16xf32>
    %scan3A_11 = arith.constant 0 : i32
    %scan3A_12 = arith.constant 5 : i32
    %scan3A_13 = arith.addi %scan3A_11, %scan3A_12 : i32
    %scan3A_14 = arith.constant 1 : i32
    scf.for %scan3A_25 = %scan3A_11 to %scan3A_13 step %scan3A_14  : i32 {
      %mul3A_26 = arith.constant 1 : i32
      %mul3A_27 = arith.muli %scan3A_25, %mul3A_26 : i32
      %add3A_28 = arith.constant 0 : i32
      %add3A_29 = arith.addi %add3A_28, %mul3A_27 : i32
      %mul3A_30 = arith.constant 160 : i32
      %mul3A_31 = arith.muli %add3A, %mul3A_30 : i32
      %mul3A_32 = arith.constant 32 : i32
      %mul3A_33 = arith.muli %add3A_29, %mul3A_32 : i32
      %add3A_34 = arith.addi %mul3A_31, %mul3A_33 : i32
      "tpu.region"() ({
        %run_scoped3A_172 = tpu.sem_alloc : memref<!tpu.dma_semaphore, #tpu.memory_space<semaphore_mem>>
        %dma_start3A_173 = arith.constant 0 : i32
        %dma_start3A_174 = tpu.memref_slice %arg3[%add3A_34, %dma_start3A_173] : memref<5120x64xi32, #tpu.memory_space<hbm>> -> memref<32x64xi32, #tpu.memory_space<hbm>>
        %dma_start3A_175 = arith.constant 0 : i32
        %dma_start3A_176 = tpu.memref_slice %arg3[%add3A_34, %dma_start3A_175] : memref<5120x64xi32, #tpu.memory_space<hbm>> -> memref<32x64xi32, #tpu.memory_space<hbm>>
        tpu.enqueue_dma source(%dma_start3A_176 : memref<32x64xi32, #tpu.memory_space<hbm>>) target(%arg9 : memref<32x64xi32, #tpu.memory_space<vmem>>) target_semaphore(%run_scoped3A_172 : memref<!tpu.dma_semaphore, #tpu.memory_space<semaphore_mem>>)
        %dma_wait3A_177 = arith.constant 0 : i32
        %dma_wait3A_178 = tpu.memref_slice %arg3[%add3A_34, %dma_wait3A_177] : memref<5120x64xi32, #tpu.memory_space<hbm>> -> memref<32x64xi32, #tpu.memory_space<hbm>>
        %dma_wait3A_179 = arith.constant 0 : i32
        %dma_wait3A_180 = tpu.memref_slice %arg3[%add3A_34, %dma_wait3A_179] : memref<5120x64xi32, #tpu.memory_space<hbm>> -> memref<32x64xi32, #tpu.memory_space<hbm>>
        tpu.wait_dma2 semaphore(%run_scoped3A_172 : memref<!tpu.dma_semaphore, #tpu.memory_space<semaphore_mem>>) src(%dma_wait3A_180 : memref<32x64xi32, #tpu.memory_space<hbm>>) dst(%arg9 : memref<32x64xi32, #tpu.memory_space<vmem>>)
        tpu.yield
      }) : () -> ()
      %mul3A_35 = arith.constant 160 : i32
      %mul3A_36 = arith.muli %add3A, %mul3A_35 : i32
      %mul3A_37 = arith.constant 32 : i32
      %mul3A_38 = arith.muli %add3A_29, %mul3A_37 : i32
      %add3A_39 = arith.addi %mul3A_36, %mul3A_38 : i32
      "tpu.region"() ({
        %run_scoped3A_172 = tpu.sem_alloc : memref<!tpu.dma_semaphore, #tpu.memory_space<semaphore_mem>>
        %dma_start3A_173 = arith.constant 0 : i32
        %dma_start3A_174 = tpu.memref_slice %arg4[%add3A_39, %dma_start3A_173] : memref<5120x64xi32, #tpu.memory_space<hbm>> -> memref<32x64xi32, #tpu.memory_space<hbm>>
        %dma_start3A_175 = arith.constant 0 : i32
        %dma_start3A_176 = tpu.memref_slice %arg4[%add3A_39, %dma_start3A_175] : memref<5120x64xi32, #tpu.memory_space<hbm>> -> memref<32x64xi32, #tpu.memory_space<hbm>>
        tpu.enqueue_dma source(%dma_start3A_176 : memref<32x64xi32, #tpu.memory_space<hbm>>) target(%arg10 : memref<32x64xi32, #tpu.memory_space<vmem>>) target_semaphore(%run_scoped3A_172 : memref<!tpu.dma_semaphore, #tpu.memory_space<semaphore_mem>>)
        %dma_wait3A_177 = arith.constant 0 : i32
        %dma_wait3A_178 = tpu.memref_slice %arg4[%add3A_39, %dma_wait3A_177] : memref<5120x64xi32, #tpu.memory_space<hbm>> -> memref<32x64xi32, #tpu.memory_space<hbm>>
        %dma_wait3A_179 = arith.constant 0 : i32
        %dma_wait3A_180 = tpu.memref_slice %arg4[%add3A_39, %dma_wait3A_179] : memref<5120x64xi32, #tpu.memory_space<hbm>> -> memref<32x64xi32, #tpu.memory_space<hbm>>
        tpu.wait_dma2 semaphore(%run_scoped3A_172 : memref<!tpu.dma_semaphore, #tpu.memory_space<semaphore_mem>>) src(%dma_wait3A_180 : memref<32x64xi32, #tpu.memory_space<hbm>>) dst(%arg10 : memref<32x64xi32, #tpu.memory_space<vmem>>)
        tpu.yield
      }) : () -> ()
      %dma_start3A = arith.constant 0 : i32
      %dma_start3A_40 = arith.constant 0 : i32
      %dma_start3A_41 = arith.constant 0 : i32
      %dma_start3A_42 = arith.constant 0 : i32
      %dma_start3A_43 = tpu.memref_slice %arg11[%dma_start3A_40, %dma_start3A_41, %dma_start3A_42] : memref<2x64x128xf32, #tpu.memory_space<vmem>> -> memref<1x64x128xf32, #tpu.memory_space<vmem>>
      %dma_start3A_44 = tpu.memref_squeeze %dma_start3A_43 : memref<1x64x128xf32, #tpu.memory_space<vmem>> -> memref<64x128xf32, #tpu.memory_space<vmem>>
      %dma_start3A_45 = arith.constant 0 : i32
      %dma_start3A_46 = tpu.memref_slice %arg9[%dma_start3A, %dma_start3A_45] : memref<32x64xi32, #tpu.memory_space<vmem>> -> memref<1x64xi32, #tpu.memory_space<vmem>>
      %dma_start3A_47 = tpu.memref_squeeze %dma_start3A_46 : memref<1x64xi32, #tpu.memory_space<vmem>> -> memref<64xi32, #tpu.memory_space<vmem>>
      %dma_start3A_48 = arith.constant 0 : i32
      %dma_start3A_49 = arith.constant 0 : i32
      %dma_start3A_50 = tpu.memref_slice %arg2[%dma_start3A_48, %dma_start3A_49] : memref<10000x128xf32, #tpu.memory_space<hbm>> -> memref<10000x128xf32, #tpu.memory_space<hbm>>
      tpu.enqueue_indirect_dma source(%dma_start3A_50 : memref<10000x128xf32, #tpu.memory_space<hbm>>) target(%dma_start3A_44 : memref<64x128xf32, #tpu.memory_space<vmem>>) offsets(%dma_start3A_47 : memref<64xi32, #tpu.memory_space<vmem>>) semaphore(%arg15 : memref<!tpu.dma_semaphore, #tpu.memory_space<semaphore_mem>>)
      %dma_start3A_51 = arith.constant 1 : i32
      %dma_start3A_52 = arith.constant 1 : i32
      %dma_start3A_53 = arith.constant 0 : i32
      %dma_start3A_54 = arith.constant 0 : i32
      %dma_start3A_55 = tpu.memref_slice %arg11[%dma_start3A_52, %dma_start3A_53, %dma_start3A_54] : memref<2x64x128xf32, #tpu.memory_space<vmem>> -> memref<1x64x128xf32, #tpu.memory_space<vmem>>
      %dma_start3A_56 = tpu.memref_squeeze %dma_start3A_55 : memref<1x64x128xf32, #tpu.memory_space<vmem>> -> memref<64x128xf32, #tpu.memory_space<vmem>>
      %dma_start3A_57 = arith.constant 0 : i32
      %dma_start3A_58 = tpu.memref_slice %arg9[%dma_start3A_51, %dma_start3A_57] : memref<32x64xi32, #tpu.memory_space<vmem>> -> memref<1x64xi32, #tpu.memory_space<vmem>>
      %dma_start3A_59 = tpu.memref_squeeze %dma_start3A_58 : memref<1x64xi32, #tpu.memory_space<vmem>> -> memref<64xi32, #tpu.memory_space<vmem>>
      %dma_start3A_60 = arith.constant 0 : i32
      %dma_start3A_61 = arith.constant 0 : i32
      %dma_start3A_62 = tpu.memref_slice %arg2[%dma_start3A_60, %dma_start3A_61] : memref<10000x128xf32, #tpu.memory_space<hbm>> -> memref<10000x128xf32, #tpu.memory_space<hbm>>
      tpu.enqueue_indirect_dma source(%dma_start3A_62 : memref<10000x128xf32, #tpu.memory_space<hbm>>) target(%dma_start3A_56 : memref<64x128xf32, #tpu.memory_space<vmem>>) offsets(%dma_start3A_59 : memref<64xi32, #tpu.memory_space<vmem>>) semaphore(%arg16 : memref<!tpu.dma_semaphore, #tpu.memory_space<semaphore_mem>>)
      %scan3A_63 = arith.constant 0 : i32
      %scan3A_64 = arith.constant 15 : i32
      %scan3A_65 = arith.addi %scan3A_63, %scan3A_64 : i32
      %scan3A_66 = arith.constant 1 : i32
      scf.for %scan3A_172 = %scan3A_63 to %scan3A_65 step %scan3A_66  : i32 {
        %mul3A_173 = arith.constant 1 : i32
        %mul3A_174 = arith.muli %scan3A_172, %mul3A_173 : i32
        %add3A_175 = arith.constant 0 : i32
        %add3A_176 = arith.addi %add3A_175, %mul3A_174 : i32
        %mul3A_177 = arith.constant 2 : i32
        %mul3A_178 = arith.muli %add3A_176, %mul3A_177 : i32
        %add3A_179 = arith.constant 0 : i32
        %add3A_180 = arith.addi %mul3A_178, %add3A_179 : i32
        %dma_wait3A_181 = arith.constant 0 : i32
        %dma_wait3A_182 = arith.constant 0 : i32
        %dma_wait3A_183 = arith.constant 0 : i32
        %dma_wait3A_184 = tpu.memref_slice %arg11[%dma_wait3A_181, %dma_wait3A_182, %dma_wait3A_183] : memref<2x64x128xf32, #tpu.memory_space<vmem>> -> memref<1x64x128xf32, #tpu.memory_space<vmem>>
        %dma_wait3A_185 = tpu.memref_squeeze %dma_wait3A_184 : memref<1x64x128xf32, #tpu.memory_space<vmem>> -> memref<64x128xf32, #tpu.memory_space<vmem>>
        %dma_wait3A_186 = arith.constant 0 : i32
        %dma_wait3A_187 = tpu.memref_slice %arg9[%add3A_180, %dma_wait3A_186] : memref<32x64xi32, #tpu.memory_space<vmem>> -> memref<1x64xi32, #tpu.memory_space<vmem>>
        %dma_wait3A_188 = tpu.memref_squeeze %dma_wait3A_187 : memref<1x64xi32, #tpu.memory_space<vmem>> -> memref<64xi32, #tpu.memory_space<vmem>>
        %dma_wait3A_189 = arith.constant 0 : i32
        %dma_wait3A_190 = arith.constant 0 : i32
        %dma_wait3A_191 = tpu.memref_slice %arg2[%dma_wait3A_189, %dma_wait3A_190] : memref<10000x128xf32, #tpu.memory_space<hbm>> -> memref<10000x128xf32, #tpu.memory_space<hbm>>
        tpu.wait_indirect_dma semaphore(%arg15 : memref<!tpu.dma_semaphore, #tpu.memory_space<semaphore_mem>>) src(%dma_wait3A_191 : memref<10000x128xf32, #tpu.memory_space<hbm>>) dst(%dma_wait3A_185 : memref<64x128xf32, #tpu.memory_space<vmem>>)
        %run_scoped3A_192 = arith.constant 0 : i32
        "tpu.region"() ({
          %run_scoped3A_307 = tpu.sem_alloc : memref<!tpu.dma_semaphore, #tpu.memory_space<semaphore_mem>>
          %dma_start3A_308 = arith.constant 0 : i32
          %dma_start3A_309 = arith.constant 0 : i32
          %dma_start3A_310 = tpu.memref_slice %arg11[%run_scoped3A_192, %dma_start3A_308, %dma_start3A_309] : memref<2x64x128xf32, #tpu.memory_space<vmem>> -> memref<1x64x128xf32, #tpu.memory_space<vmem>>
          %dma_start3A_311 = tpu.memref_squeeze %dma_start3A_310 : memref<1x64x128xf32, #tpu.memory_space<vmem>> -> memref<64x128xf32, #tpu.memory_space<vmem>>
          %dma_start3A_312 = arith.constant 0 : i32
          %dma_start3A_313 = tpu.memref_slice %arg10[%add3A_180, %dma_start3A_312] : memref<32x64xi32, #tpu.memory_space<vmem>> -> memref<1x64xi32, #tpu.memory_space<vmem>>
          %dma_start3A_314 = tpu.memref_squeeze %dma_start3A_313 : memref<1x64xi32, #tpu.memory_space<vmem>> -> memref<64xi32, #tpu.memory_space<vmem>>
          %dma_start3A_315 = arith.constant 0 : i32
          %dma_start3A_316 = arith.constant 0 : i32
          %dma_start3A_317 = tpu.memref_slice %arg12[%dma_start3A_315, %dma_start3A_316] : memref<10368x128xf32, #tpu.memory_space<vmem_shared>> -> memref<10368x128xf32, #tpu.memory_space<vmem_shared>>
          tpu.enqueue_indirect_dma source(%dma_start3A_311 : memref<64x128xf32, #tpu.memory_space<vmem>>) target(%dma_start3A_317 : memref<10368x128xf32, #tpu.memory_space<vmem_shared>>) offsets(%dma_start3A_314 : memref<64xi32, #tpu.memory_space<vmem>>) semaphore(%run_scoped3A_307 : memref<!tpu.dma_semaphore, #tpu.memory_space<semaphore_mem>>) {add = true}
          %dma_wait3A_318 = arith.constant 0 : i32
          %dma_wait3A_319 = arith.constant 0 : i32
          %dma_wait3A_320 = tpu.memref_slice %arg11[%run_scoped3A_192, %dma_wait3A_318, %dma_wait3A_319] : memref<2x64x128xf32, #tpu.memory_space<vmem>> -> memref<1x64x128xf32, #tpu.memory_space<vmem>>
          %dma_wait3A_321 = tpu.memref_squeeze %dma_wait3A_320 : memref<1x64x128xf32, #tpu.memory_space<vmem>> -> memref<64x128xf32, #tpu.memory_space<vmem>>
          %dma_wait3A_322 = arith.constant 0 : i32
          %dma_wait3A_323 = tpu.memref_slice %arg10[%add3A_180, %dma_wait3A_322] : memref<32x64xi32, #tpu.memory_space<vmem>> -> memref<1x64xi32, #tpu.memory_space<vmem>>
          %dma_wait3A_324 = tpu.memref_squeeze %dma_wait3A_323 : memref<1x64xi32, #tpu.memory_space<vmem>> -> memref<64xi32, #tpu.memory_space<vmem>>
          %dma_wait3A_325 = arith.constant 0 : i32
          %dma_wait3A_326 = arith.constant 0 : i32
          %dma_wait3A_327 = tpu.memref_slice %arg12[%dma_wait3A_325, %dma_wait3A_326] : memref<10368x128xf32, #tpu.memory_space<vmem_shared>> -> memref<10368x128xf32, #tpu.memory_space<vmem_shared>>
          tpu.wait_indirect_dma semaphore(%run_scoped3A_307 : memref<!tpu.dma_semaphore, #tpu.memory_space<semaphore_mem>>) src(%dma_wait3A_321 : memref<64x128xf32, #tpu.memory_space<vmem>>) dst(%dma_wait3A_327 : memref<10368x128xf32, #tpu.memory_space<vmem_shared>>)
          tpu.yield
        }) : () -> ()
        %get3A_193 = arith.index_cast %add3A_180 : i32 to index
        %get3A_194 = arith.constant 0 : index
        %get3A_195 = tpu.vector_load %arg10[%get3A_193, %get3A_194] {strides = array<i32>} : memref<32x64xi32, #tpu.memory_space<vmem>>, vector<16xi32>,
        %shift_right_logical3A_196 = arith.constant 7 : i32
        %shift_right_logical3A_197 = vector.broadcast %shift_right_logical3A_196 : i32 to vector<16xi32>
        %shift_right_logical3A_198 = arith.shrui %get3A_195, %shift_right_logical3A_197 : vector<16xi32>
        %and3A_199 = arith.constant 127 : i32
        %and3A_200 = vector.broadcast %and3A_199 : i32 to vector<16xi32>
        %and3A_201 = arith.andi %get3A_195, %and3A_200 : vector<16xi32>
        tpu.vector_store_idx %arg13[%shift_right_logical3A_198, %and3A_201], %broadcast_in_dim3A_10 {add = true} : memref<80x128xf32, #tpu.memory_space<vmem>>[vector<16xi32>, vector<16xi32>], vector<16xf32>,
        %get3A_202 = arith.index_cast %add3A_180 : i32 to index
        %get3A_203 = arith.constant 16 : index
        %get3A_204 = tpu.vector_load %arg10[%get3A_202, %get3A_203] {strides = array<i32>} : memref<32x64xi32, #tpu.memory_space<vmem>>, vector<16xi32>,
        %shift_right_logical3A_205 = arith.constant 7 : i32
        %shift_right_logical3A_206 = vector.broadcast %shift_right_logical3A_205 : i32 to vector<16xi32>
        %shift_right_logical3A_207 = arith.shrui %get3A_204, %shift_right_logical3A_206 : vector<16xi32>
        %and3A_208 = arith.constant 127 : i32
        %and3A_209 = vector.broadcast %and3A_208 : i32 to vector<16xi32>
        %and3A_210 = arith.andi %get3A_204, %and3A_209 : vector<16xi32>
        tpu.vector_store_idx %arg13[%shift_right_logical3A_207, %and3A_210], %broadcast_in_dim3A_10 {add = true} : memref<80x128xf32, #tpu.memory_space<vmem>>[vector<16xi32>, vector<16xi32>], vector<16xf32>,
        %get3A_211 = arith.index_cast %add3A_180 : i32 to index
        %get3A_212 = arith.constant 32 : index
        %get3A_213 = tpu.vector_load %arg10[%get3A_211, %get3A_212] {strides = array<i32>} : memref<32x64xi32, #tpu.memory_space<vmem>>, vector<16xi32>,
        %shift_right_logical3A_214 = arith.constant 7 : i32
        %shift_right_logical3A_215 = vector.broadcast %shift_right_logical3A_214 : i32 to vector<16xi32>
        %shift_right_logical3A_216 = arith.shrui %get3A_213, %shift_right_logical3A_215 : vector<16xi32>
        %and3A_217 = arith.constant 127 : i32
        %and3A_218 = vector.broadcast %and3A_217 : i32 to vector<16xi32>
        %and3A_219 = arith.andi %get3A_213, %and3A_218 : vector<16xi32>
        tpu.vector_store_idx %arg13[%shift_right_logical3A_216, %and3A_219], %broadcast_in_dim3A_10 {add = true} : memref<80x128xf32, #tpu.memory_space<vmem>>[vector<16xi32>, vector<16xi32>], vector<16xf32>,
        %get3A_220 = arith.index_cast %add3A_180 : i32 to index
        %get3A_221 = arith.constant 48 : index
        %get3A_222 = tpu.vector_load %arg10[%get3A_220, %get3A_221] {strides = array<i32>} : memref<32x64xi32, #tpu.memory_space<vmem>>, vector<16xi32>,
        %shift_right_logical3A_223 = arith.constant 7 : i32
        %shift_right_logical3A_224 = vector.broadcast %shift_right_logical3A_223 : i32 to vector<16xi32>
        %shift_right_logical3A_225 = arith.shrui %get3A_222, %shift_right_logical3A_224 : vector<16xi32>
        %and3A_226 = arith.constant 127 : i32
        %and3A_227 = vector.broadcast %and3A_226 : i32 to vector<16xi32>
        %and3A_228 = arith.andi %get3A_222, %and3A_227 : vector<16xi32>
        tpu.vector_store_idx %arg13[%shift_right_logical3A_225, %and3A_228], %broadcast_in_dim3A_10 {add = true} : memref<80x128xf32, #tpu.memory_space<vmem>>[vector<16xi32>, vector<16xi32>], vector<16xf32>,
        %add3A_229 = arith.constant 2 : i32
        %add3A_230 = arith.addi %add3A_180, %add3A_229 : i32
        %dma_start3A_231 = arith.constant 0 : i32
        %dma_start3A_232 = arith.constant 0 : i32
        %dma_start3A_233 = arith.constant 0 : i32
        %dma_start3A_234 = tpu.memref_slice %arg11[%dma_start3A_231, %dma_start3A_232, %dma_start3A_233] : memref<2x64x128xf32, #tpu.memory_space<vmem>> -> memref<1x64x128xf32, #tpu.memory_space<vmem>>
        %dma_start3A_235 = tpu.memref_squeeze %dma_start3A_234 : memref<1x64x128xf32, #tpu.memory_space<vmem>> -> memref<64x128xf32, #tpu.memory_space<vmem>>
        %dma_start3A_236 = arith.constant 0 : i32
        %dma_start3A_237 = tpu.memref_slice %arg9[%add3A_230, %dma_start3A_236] : memref<32x64xi32, #tpu.memory_space<vmem>> -> memref<1x64xi32, #tpu.memory_space<vmem>>
        %dma_start3A_238 = tpu.memref_squeeze %dma_start3A_237 : memref<1x64xi32, #tpu.memory_space<vmem>> -> memref<64xi32, #tpu.memory_space<vmem>>
        %dma_start3A_239 = arith.constant 0 : i32
        %dma_start3A_240 = arith.constant 0 : i32
        %dma_start3A_241 = tpu.memref_slice %arg2[%dma_start3A_239, %dma_start3A_240] : memref<10000x128xf32, #tpu.memory_space<hbm>> -> memref<10000x128xf32, #tpu.memory_space<hbm>>
        tpu.enqueue_indirect_dma source(%dma_start3A_241 : memref<10000x128xf32, #tpu.memory_space<hbm>>) target(%dma_start3A_235 : memref<64x128xf32, #tpu.memory_space<vmem>>) offsets(%dma_start3A_238 : memref<64xi32, #tpu.memory_space<vmem>>) semaphore(%arg15 : memref<!tpu.dma_semaphore, #tpu.memory_space<semaphore_mem>>)
        %mul3A_242 = arith.constant 2 : i32
        %mul3A_243 = arith.muli %add3A_176, %mul3A_242 : i32
        %add3A_244 = arith.constant 1 : i32
        %add3A_245 = arith.addi %mul3A_243, %add3A_244 : i32
        %dma_wait3A_246 = arith.constant 1 : i32
        %dma_wait3A_247 = arith.constant 0 : i32
        %dma_wait3A_248 = arith.constant 0 : i32
        %dma_wait3A_249 = tpu.memref_slice %arg11[%dma_wait3A_246, %dma_wait3A_247, %dma_wait3A_248] : memref<2x64x128xf32, #tpu.memory_space<vmem>> -> memref<1x64x128xf32, #tpu.memory_space<vmem>>
        %dma_wait3A_250 = tpu.memref_squeeze %dma_wait3A_249 : memref<1x64x128xf32, #tpu.memory_space<vmem>> -> memref<64x128xf32, #tpu.memory_space<vmem>>
        %dma_wait3A_251 = arith.constant 0 : i32
        %dma_wait3A_252 = tpu.memref_slice %arg9[%add3A_245, %dma_wait3A_251] : memref<32x64xi32, #tpu.memory_space<vmem>> -> memref<1x64xi32, #tpu.memory_space<vmem>>
        %dma_wait3A_253 = tpu.memref_squeeze %dma_wait3A_252 : memref<1x64xi32, #tpu.memory_space<vmem>> -> memref<64xi32, #tpu.memory_space<vmem>>
        %dma_wait3A_254 = arith.constant 0 : i32
        %dma_wait3A_255 = arith.constant 0 : i32
        %dma_wait3A_256 = tpu.memref_slice %arg2[%dma_wait3A_254, %dma_wait3A_255] : memref<10000x128xf32, #tpu.memory_space<hbm>> -> memref<10000x128xf32, #tpu.memory_space<hbm>>
        tpu.wait_indirect_dma semaphore(%arg16 : memref<!tpu.dma_semaphore, #tpu.memory_space<semaphore_mem>>) src(%dma_wait3A_256 : memref<10000x128xf32, #tpu.memory_space<hbm>>) dst(%dma_wait3A_250 : memref<64x128xf32, #tpu.memory_space<vmem>>)
        %run_scoped3A_257 = arith.constant 1 : i32
        "tpu.region"() ({
          %run_scoped3A_307 = tpu.sem_alloc : memref<!tpu.dma_semaphore, #tpu.memory_space<semaphore_mem>>
          %dma_start3A_308 = arith.constant 0 : i32
          %dma_start3A_309 = arith.constant 0 : i32
          %dma_start3A_310 = tpu.memref_slice %arg11[%run_scoped3A_257, %dma_start3A_308, %dma_start3A_309] : memref<2x64x128xf32, #tpu.memory_space<vmem>> -> memref<1x64x128xf32, #tpu.memory_space<vmem>>
          %dma_start3A_311 = tpu.memref_squeeze %dma_start3A_310 : memref<1x64x128xf32, #tpu.memory_space<vmem>> -> memref<64x128xf32, #tpu.memory_space<vmem>>
          %dma_start3A_312 = arith.constant 0 : i32
          %dma_start3A_313 = tpu.memref_slice %arg10[%add3A_245, %dma_start3A_312] : memref<32x64xi32, #tpu.memory_space<vmem>> -> memref<1x64xi32, #tpu.memory_space<vmem>>
          %dma_start3A_314 = tpu.memref_squeeze %dma_start3A_313 : memref<1x64xi32, #tpu.memory_space<vmem>> -> memref<64xi32, #tpu.memory_space<vmem>>
          %dma_start3A_315 = arith.constant 0 : i32
          %dma_start3A_316 = arith.constant 0 : i32
          %dma_start3A_317 = tpu.memref_slice %arg12[%dma_start3A_315, %dma_start3A_316] : memref<10368x128xf32, #tpu.memory_space<vmem_shared>> -> memref<10368x128xf32, #tpu.memory_space<vmem_shared>>
          tpu.enqueue_indirect_dma source(%dma_start3A_311 : memref<64x128xf32, #tpu.memory_space<vmem>>) target(%dma_start3A_317 : memref<10368x128xf32, #tpu.memory_space<vmem_shared>>) offsets(%dma_start3A_314 : memref<64xi32, #tpu.memory_space<vmem>>) semaphore(%run_scoped3A_307 : memref<!tpu.dma_semaphore, #tpu.memory_space<semaphore_mem>>) {add = true}
          %dma_wait3A_318 = arith.constant 0 : i32
          %dma_wait3A_319 = arith.constant 0 : i32
          %dma_wait3A_320 = tpu.memref_slice %arg11[%run_scoped3A_257, %dma_wait3A_318, %dma_wait3A_319] : memref<2x64x128xf32, #tpu.memory_space<vmem>> -> memref<1x64x128xf32, #tpu.memory_space<vmem>>
          %dma_wait3A_321 = tpu.memref_squeeze %dma_wait3A_320 : memref<1x64x128xf32, #tpu.memory_space<vmem>> -> memref<64x128xf32, #tpu.memory_space<vmem>>
          %dma_wait3A_322 = arith.constant 0 : i32
          %dma_wait3A_323 = tpu.memref_slice %arg10[%add3A_245, %dma_wait3A_322] : memref<32x64xi32, #tpu.memory_space<vmem>> -> memref<1x64xi32, #tpu.memory_space<vmem>>
          %dma_wait3A_324 = tpu.memref_squeeze %dma_wait3A_323 : memref<1x64xi32, #tpu.memory_space<vmem>> -> memref<64xi32, #tpu.memory_space<vmem>>
          %dma_wait3A_325 = arith.constant 0 : i32
          %dma_wait3A_326 = arith.constant 0 : i32
          %dma_wait3A_327 = tpu.memref_slice %arg12[%dma_wait3A_325, %dma_wait3A_326] : memref<10368x128xf32, #tpu.memory_space<vmem_shared>> -> memref<10368x128xf32, #tpu.memory_space<vmem_shared>>
          tpu.wait_indirect_dma semaphore(%run_scoped3A_307 : memref<!tpu.dma_semaphore, #tpu.memory_space<semaphore_mem>>) src(%dma_wait3A_321 : memref<64x128xf32, #tpu.memory_space<vmem>>) dst(%dma_wait3A_327 : memref<10368x128xf32, #tpu.memory_space<vmem_shared>>)
          tpu.yield
        }) : () -> ()
        %get3A_258 = arith.index_cast %add3A_245 : i32 to index
        %get3A_259 = arith.constant 0 : index
        %get3A_260 = tpu.vector_load %arg10[%get3A_258, %get3A_259] {strides = array<i32>} : memref<32x64xi32, #tpu.memory_space<vmem>>, vector<16xi32>,
        %shift_right_logical3A_261 = arith.constant 7 : i32
        %shift_right_logical3A_262 = vector.broadcast %shift_right_logical3A_261 : i32 to vector<16xi32>
        %shift_right_logical3A_263 = arith.shrui %get3A_260, %shift_right_logical3A_262 : vector<16xi32>
        %and3A_264 = arith.constant 127 : i32
        %and3A_265 = vector.broadcast %and3A_264 : i32 to vector<16xi32>
        %and3A_266 = arith.andi %get3A_260, %and3A_265 : vector<16xi32>
        tpu.vector_store_idx %arg13[%shift_right_logical3A_263, %and3A_266], %broadcast_in_dim3A_10 {add = true} : memref<80x128xf32, #tpu.memory_space<vmem>>[vector<16xi32>, vector<16xi32>], vector<16xf32>,
        %get3A_267 = arith.index_cast %add3A_245 : i32 to index
        %get3A_268 = arith.constant 16 : index
        %get3A_269 = tpu.vector_load %arg10[%get3A_267, %get3A_268] {strides = array<i32>} : memref<32x64xi32, #tpu.memory_space<vmem>>, vector<16xi32>,
        %shift_right_logical3A_270 = arith.constant 7 : i32
        %shift_right_logical3A_271 = vector.broadcast %shift_right_logical3A_270 : i32 to vector<16xi32>
        %shift_right_logical3A_272 = arith.shrui %get3A_269, %shift_right_logical3A_271 : vector<16xi32>
        %and3A_273 = arith.constant 127 : i32
        %and3A_274 = vector.broadcast %and3A_273 : i32 to vector<16xi32>
        %and3A_275 = arith.andi %get3A_269, %and3A_274 : vector<16xi32>
        tpu.vector_store_idx %arg13[%shift_right_logical3A_272, %and3A_275], %broadcast_in_dim3A_10 {add = true} : memref<80x128xf32, #tpu.memory_space<vmem>>[vector<16xi32>, vector<16xi32>], vector<16xf32>,
        %get3A_276 = arith.index_cast %add3A_245 : i32 to index
        %get3A_277 = arith.constant 32 : index
        %get3A_278 = tpu.vector_load %arg10[%get3A_276, %get3A_277] {strides = array<i32>} : memref<32x64xi32, #tpu.memory_space<vmem>>, vector<16xi32>,
        %shift_right_logical3A_279 = arith.constant 7 : i32
        %shift_right_logical3A_280 = vector.broadcast %shift_right_logical3A_279 : i32 to vector<16xi32>
        %shift_right_logical3A_281 = arith.shrui %get3A_278, %shift_right_logical3A_280 : vector<16xi32>
        %and3A_282 = arith.constant 127 : i32
        %and3A_283 = vector.broadcast %and3A_282 : i32 to vector<16xi32>
        %and3A_284 = arith.andi %get3A_278, %and3A_283 : vector<16xi32>
        tpu.vector_store_idx %arg13[%shift_right_logical3A_281, %and3A_284], %broadcast_in_dim3A_10 {add = true} : memref<80x128xf32, #tpu.memory_space<vmem>>[vector<16xi32>, vector<16xi32>], vector<16xf32>,
        %get3A_285 = arith.index_cast %add3A_245 : i32 to index
        %get3A_286 = arith.constant 48 : index
        %get3A_287 = tpu.vector_load %arg10[%get3A_285, %get3A_286] {strides = array<i32>} : memref<32x64xi32, #tpu.memory_space<vmem>>, vector<16xi32>,
        %shift_right_logical3A_288 = arith.constant 7 : i32
        %shift_right_logical3A_289 = vector.broadcast %shift_right_logical3A_288 : i32 to vector<16xi32>
        %shift_right_logical3A_290 = arith.shrui %get3A_287, %shift_right_logical3A_289 : vector<16xi32>
        %and3A_291 = arith.constant 127 : i32
        %and3A_292 = vector.broadcast %and3A_291 : i32 to vector<16xi32>
        %and3A_293 = arith.andi %get3A_287, %and3A_292 : vector<16xi32>
        tpu.vector_store_idx %arg13[%shift_right_logical3A_290, %and3A_293], %broadcast_in_dim3A_10 {add = true} : memref<80x128xf32, #tpu.memory_space<vmem>>[vector<16xi32>, vector<16xi32>], vector<16xf32>,
        %add3A_294 = arith.constant 2 : i32
        %add3A_295 = arith.addi %add3A_245, %add3A_294 : i32
        %dma_start3A_296 = arith.constant 1 : i32
        %dma_start3A_297 = arith.constant 0 : i32
        %dma_start3A_298 = arith.constant 0 : i32
        %dma_start3A_299 = tpu.memref_slice %arg11[%dma_start3A_296, %dma_start3A_297, %dma_start3A_298] : memref<2x64x128xf32, #tpu.memory_space<vmem>> -> memref<1x64x128xf32, #tpu.memory_space<vmem>>
        %dma_start3A_300 = tpu.memref_squeeze %dma_start3A_299 : memref<1x64x128xf32, #tpu.memory_space<vmem>> -> memref<64x128xf32, #tpu.memory_space<vmem>>
        %dma_start3A_301 = arith.constant 0 : i32
        %dma_start3A_302 = tpu.memref_slice %arg9[%add3A_295, %dma_start3A_301] : memref<32x64xi32, #tpu.memory_space<vmem>> -> memref<1x64xi32, #tpu.memory_space<vmem>>
        %dma_start3A_303 = tpu.memref_squeeze %dma_start3A_302 : memref<1x64xi32, #tpu.memory_space<vmem>> -> memref<64xi32, #tpu.memory_space<vmem>>
        %dma_start3A_304 = arith.constant 0 : i32
        %dma_start3A_305 = arith.constant 0 : i32
        %dma_start3A_306 = tpu.memref_slice %arg2[%dma_start3A_304, %dma_start3A_305] : memref<10000x128xf32, #tpu.memory_space<hbm>> -> memref<10000x128xf32, #tpu.memory_space<hbm>>
        tpu.enqueue_indirect_dma source(%dma_start3A_306 : memref<10000x128xf32, #tpu.memory_space<hbm>>) target(%dma_start3A_300 : memref<64x128xf32, #tpu.memory_space<vmem>>) offsets(%dma_start3A_303 : memref<64xi32, #tpu.memory_space<vmem>>) semaphore(%arg16 : memref<!tpu.dma_semaphore, #tpu.memory_space<semaphore_mem>>)
      }
      %scan3A_67 = arith.constant 15 : i32
      %dma_wait3A = arith.constant 30 : i32
      %dma_wait3A_68 = arith.constant 0 : i32
      %dma_wait3A_69 = arith.constant 0 : i32
      %dma_wait3A_70 = arith.constant 0 : i32
      %dma_wait3A_71 = tpu.memref_slice %arg11[%dma_wait3A_68, %dma_wait3A_69, %dma_wait3A_70] : memref<2x64x128xf32, #tpu.memory_space<vmem>> -> memref<1x64x128xf32, #tpu.memory_space<vmem>>
      %dma_wait3A_72 = tpu.memref_squeeze %dma_wait3A_71 : memref<1x64x128xf32, #tpu.memory_space<vmem>> -> memref<64x128xf32, #tpu.memory_space<vmem>>
      %dma_wait3A_73 = arith.constant 0 : i32
      %dma_wait3A_74 = tpu.memref_slice %arg9[%dma_wait3A, %dma_wait3A_73] : memref<32x64xi32, #tpu.memory_space<vmem>> -> memref<1x64xi32, #tpu.memory_space<vmem>>
      %dma_wait3A_75 = tpu.memref_squeeze %dma_wait3A_74 : memref<1x64xi32, #tpu.memory_space<vmem>> -> memref<64xi32, #tpu.memory_space<vmem>>
      %dma_wait3A_76 = arith.constant 0 : i32
      %dma_wait3A_77 = arith.constant 0 : i32
      %dma_wait3A_78 = tpu.memref_slice %arg2[%dma_wait3A_76, %dma_wait3A_77] : memref<10000x128xf32, #tpu.memory_space<hbm>> -> memref<10000x128xf32, #tpu.memory_space<hbm>>
      tpu.wait_indirect_dma semaphore(%arg15 : memref<!tpu.dma_semaphore, #tpu.memory_space<semaphore_mem>>) src(%dma_wait3A_78 : memref<10000x128xf32, #tpu.memory_space<hbm>>) dst(%dma_wait3A_72 : memref<64x128xf32, #tpu.memory_space<vmem>>)
      %run_scoped3A_79 = arith.constant 0 : i32
      %run_scoped3A_80 = arith.constant 30 : i32
      "tpu.region"() ({
        %run_scoped3A_172 = tpu.sem_alloc : memref<!tpu.dma_semaphore, #tpu.memory_space<semaphore_mem>>
        %dma_start3A_173 = arith.constant 0 : i32
        %dma_start3A_174 = arith.constant 0 : i32
        %dma_start3A_175 = tpu.memref_slice %arg11[%run_scoped3A_79, %dma_start3A_173, %dma_start3A_174] : memref<2x64x128xf32, #tpu.memory_space<vmem>> -> memref<1x64x128xf32, #tpu.memory_space<vmem>>
        %dma_start3A_176 = tpu.memref_squeeze %dma_start3A_175 : memref<1x64x128xf32, #tpu.memory_space<vmem>> -> memref<64x128xf32, #tpu.memory_space<vmem>>
        %dma_start3A_177 = arith.constant 0 : i32
        %dma_start3A_178 = tpu.memref_slice %arg10[%run_scoped3A_80, %dma_start3A_177] : memref<32x64xi32, #tpu.memory_space<vmem>> -> memref<1x64xi32, #tpu.memory_space<vmem>>
        %dma_start3A_179 = tpu.memref_squeeze %dma_start3A_178 : memref<1x64xi32, #tpu.memory_space<vmem>> -> memref<64xi32, #tpu.memory_space<vmem>>
        %dma_start3A_180 = arith.constant 0 : i32
        %dma_start3A_181 = arith.constant 0 : i32
        %dma_start3A_182 = tpu.memref_slice %arg12[%dma_start3A_180, %dma_start3A_181] : memref<10368x128xf32, #tpu.memory_space<vmem_shared>> -> memref<10368x128xf32, #tpu.memory_space<vmem_shared>>
        tpu.enqueue_indirect_dma source(%dma_start3A_176 : memref<64x128xf32, #tpu.memory_space<vmem>>) target(%dma_start3A_182 : memref<10368x128xf32, #tpu.memory_space<vmem_shared>>) offsets(%dma_start3A_179 : memref<64xi32, #tpu.memory_space<vmem>>) semaphore(%run_scoped3A_172 : memref<!tpu.dma_semaphore, #tpu.memory_space<semaphore_mem>>) {add = true}
        %dma_wait3A_183 = arith.constant 0 : i32
        %dma_wait3A_184 = arith.constant 0 : i32
        %dma_wait3A_185 = tpu.memref_slice %arg11[%run_scoped3A_79, %dma_wait3A_183, %dma_wait3A_184] : memref<2x64x128xf32, #tpu.memory_space<vmem>> -> memref<1x64x128xf32, #tpu.memory_space<vmem>>
        %dma_wait3A_186 = tpu.memref_squeeze %dma_wait3A_185 : memref<1x64x128xf32, #tpu.memory_space<vmem>> -> memref<64x128xf32, #tpu.memory_space<vmem>>
        %dma_wait3A_187 = arith.constant 0 : i32
        %dma_wait3A_188 = tpu.memref_slice %arg10[%run_scoped3A_80, %dma_wait3A_187] : memref<32x64xi32, #tpu.memory_space<vmem>> -> memref<1x64xi32, #tpu.memory_space<vmem>>
        %dma_wait3A_189 = tpu.memref_squeeze %dma_wait3A_188 : memref<1x64xi32, #tpu.memory_space<vmem>> -> memref<64xi32, #tpu.memory_space<vmem>>
        %dma_wait3A_190 = arith.constant 0 : i32
        %dma_wait3A_191 = arith.constant 0 : i32
        %dma_wait3A_192 = tpu.memref_slice %arg12[%dma_wait3A_190, %dma_wait3A_191] : memref<10368x128xf32, #tpu.memory_space<vmem_shared>> -> memref<10368x128xf32, #tpu.memory_space<vmem_shared>>
        tpu.wait_indirect_dma semaphore(%run_scoped3A_172 : memref<!tpu.dma_semaphore, #tpu.memory_space<semaphore_mem>>) src(%dma_wait3A_186 : memref<64x128xf32, #tpu.memory_space<vmem>>) dst(%dma_wait3A_192 : memref<10368x128xf32, #tpu.memory_space<vmem_shared>>)
        tpu.yield
      }) : () -> ()
      %get3A = arith.constant 30 : i32
      %get3A_81 = arith.index_cast %get3A : i32 to index
      %get3A_82 = arith.constant 0 : index
      %get3A_83 = tpu.vector_load %arg10[%get3A_81, %get3A_82] {strides = array<i32>} : memref<32x64xi32, #tpu.memory_space<vmem>>, vector<16xi32>,
      %shift_right_logical3A = arith.constant 7 : i32
      %shift_right_logical3A_84 = vector.broadcast %shift_right_logical3A : i32 to vector<16xi32>
      %shift_right_logical3A_85 = arith.shrui %get3A_83, %shift_right_logical3A_84 : vector<16xi32>
      %and3A = arith.constant 127 : i32
      %and3A_86 = vector.broadcast %and3A : i32 to vector<16xi32>
      %and3A_87 = arith.andi %get3A_83, %and3A_86 : vector<16xi32>
      tpu.vector_store_idx %arg13[%shift_right_logical3A_85, %and3A_87], %broadcast_in_dim3A_10 {add = true} : memref<80x128xf32, #tpu.memory_space<vmem>>[vector<16xi32>, vector<16xi32>], vector<16xf32>,
      %get3A_88 = arith.constant 30 : i32
      %get3A_89 = arith.index_cast %get3A_88 : i32 to index
      %get3A_90 = arith.constant 16 : index
      %get3A_91 = tpu.vector_load %arg10[%get3A_89, %get3A_90] {strides = array<i32>} : memref<32x64xi32, #tpu.memory_space<vmem>>, vector<16xi32>,
      %shift_right_logical3A_92 = arith.constant 7 : i32
      %shift_right_logical3A_93 = vector.broadcast %shift_right_logical3A_92 : i32 to vector<16xi32>
      %shift_right_logical3A_94 = arith.shrui %get3A_91, %shift_right_logical3A_93 : vector<16xi32>
      %and3A_95 = arith.constant 127 : i32
      %and3A_96 = vector.broadcast %and3A_95 : i32 to vector<16xi32>
      %and3A_97 = arith.andi %get3A_91, %and3A_96 : vector<16xi32>
      tpu.vector_store_idx %arg13[%shift_right_logical3A_94, %and3A_97], %broadcast_in_dim3A_10 {add = true} : memref<80x128xf32, #tpu.memory_space<vmem>>[vector<16xi32>, vector<16xi32>], vector<16xf32>,
      %get3A_98 = arith.constant 30 : i32
      %get3A_99 = arith.index_cast %get3A_98 : i32 to index
      %get3A_100 = arith.constant 32 : index
      %get3A_101 = tpu.vector_load %arg10[%get3A_99, %get3A_100] {strides = array<i32>} : memref<32x64xi32, #tpu.memory_space<vmem>>, vector<16xi32>,
      %shift_right_logical3A_102 = arith.constant 7 : i32
      %shift_right_logical3A_103 = vector.broadcast %shift_right_logical3A_102 : i32 to vector<16xi32>
      %shift_right_logical3A_104 = arith.shrui %get3A_101, %shift_right_logical3A_103 : vector<16xi32>
      %and3A_105 = arith.constant 127 : i32
      %and3A_106 = vector.broadcast %and3A_105 : i32 to vector<16xi32>
      %and3A_107 = arith.andi %get3A_101, %and3A_106 : vector<16xi32>
      tpu.vector_store_idx %arg13[%shift_right_logical3A_104, %and3A_107], %broadcast_in_dim3A_10 {add = true} : memref<80x128xf32, #tpu.memory_space<vmem>>[vector<16xi32>, vector<16xi32>], vector<16xf32>,
      %get3A_108 = arith.constant 30 : i32
      %get3A_109 = arith.index_cast %get3A_108 : i32 to index
      %get3A_110 = arith.constant 48 : index
      %get3A_111 = tpu.vector_load %arg10[%get3A_109, %get3A_110] {strides = array<i32>} : memref<32x64xi32, #tpu.memory_space<vmem>>, vector<16xi32>,
      %shift_right_logical3A_112 = arith.constant 7 : i32
      %shift_right_logical3A_113 = vector.broadcast %shift_right_logical3A_112 : i32 to vector<16xi32>
      %shift_right_logical3A_114 = arith.shrui %get3A_111, %shift_right_logical3A_113 : vector<16xi32>
      %and3A_115 = arith.constant 127 : i32
      %and3A_116 = vector.broadcast %and3A_115 : i32 to vector<16xi32>
      %and3A_117 = arith.andi %get3A_111, %and3A_116 : vector<16xi32>
      tpu.vector_store_idx %arg13[%shift_right_logical3A_114, %and3A_117], %broadcast_in_dim3A_10 {add = true} : memref<80x128xf32, #tpu.memory_space<vmem>>[vector<16xi32>, vector<16xi32>], vector<16xf32>,
      %dma_wait3A_118 = arith.constant 31 : i32
      %dma_wait3A_119 = arith.constant 1 : i32
      %dma_wait3A_120 = arith.constant 0 : i32
      %dma_wait3A_121 = arith.constant 0 : i32
      %dma_wait3A_122 = tpu.memref_slice %arg11[%dma_wait3A_119, %dma_wait3A_120, %dma_wait3A_121] : memref<2x64x128xf32, #tpu.memory_space<vmem>> -> memref<1x64x128xf32, #tpu.memory_space<vmem>>
      %dma_wait3A_123 = tpu.memref_squeeze %dma_wait3A_122 : memref<1x64x128xf32, #tpu.memory_space<vmem>> -> memref<64x128xf32, #tpu.memory_space<vmem>>
      %dma_wait3A_124 = arith.constant 0 : i32
      %dma_wait3A_125 = tpu.memref_slice %arg9[%dma_wait3A_118, %dma_wait3A_124] : memref<32x64xi32, #tpu.memory_space<vmem>> -> memref<1x64xi32, #tpu.memory_space<vmem>>
      %dma_wait3A_126 = tpu.memref_squeeze %dma_wait3A_125 : memref<1x64xi32, #tpu.memory_space<vmem>> -> memref<64xi32, #tpu.memory_space<vmem>>
      %dma_wait3A_127 = arith.constant 0 : i32
      %dma_wait3A_128 = arith.constant 0 : i32
      %dma_wait3A_129 = tpu.memref_slice %arg2[%dma_wait3A_127, %dma_wait3A_128] : memref<10000x128xf32, #tpu.memory_space<hbm>> -> memref<10000x128xf32, #tpu.memory_space<hbm>>
      tpu.wait_indirect_dma semaphore(%arg16 : memref<!tpu.dma_semaphore, #tpu.memory_space<semaphore_mem>>) src(%dma_wait3A_129 : memref<10000x128xf32, #tpu.memory_space<hbm>>) dst(%dma_wait3A_123 : memref<64x128xf32, #tpu.memory_space<vmem>>)
      %run_scoped3A_130 = arith.constant 1 : i32
      %run_scoped3A_131 = arith.constant 31 : i32
      "tpu.region"() ({
        %run_scoped3A_172 = tpu.sem_alloc : memref<!tpu.dma_semaphore, #tpu.memory_space<semaphore_mem>>
        %dma_start3A_173 = arith.constant 0 : i32
        %dma_start3A_174 = arith.constant 0 : i32
        %dma_start3A_175 = tpu.memref_slice %arg11[%run_scoped3A_130, %dma_start3A_173, %dma_start3A_174] : memref<2x64x128xf32, #tpu.memory_space<vmem>> -> memref<1x64x128xf32, #tpu.memory_space<vmem>>
        %dma_start3A_176 = tpu.memref_squeeze %dma_start3A_175 : memref<1x64x128xf32, #tpu.memory_space<vmem>> -> memref<64x128xf32, #tpu.memory_space<vmem>>
        %dma_start3A_177 = arith.constant 0 : i32
        %dma_start3A_178 = tpu.memref_slice %arg10[%run_scoped3A_131, %dma_start3A_177] : memref<32x64xi32, #tpu.memory_space<vmem>> -> memref<1x64xi32, #tpu.memory_space<vmem>>
        %dma_start3A_179 = tpu.memref_squeeze %dma_start3A_178 : memref<1x64xi32, #tpu.memory_space<vmem>> -> memref<64xi32, #tpu.memory_space<vmem>>
        %dma_start3A_180 = arith.constant 0 : i32
        %dma_start3A_181 = arith.constant 0 : i32
        %dma_start3A_182 = tpu.memref_slice %arg12[%dma_start3A_180, %dma_start3A_181] : memref<10368x128xf32, #tpu.memory_space<vmem_shared>> -> memref<10368x128xf32, #tpu.memory_space<vmem_shared>>
        tpu.enqueue_indirect_dma source(%dma_start3A_176 : memref<64x128xf32, #tpu.memory_space<vmem>>) target(%dma_start3A_182 : memref<10368x128xf32, #tpu.memory_space<vmem_shared>>) offsets(%dma_start3A_179 : memref<64xi32, #tpu.memory_space<vmem>>) semaphore(%run_scoped3A_172 : memref<!tpu.dma_semaphore, #tpu.memory_space<semaphore_mem>>) {add = true}
        %dma_wait3A_183 = arith.constant 0 : i32
        %dma_wait3A_184 = arith.constant 0 : i32
        %dma_wait3A_185 = tpu.memref_slice %arg11[%run_scoped3A_130, %dma_wait3A_183, %dma_wait3A_184] : memref<2x64x128xf32, #tpu.memory_space<vmem>> -> memref<1x64x128xf32, #tpu.memory_space<vmem>>
        %dma_wait3A_186 = tpu.memref_squeeze %dma_wait3A_185 : memref<1x64x128xf32, #tpu.memory_space<vmem>> -> memref<64x128xf32, #tpu.memory_space<vmem>>
        %dma_wait3A_187 = arith.constant 0 : i32
        %dma_wait3A_188 = tpu.memref_slice %arg10[%run_scoped3A_131, %dma_wait3A_187] : memref<32x64xi32, #tpu.memory_space<vmem>> -> memref<1x64xi32, #tpu.memory_space<vmem>>
        %dma_wait3A_189 = tpu.memref_squeeze %dma_wait3A_188 : memref<1x64xi32, #tpu.memory_space<vmem>> -> memref<64xi32, #tpu.memory_space<vmem>>
        %dma_wait3A_190 = arith.constant 0 : i32
        %dma_wait3A_191 = arith.constant 0 : i32
        %dma_wait3A_192 = tpu.memref_slice %arg12[%dma_wait3A_190, %dma_wait3A_191] : memref<10368x128xf32, #tpu.memory_space<vmem_shared>> -> memref<10368x128xf32, #tpu.memory_space<vmem_shared>>
        tpu.wait_indirect_dma semaphore(%run_scoped3A_172 : memref<!tpu.dma_semaphore, #tpu.memory_space<semaphore_mem>>) src(%dma_wait3A_186 : memref<64x128xf32, #tpu.memory_space<vmem>>) dst(%dma_wait3A_192 : memref<10368x128xf32, #tpu.memory_space<vmem_shared>>)
        tpu.yield
      }) : () -> ()
      %get3A_132 = arith.constant 31 : i32
      %get3A_133 = arith.index_cast %get3A_132 : i32 to index
      %get3A_134 = arith.constant 0 : index
      %get3A_135 = tpu.vector_load %arg10[%get3A_133, %get3A_134] {strides = array<i32>} : memref<32x64xi32, #tpu.memory_space<vmem>>, vector<16xi32>,
      %shift_right_logical3A_136 = arith.constant 7 : i32
      %shift_right_logical3A_137 = vector.broadcast %shift_right_logical3A_136 : i32 to vector<16xi32>
      %shift_right_logical3A_138 = arith.shrui %get3A_135, %shift_right_logical3A_137 : vector<16xi32>
      %and3A_139 = arith.constant 127 : i32
      %and3A_140 = vector.broadcast %and3A_139 : i32 to vector<16xi32>
      %and3A_141 = arith.andi %get3A_135, %and3A_140 : vector<16xi32>
      tpu.vector_store_idx %arg13[%shift_right_logical3A_138, %and3A_141], %broadcast_in_dim3A_10 {add = true} : memref<80x128xf32, #tpu.memory_space<vmem>>[vector<16xi32>, vector<16xi32>], vector<16xf32>,
      %get3A_142 = arith.constant 31 : i32
      %get3A_143 = arith.index_cast %get3A_142 : i32 to index
      %get3A_144 = arith.constant 16 : index
      %get3A_145 = tpu.vector_load %arg10[%get3A_143, %get3A_144] {strides = array<i32>} : memref<32x64xi32, #tpu.memory_space<vmem>>, vector<16xi32>,
      %shift_right_logical3A_146 = arith.constant 7 : i32
      %shift_right_logical3A_147 = vector.broadcast %shift_right_logical3A_146 : i32 to vector<16xi32>
      %shift_right_logical3A_148 = arith.shrui %get3A_145, %shift_right_logical3A_147 : vector<16xi32>
      %and3A_149 = arith.constant 127 : i32
      %and3A_150 = vector.broadcast %and3A_149 : i32 to vector<16xi32>
      %and3A_151 = arith.andi %get3A_145, %and3A_150 : vector<16xi32>
      tpu.vector_store_idx %arg13[%shift_right_logical3A_148, %and3A_151], %broadcast_in_dim3A_10 {add = true} : memref<80x128xf32, #tpu.memory_space<vmem>>[vector<16xi32>, vector<16xi32>], vector<16xf32>,
      %get3A_152 = arith.constant 31 : i32
      %get3A_153 = arith.index_cast %get3A_152 : i32 to index
      %get3A_154 = arith.constant 32 : index
      %get3A_155 = tpu.vector_load %arg10[%get3A_153, %get3A_154] {strides = array<i32>} : memref<32x64xi32, #tpu.memory_space<vmem>>, vector<16xi32>,
      %shift_right_logical3A_156 = arith.constant 7 : i32
      %shift_right_logical3A_157 = vector.broadcast %shift_right_logical3A_156 : i32 to vector<16xi32>
      %shift_right_logical3A_158 = arith.shrui %get3A_155, %shift_right_logical3A_157 : vector<16xi32>
      %and3A_159 = arith.constant 127 : i32
      %and3A_160 = vector.broadcast %and3A_159 : i32 to vector<16xi32>
      %and3A_161 = arith.andi %get3A_155, %and3A_160 : vector<16xi32>
      tpu.vector_store_idx %arg13[%shift_right_logical3A_158, %and3A_161], %broadcast_in_dim3A_10 {add = true} : memref<80x128xf32, #tpu.memory_space<vmem>>[vector<16xi32>, vector<16xi32>], vector<16xf32>,
      %get3A_162 = arith.constant 31 : i32
      %get3A_163 = arith.index_cast %get3A_162 : i32 to index
      %get3A_164 = arith.constant 48 : index
      %get3A_165 = tpu.vector_load %arg10[%get3A_163, %get3A_164] {strides = array<i32>} : memref<32x64xi32, #tpu.memory_space<vmem>>, vector<16xi32>,
      %shift_right_logical3A_166 = arith.constant 7 : i32
      %shift_right_logical3A_167 = vector.broadcast %shift_right_logical3A_166 : i32 to vector<16xi32>
      %shift_right_logical3A_168 = arith.shrui %get3A_165, %shift_right_logical3A_167 : vector<16xi32>
      %and3A_169 = arith.constant 127 : i32
      %and3A_170 = vector.broadcast %and3A_169 : i32 to vector<16xi32>
      %and3A_171 = arith.andi %get3A_165, %and3A_170 : vector<16xi32>
      tpu.vector_store_idx %arg13[%shift_right_logical3A_168, %and3A_171], %broadcast_in_dim3A_10 {add = true} : memref<80x128xf32, #tpu.memory_space<vmem>>[vector<16xi32>, vector<16xi32>], vector<16xf32>,
    }
    %scan3A_15 = arith.constant 5 : i32
    %barrier3A_16 = arith.constant 0 : index
    tpu.barrier barrier_id(%barrier3A_16)
    "tpu.region"() ({
      %run_scoped3A_25 = tpu.sem_alloc : memref<!tpu.dma_semaphore, #tpu.memory_space<semaphore_mem>>
      %dma_start3A = arith.constant 0 : i32
      %dma_start3A_26 = arith.constant 0 : i32
      %dma_start3A_27 = tpu.memref_slice %arg13[%dma_start3A, %dma_start3A_26] : memref<80x128xf32, #tpu.memory_space<vmem>> -> memref<80x128xf32, #tpu.memory_space<vmem>>
      %dma_start3A_28 = arith.constant 0 : i32
      %dma_start3A_29 = arith.constant 0 : i32
      %dma_start3A_30 = tpu.memref_slice %arg12[%dma_start3A_28, %dma_start3A_29] : memref<10368x128xf32, #tpu.memory_space<vmem_shared>> -> memref<10368x128xf32, #tpu.memory_space<vmem_shared>>
      tpu.enqueue_indirect_dma source(%dma_start3A_27 : memref<80x128xf32, #tpu.memory_space<vmem>>) target(%dma_start3A_30 : memref<10368x128xf32, #tpu.memory_space<vmem_shared>>) offsets(%arg14 : memref<80xi32, #tpu.memory_space<vmem>>) semaphore(%run_scoped3A_25 : memref<!tpu.dma_semaphore, #tpu.memory_space<semaphore_mem>>) {add = true}
      %dma_wait3A = arith.constant 0 : i32
      %dma_wait3A_31 = arith.constant 0 : i32
      %dma_wait3A_32 = tpu.memref_slice %arg13[%dma_wait3A, %dma_wait3A_31] : memref<80x128xf32, #tpu.memory_space<vmem>> -> memref<80x128xf32, #tpu.memory_space<vmem>>
      %dma_wait3A_33 = arith.constant 0 : i32
      %dma_wait3A_34 = arith.constant 0 : i32
      %dma_wait3A_35 = tpu.memref_slice %arg12[%dma_wait3A_33, %dma_wait3A_34] : memref<10368x128xf32, #tpu.memory_space<vmem_shared>> -> memref<10368x128xf32, #tpu.memory_space<vmem_shared>>
      tpu.wait_indirect_dma semaphore(%run_scoped3A_25 : memref<!tpu.dma_semaphore, #tpu.memory_space<semaphore_mem>>) src(%dma_wait3A_32 : memref<80x128xf32, #tpu.memory_space<vmem>>) dst(%dma_wait3A_35 : memref<10368x128xf32, #tpu.memory_space<vmem_shared>>)
      tpu.yield
    }) : () -> ()
    %barrier3A_17 = arith.constant 0 : index
    tpu.barrier barrier_id(%barrier3A_17)
    %scan3A_18 = arith.constant 0 : i32
    %scan3A_19 = arith.constant 10 : i32
    %scan3A_20 = arith.addi %scan3A_18, %scan3A_19 : i32
    %scan3A_21 = arith.constant 1 : i32
    scf.for %scan3A_25 = %scan3A_18 to %scan3A_20 step %scan3A_21  : i32 {
      %mul3A_26 = arith.constant 1 : i32
      %mul3A_27 = arith.muli %scan3A_25, %mul3A_26 : i32
      %add3A_28 = arith.constant 0 : i32
      %add3A_29 = arith.addi %add3A_28, %mul3A_27 : i32
      %mul3A_30 = arith.constant 640 : i32
      %mul3A_31 = arith.muli %arg1, %mul3A_30 : i32
      %mul3A_32 = arith.constant 64 : i32
      %mul3A_33 = arith.muli %add3A_29, %mul3A_32 : i32
      %add3A_34 = arith.addi %mul3A_31, %mul3A_33 : i32
      %run_scoped3A_35 = arith.constant 0 : i32
      "tpu.region"() ({
        %run_scoped3A_40 = tpu.sem_alloc : memref<!tpu.dma_semaphore, #tpu.memory_space<semaphore_mem>>
        %dma_start3A = arith.constant 0 : i32
        %dma_start3A_41 = arith.constant 0 : i32
        %dma_start3A_42 = tpu.memref_slice %arg11[%run_scoped3A_35, %dma_start3A, %dma_start3A_41] : memref<2x64x128xf32, #tpu.memory_space<vmem>> -> memref<1x64x128xf32, #tpu.memory_space<vmem>>
        %dma_start3A_43 = tpu.memref_squeeze %dma_start3A_42 : memref<1x64x128xf32, #tpu.memory_space<vmem>> -> memref<64x128xf32, #tpu.memory_space<vmem>>
        %dma_start3A_44 = arith.constant 0 : i32
        %dma_start3A_45 = tpu.memref_slice %arg12[%add3A_34, %dma_start3A_44] : memref<10368x128xf32, #tpu.memory_space<vmem_shared>> -> memref<64x128xf32, #tpu.memory_space<vmem_shared>>
        %dma_start3A_46 = arith.constant 0 : i32
        %dma_start3A_47 = arith.constant 0 : i32
        %dma_start3A_48 = tpu.memref_slice %arg11[%run_scoped3A_35, %dma_start3A_46, %dma_start3A_47] : memref<2x64x128xf32, #tpu.memory_space<vmem>> -> memref<1x64x128xf32, #tpu.memory_space<vmem>>
        %dma_start3A_49 = tpu.memref_squeeze %dma_start3A_48 : memref<1x64x128xf32, #tpu.memory_space<vmem>> -> memref<64x128xf32, #tpu.memory_space<vmem>>
        %dma_start3A_50 = arith.constant 0 : i32
        %dma_start3A_51 = tpu.memref_slice %arg12[%add3A_34, %dma_start3A_50] : memref<10368x128xf32, #tpu.memory_space<vmem_shared>> -> memref<64x128xf32, #tpu.memory_space<vmem_shared>>
        tpu.enqueue_dma source(%dma_start3A_51 : memref<64x128xf32, #tpu.memory_space<vmem_shared>>) target(%dma_start3A_49 : memref<64x128xf32, #tpu.memory_space<vmem>>) target_semaphore(%run_scoped3A_40 : memref<!tpu.dma_semaphore, #tpu.memory_space<semaphore_mem>>)
        %dma_wait3A = arith.constant 0 : i32
        %dma_wait3A_52 = arith.constant 0 : i32
        %dma_wait3A_53 = tpu.memref_slice %arg11[%run_scoped3A_35, %dma_wait3A, %dma_wait3A_52] : memref<2x64x128xf32, #tpu.memory_space<vmem>> -> memref<1x64x128xf32, #tpu.memory_space<vmem>>
        %dma_wait3A_54 = tpu.memref_squeeze %dma_wait3A_53 : memref<1x64x128xf32, #tpu.memory_space<vmem>> -> memref<64x128xf32, #tpu.memory_space<vmem>>
        %dma_wait3A_55 = arith.constant 0 : i32
        %dma_wait3A_56 = tpu.memref_slice %arg12[%add3A_34, %dma_wait3A_55] : memref<10368x128xf32, #tpu.memory_space<vmem_shared>> -> memref<64x128xf32, #tpu.memory_space<vmem_shared>>
        %dma_wait3A_57 = arith.constant 0 : i32
        %dma_wait3A_58 = arith.constant 0 : i32
        %dma_wait3A_59 = tpu.memref_slice %arg11[%run_scoped3A_35, %dma_wait3A_57, %dma_wait3A_58] : memref<2x64x128xf32, #tpu.memory_space<vmem>> -> memref<1x64x128xf32, #tpu.memory_space<vmem>>
        %dma_wait3A_60 = tpu.memref_squeeze %dma_wait3A_59 : memref<1x64x128xf32, #tpu.memory_space<vmem>> -> memref<64x128xf32, #tpu.memory_space<vmem>>
        %dma_wait3A_61 = arith.constant 0 : i32
        %dma_wait3A_62 = tpu.memref_slice %arg12[%add3A_34, %dma_wait3A_61] : memref<10368x128xf32, #tpu.memory_space<vmem_shared>> -> memref<64x128xf32, #tpu.memory_space<vmem_shared>>
        tpu.wait_dma2 semaphore(%run_scoped3A_40 : memref<!tpu.dma_semaphore, #tpu.memory_space<semaphore_mem>>) src(%dma_wait3A_62 : memref<64x128xf32, #tpu.memory_space<vmem_shared>>) dst(%dma_wait3A_60 : memref<64x128xf32, #tpu.memory_space<vmem>>)
        tpu.yield
      }) : () -> ()
      %mul3A_36 = arith.constant 10240 : i32
      %mul3A_37 = arith.muli %arg0, %mul3A_36 : i32
      %add3A_38 = arith.addi %mul3A_37, %add3A_34 : i32
      %run_scoped3A_39 = arith.constant 0 : i32
      "tpu.region"() ({
        %run_scoped3A_40 = tpu.sem_alloc : memref<!tpu.dma_semaphore, #tpu.memory_space<semaphore_mem>>
        %dma_start3A = arith.constant 0 : i32
        %dma_start3A_41 = arith.constant 0 : i32
        %dma_start3A_42 = tpu.memref_slice %arg11[%run_scoped3A_39, %dma_start3A, %dma_start3A_41] : memref<2x64x128xf32, #tpu.memory_space<vmem>> -> memref<1x64x128xf32, #tpu.memory_space<vmem>>
        %dma_start3A_43 = tpu.memref_squeeze %dma_start3A_42 : memref<1x64x128xf32, #tpu.memory_space<vmem>> -> memref<64x128xf32, #tpu.memory_space<vmem>>
        %dma_start3A_44 = arith.constant 0 : i32
        %dma_start3A_45 = tpu.memref_slice %arg7[%add3A_38, %dma_start3A_44] : memref<20480x128xf32, #tpu.memory_space<hbm>> -> memref<64x128xf32, #tpu.memory_space<hbm>>
        %dma_start3A_46 = arith.constant 0 : i32
        %dma_start3A_47 = tpu.memref_slice %arg7[%add3A_38, %dma_start3A_46] : memref<20480x128xf32, #tpu.memory_space<hbm>> -> memref<64x128xf32, #tpu.memory_space<hbm>>
        %dma_start3A_48 = arith.constant 0 : i32
        %dma_start3A_49 = arith.constant 0 : i32
        %dma_start3A_50 = tpu.memref_slice %arg11[%run_scoped3A_39, %dma_start3A_48, %dma_start3A_49] : memref<2x64x128xf32, #tpu.memory_space<vmem>> -> memref<1x64x128xf32, #tpu.memory_space<vmem>>
        %dma_start3A_51 = tpu.memref_squeeze %dma_start3A_50 : memref<1x64x128xf32, #tpu.memory_space<vmem>> -> memref<64x128xf32, #tpu.memory_space<vmem>>
        tpu.enqueue_dma source(%dma_start3A_51 : memref<64x128xf32, #tpu.memory_space<vmem>>) target(%dma_start3A_47 : memref<64x128xf32, #tpu.memory_space<hbm>>) target_semaphore(%run_scoped3A_40 : memref<!tpu.dma_semaphore, #tpu.memory_space<semaphore_mem>>)
        %dma_wait3A = arith.constant 0 : i32
        %dma_wait3A_52 = arith.constant 0 : i32
        %dma_wait3A_53 = tpu.memref_slice %arg11[%run_scoped3A_39, %dma_wait3A, %dma_wait3A_52] : memref<2x64x128xf32, #tpu.memory_space<vmem>> -> memref<1x64x128xf32, #tpu.memory_space<vmem>>
        %dma_wait3A_54 = tpu.memref_squeeze %dma_wait3A_53 : memref<1x64x128xf32, #tpu.memory_space<vmem>> -> memref<64x128xf32, #tpu.memory_space<vmem>>
        %dma_wait3A_55 = arith.constant 0 : i32
        %dma_wait3A_56 = tpu.memref_slice %arg7[%add3A_38, %dma_wait3A_55] : memref<20480x128xf32, #tpu.memory_space<hbm>> -> memref<64x128xf32, #tpu.memory_space<hbm>>
        %dma_wait3A_57 = arith.constant 0 : i32
        %dma_wait3A_58 = tpu.memref_slice %arg7[%add3A_38, %dma_wait3A_57] : memref<20480x128xf32, #tpu.memory_space<hbm>> -> memref<64x128xf32, #tpu.memory_space<hbm>>
        %dma_wait3A_59 = arith.constant 0 : i32
        %dma_wait3A_60 = arith.constant 0 : i32
        %dma_wait3A_61 = tpu.memref_slice %arg11[%run_scoped3A_39, %dma_wait3A_59, %dma_wait3A_60] : memref<2x64x128xf32, #tpu.memory_space<vmem>> -> memref<1x64x128xf32, #tpu.memory_space<vmem>>
        %dma_wait3A_62 = tpu.memref_squeeze %dma_wait3A_61 : memref<1x64x128xf32, #tpu.memory_space<vmem>> -> memref<64x128xf32, #tpu.memory_space<vmem>>
        tpu.wait_dma2 semaphore(%run_scoped3A_40 : memref<!tpu.dma_semaphore, #tpu.memory_space<semaphore_mem>>) src(%dma_wait3A_62 : memref<64x128xf32, #tpu.memory_space<vmem>>) dst(%dma_wait3A_58 : memref<64x128xf32, #tpu.memory_space<hbm>>)
        tpu.yield
      }) : () -> ()
    }
    %scan3A_22 = arith.constant 10 : i32
    %lt3A = arith.constant 10 : i32
    %lt3A_23 = arith.cmpi slt, %arg1, %lt3A : i32
    %convert_element_type3A = arith.extui %lt3A_23 : i1 to i32
    %cond3A = arith.constant 0 : i32
    %cond3A_24 = arith.cmpi ne, %convert_element_type3A, %cond3A : i32
    scf.if %cond3A_24 {
      %mul3A_25 = arith.constant 8 : i32
      %mul3A_26 = arith.muli %arg1, %mul3A_25 : i32
      %add3A_27 = arith.constant 10240 : i32
      %add3A_28 = arith.addi %add3A_27, %mul3A_26 : i32
      %run_scoped3A_29 = arith.constant 1 : i32
      "tpu.region"() ({
        %run_scoped3A_36 = tpu.sem_alloc : memref<!tpu.dma_semaphore, #tpu.memory_space<semaphore_mem>>
        %dma_start3A = arith.constant 0 : i32
        %dma_start3A_37 = arith.constant 0 : i32
        %dma_start3A_38 = tpu.memref_slice %arg11[%run_scoped3A_29, %dma_start3A, %dma_start3A_37] : memref<2x64x128xf32, #tpu.memory_space<vmem>> -> memref<1x8x128xf32, #tpu.memory_space<vmem>>
        %dma_start3A_39 = tpu.memref_squeeze %dma_start3A_38 : memref<1x8x128xf32, #tpu.memory_space<vmem>> -> memref<8x128xf32, #tpu.memory_space<vmem>>
        %dma_start3A_40 = arith.constant 0 : i32
        %dma_start3A_41 = tpu.memref_slice %arg12[%add3A_28, %dma_start3A_40] : memref<10368x128xf32, #tpu.memory_space<vmem_shared>> -> memref<8x128xf32, #tpu.memory_space<vmem_shared>>
        %dma_start3A_42 = arith.constant 0 : i32
        %dma_start3A_43 = arith.constant 0 : i32
        %dma_start3A_44 = tpu.memref_slice %arg11[%run_scoped3A_29, %dma_start3A_42, %dma_start3A_43] : memref<2x64x128xf32, #tpu.memory_space<vmem>> -> memref<1x8x128xf32, #tpu.memory_space<vmem>>
        %dma_start3A_45 = tpu.memref_squeeze %dma_start3A_44 : memref<1x8x128xf32, #tpu.memory_space<vmem>> -> memref<8x128xf32, #tpu.memory_space<vmem>>
        %dma_start3A_46 = arith.constant 0 : i32
        %dma_start3A_47 = tpu.memref_slice %arg12[%add3A_28, %dma_start3A_46] : memref<10368x128xf32, #tpu.memory_space<vmem_shared>> -> memref<8x128xf32, #tpu.memory_space<vmem_shared>>
        tpu.enqueue_dma source(%dma_start3A_47 : memref<8x128xf32, #tpu.memory_space<vmem_shared>>) target(%dma_start3A_45 : memref<8x128xf32, #tpu.memory_space<vmem>>) target_semaphore(%run_scoped3A_36 : memref<!tpu.dma_semaphore, #tpu.memory_space<semaphore_mem>>)
        %dma_wait3A = arith.constant 0 : i32
        %dma_wait3A_48 = arith.constant 0 : i32
        %dma_wait3A_49 = tpu.memref_slice %arg11[%run_scoped3A_29, %dma_wait3A, %dma_wait3A_48] : memref<2x64x128xf32, #tpu.memory_space<vmem>> -> memref<1x8x128xf32, #tpu.memory_space<vmem>>
        %dma_wait3A_50 = tpu.memref_squeeze %dma_wait3A_49 : memref<1x8x128xf32, #tpu.memory_space<vmem>> -> memref<8x128xf32, #tpu.memory_space<vmem>>
        %dma_wait3A_51 = arith.constant 0 : i32
        %dma_wait3A_52 = tpu.memref_slice %arg12[%add3A_28, %dma_wait3A_51] : memref<10368x128xf32, #tpu.memory_space<vmem_shared>> -> memref<8x128xf32, #tpu.memory_space<vmem_shared>>
        %dma_wait3A_53 = arith.constant 0 : i32
        %dma_wait3A_54 = arith.constant 0 : i32
        %dma_wait3A_55 = tpu.memref_slice %arg11[%run_scoped3A_29, %dma_wait3A_53, %dma_wait3A_54] : memref<2x64x128xf32, #tpu.memory_space<vmem>> -> memref<1x8x128xf32, #tpu.memory_space<vmem>>
        %dma_wait3A_56 = tpu.memref_squeeze %dma_wait3A_55 : memref<1x8x128xf32, #tpu.memory_space<vmem>> -> memref<8x128xf32, #tpu.memory_space<vmem>>
        %dma_wait3A_57 = arith.constant 0 : i32
        %dma_wait3A_58 = tpu.memref_slice %arg12[%add3A_28, %dma_wait3A_57] : memref<10368x128xf32, #tpu.memory_space<vmem_shared>> -> memref<8x128xf32, #tpu.memory_space<vmem_shared>>
        tpu.wait_dma2 semaphore(%run_scoped3A_36 : memref<!tpu.dma_semaphore, #tpu.memory_space<semaphore_mem>>) src(%dma_wait3A_58 : memref<8x128xf32, #tpu.memory_space<vmem_shared>>) dst(%dma_wait3A_56 : memref<8x128xf32, #tpu.memory_space<vmem>>)
        tpu.yield
      }) : () -> ()
      %mul3A_30 = arith.constant 80 : i32
      %mul3A_31 = arith.muli %arg0, %mul3A_30 : i32
      %mul3A_32 = arith.constant 8 : i32
      %mul3A_33 = arith.muli %arg1, %mul3A_32 : i32
      %add3A_34 = arith.addi %mul3A_31, %mul3A_33 : i32
      %run_scoped3A_35 = arith.constant 1 : i32
      "tpu.region"() ({
        %run_scoped3A_36 = tpu.sem_alloc : memref<!tpu.dma_semaphore, #tpu.memory_space<semaphore_mem>>
        %dma_start3A = arith.constant 0 : i32
        %dma_start3A_37 = arith.constant 0 : i32
        %dma_start3A_38 = tpu.memref_slice %arg11[%run_scoped3A_35, %dma_start3A, %dma_start3A_37] : memref<2x64x128xf32, #tpu.memory_space<vmem>> -> memref<1x8x128xf32, #tpu.memory_space<vmem>>
        %dma_start3A_39 = tpu.memref_squeeze %dma_start3A_38 : memref<1x8x128xf32, #tpu.memory_space<vmem>> -> memref<8x128xf32, #tpu.memory_space<vmem>>
        %dma_start3A_40 = arith.constant 0 : i32
        %dma_start3A_41 = tpu.memref_slice %arg8[%add3A_34, %dma_start3A_40] : memref<160x128xf32, #tpu.memory_space<hbm>> -> memref<8x128xf32, #tpu.memory_space<hbm>>
        %dma_start3A_42 = arith.constant 0 : i32
        %dma_start3A_43 = tpu.memref_slice %arg8[%add3A_34, %dma_start3A_42] : memref<160x128xf32, #tpu.memory_space<hbm>> -> memref<8x128xf32, #tpu.memory_space<hbm>>
        %dma_start3A_44 = arith.constant 0 : i32
        %dma_start3A_45 = arith.constant 0 : i32
        %dma_start3A_46 = tpu.memref_slice %arg11[%run_scoped3A_35, %dma_start3A_44, %dma_start3A_45] : memref<2x64x128xf32, #tpu.memory_space<vmem>> -> memref<1x8x128xf32, #tpu.memory_space<vmem>>
        %dma_start3A_47 = tpu.memref_squeeze %dma_start3A_46 : memref<1x8x128xf32, #tpu.memory_space<vmem>> -> memref<8x128xf32, #tpu.memory_space<vmem>>
        tpu.enqueue_dma source(%dma_start3A_47 : memref<8x128xf32, #tpu.memory_space<vmem>>) target(%dma_start3A_43 : memref<8x128xf32, #tpu.memory_space<hbm>>) target_semaphore(%run_scoped3A_36 : memref<!tpu.dma_semaphore, #tpu.memory_space<semaphore_mem>>)
        %dma_wait3A = arith.constant 0 : i32
        %dma_wait3A_48 = arith.constant 0 : i32
        %dma_wait3A_49 = tpu.memref_slice %arg11[%run_scoped3A_35, %dma_wait3A, %dma_wait3A_48] : memref<2x64x128xf32, #tpu.memory_space<vmem>> -> memref<1x8x128xf32, #tpu.memory_space<vmem>>
        %dma_wait3A_50 = tpu.memref_squeeze %dma_wait3A_49 : memref<1x8x128xf32, #tpu.memory_space<vmem>> -> memref<8x128xf32, #tpu.memory_space<vmem>>
        %dma_wait3A_51 = arith.constant 0 : i32
        %dma_wait3A_52 = tpu.memref_slice %arg8[%add3A_34, %dma_wait3A_51] : memref<160x128xf32, #tpu.memory_space<hbm>> -> memref<8x128xf32, #tpu.memory_space<hbm>>
        %dma_wait3A_53 = arith.constant 0 : i32
        %dma_wait3A_54 = tpu.memref_slice %arg8[%add3A_34, %dma_wait3A_53] : memref<160x128xf32, #tpu.memory_space<hbm>> -> memref<8x128xf32, #tpu.memory_space<hbm>>
        %dma_wait3A_55 = arith.constant 0 : i32
        %dma_wait3A_56 = arith.constant 0 : i32
        %dma_wait3A_57 = tpu.memref_slice %arg11[%run_scoped3A_35, %dma_wait3A_55, %dma_wait3A_56] : memref<2x64x128xf32, #tpu.memory_space<vmem>> -> memref<1x8x128xf32, #tpu.memory_space<vmem>>
        %dma_wait3A_58 = tpu.memref_squeeze %dma_wait3A_57 : memref<1x8x128xf32, #tpu.memory_space<vmem>> -> memref<8x128xf32, #tpu.memory_space<vmem>>
        tpu.wait_dma2 semaphore(%run_scoped3A_36 : memref<!tpu.dma_semaphore, #tpu.memory_space<semaphore_mem>>) src(%dma_wait3A_58 : memref<8x128xf32, #tpu.memory_space<vmem>>) dst(%dma_wait3A_54 : memref<8x128xf32, #tpu.memory_space<hbm>>)
        tpu.yield
      }) : () -> ()
    } else {
    }
    return
  }
}

module attributes {stable_mosaic.version = 14 : i64} {
  func.func @body(%arg0: i32, %arg1: memref<512x128xf32, #tpu.memory_space<vmem>>, %arg2: memref<128x128xf32, #tpu.memory_space<vmem>>, %arg3: memref<1x128xf32, #tpu.memory_space<vmem>>, %arg4: memref<512x128xf32, #tpu.memory_space<vmem>>) attributes {dimension_semantics = [#tpu.dimension_semantics<arbitrary>], iteration_bounds = array<i64: 20>, scalar_prefetch = 0 : i64, scratch_operands = 0 : i64, tpu.core_type = #tpu.core_type<tc>, window_params = [{transform_indices = @transform_0, window_bounds = array<i64: 512, 128>}, {pipeline_mode = #tpu.pipeline_mode<synchronous>, transform_indices = @transform_1, window_bounds = array<i64: 128, 128>}, {pipeline_mode = #tpu.pipeline_mode<synchronous>, transform_indices = @transform_2, window_bounds = array<i64: 1, 128>}, {transform_indices = @transform_3, window_bounds = array<i64: 512, 128>}]} {
    %get3A = arith.constant 0 : index
    %get3A_0 = arith.constant 0 : index
    %get3A_1 = vector.load %arg1[%get3A, %get3A_0] : memref<512x128xf32, #tpu.memory_space<vmem>>, vector<512x128xf32>
    %get3A_2 = arith.constant 0 : index
    %get3A_3 = arith.constant 0 : index
    %get3A_4 = vector.load %arg2[%get3A_2, %get3A_3] : memref<128x128xf32, #tpu.memory_space<vmem>>, vector<128x128xf32>
    %dot_general3A = arith.constant dense<0.000000e+00> : vector<512x128xf32>
    %dot_general3A_5 = tpu.matmul %get3A_1, %get3A_4, %dot_general3A {dimension_numbers = #tpu.dot_dimension_numbers<[1], [0], [0], [1], [0, 0, 1, 1], [], []>, precision = #tpu.contract_precision<fp32>, transpose_lhs_hint = false} : vector<512x128xf32>, vector<128x128xf32>, vector<512x128xf32> -> vector<512x128xf32>
    %get3A_6 = arith.constant 0 : index
    %get3A_7 = arith.constant 0 : index
    %get3A_8 = vector.load %arg3[%get3A_6, %get3A_7] : memref<1x128xf32, #tpu.memory_space<vmem>>, vector<1x128xf32>
    %add3A = vector.broadcast %get3A_8 : vector<1x128xf32> to vector<512x128xf32>
    %add3A_9 = arith.addf %dot_general3A_5, %add3A : vector<512x128xf32>
    %swap3A = arith.constant 0 : index
    %swap3A_10 = arith.constant 0 : index
    %swap3A_11 = vector.load %arg4[%swap3A, %swap3A_10] : memref<512x128xf32, #tpu.memory_space<vmem>>, vector<512x128xf32>
    tpu.vector_store %arg4[%swap3A, %swap3A_10], %add3A_9 {strides = array<i32>} : memref<512x128xf32, #tpu.memory_space<vmem>>, vector<512x128xf32>,
    return
  }
  func.func @transform_0(%arg0: i32) -> (i32, i32) {
    %c0_i32 = arith.constant 0 : i32
    %c0_i32_0 = arith.constant 0 : i32
    return %arg0, %c0_i32 : i32, i32
  }
  func.func @transform_1(%arg0: i32) -> (i32, i32) {
    %c0_i32 = arith.constant 0 : i32
    %c0_i32_0 = arith.constant 0 : i32
    %c0_i32_1 = arith.constant 0 : i32
    return %c0_i32, %c0_i32_0 : i32, i32
  }
  func.func @transform_2(%arg0: i32) -> (i32, i32) {
    %c0_i32 = arith.constant 0 : i32
    %c0_i32_0 = arith.constant 0 : i32
    %c0_i32_1 = arith.constant 0 : i32
    return %c0_i32, %c0_i32_0 : i32, i32
  }
  func.func @transform_3(%arg0: i32) -> (i32, i32) {
    %c0_i32 = arith.constant 0 : i32
    %c0_i32_0 = arith.constant 0 : i32
    return %arg0, %c0_i32 : i32, i32
  }
}

module attributes {stable_mosaic.version = 14 : i64} {
  func.func @body(%arg0: i32, %arg1: memref<2x512x128xf32, #tpu.memory_space<vmem>>, %arg2: memref<512x1xf32, #tpu.memory_space<vmem>>, %arg3: memref<512x128xf32, #tpu.memory_space<vmem>>, %arg4: memref<128x128xf32, #tpu.memory_space<vmem>>, %arg5: memref<512x128xf32, #tpu.memory_space<vmem>>) attributes {dimension_semantics = [#tpu.dimension_semantics<arbitrary>], iteration_bounds = array<i64: 20>, scalar_prefetch = 0 : i64, scratch_operands = 0 : i64, tpu.core_type = #tpu.core_type<tc>, window_params = [{transform_indices = @transform_0, window_bounds = array<i64: 2, 512, 128>}, {transform_indices = @transform_1, window_bounds = array<i64: 512, 1>}, {transform_indices = @transform_2, window_bounds = array<i64: 512, 128>}, {pipeline_mode = #tpu.pipeline_mode<synchronous>, transform_indices = @transform_3, window_bounds = array<i64: 128, 128>}, {transform_indices = @transform_4, window_bounds = array<i64: 512, 128>}]} {
    %get3A = arith.constant 0 : index
    %get3A_0 = arith.constant 0 : index
    %get3A_1 = arith.constant 0 : index
    %get3A_2 = vector.load %arg1[%get3A, %get3A_0, %get3A_1] : memref<2x512x128xf32, #tpu.memory_space<vmem>>, vector<1x512x128xf32>
    %get3A_3 = vector.shape_cast %get3A_2 : vector<1x512x128xf32> to vector<512x128xf32>
    %get3A_4 = arith.constant 1 : index
    %get3A_5 = arith.constant 0 : index
    %get3A_6 = arith.constant 0 : index
    %get3A_7 = vector.load %arg1[%get3A_4, %get3A_5, %get3A_6] : memref<2x512x128xf32, #tpu.memory_space<vmem>>, vector<1x512x128xf32>
    %get3A_8 = vector.shape_cast %get3A_7 : vector<1x512x128xf32> to vector<512x128xf32>
    %add3A = arith.addf %get3A_3, %get3A_8 : vector<512x128xf32>
    %get3A_9 = arith.constant 0 : index
    %get3A_10 = arith.constant 0 : index
    %get3A_11 = vector.load %arg2[%get3A_9, %get3A_10] : memref<512x1xf32, #tpu.memory_space<vmem>>, vector<512x1xf32>
    %mul3A = vector.broadcast %get3A_11 : vector<512x1xf32> to vector<512x128xf32>
    %mul3A_12 = arith.mulf %add3A, %mul3A : vector<512x128xf32>
    %get3A_13 = arith.constant 0 : index
    %get3A_14 = arith.constant 0 : index
    %get3A_15 = vector.load %arg4[%get3A_13, %get3A_14] : memref<128x128xf32, #tpu.memory_space<vmem>>, vector<128x128xf32>
    %dot_general3A = arith.constant dense<0.000000e+00> : vector<512x128xf32>
    %dot_general3A_16 = tpu.matmul %mul3A_12, %get3A_15, %dot_general3A {dimension_numbers = #tpu.dot_dimension_numbers<[1], [0], [0], [1], [0, 0, 1, 1], [], []>, precision = #tpu.contract_precision<fp32>, transpose_lhs_hint = false} : vector<512x128xf32>, vector<128x128xf32>, vector<512x128xf32> -> vector<512x128xf32>
    %get3A_17 = arith.constant 0 : index
    %get3A_18 = arith.constant 0 : index
    %get3A_19 = vector.load %arg3[%get3A_17, %get3A_18] : memref<512x128xf32, #tpu.memory_space<vmem>>, vector<512x128xf32>
    %add3A_20 = arith.addf %dot_general3A_16, %get3A_19 : vector<512x128xf32>
    %max3A = arith.constant 0.000000e+00 : f32
    %max3A_21 = vector.broadcast %max3A : f32 to vector<512x128xf32>
    %max3A_22 = arith.maximumf %add3A_20, %max3A_21 : vector<512x128xf32>
    %swap3A = arith.constant 0 : index
    %swap3A_23 = arith.constant 0 : index
    %swap3A_24 = vector.load %arg5[%swap3A, %swap3A_23] : memref<512x128xf32, #tpu.memory_space<vmem>>, vector<512x128xf32>
    tpu.vector_store %arg5[%swap3A, %swap3A_23], %max3A_22 {strides = array<i32>} : memref<512x128xf32, #tpu.memory_space<vmem>>, vector<512x128xf32>,
    return
  }
  func.func @transform_0(%arg0: i32) -> (i32, i32, i32) {
    %c0_i32 = arith.constant 0 : i32
    %c0_i32_0 = arith.constant 0 : i32
    %c0_i32_1 = arith.constant 0 : i32
    return %c0_i32, %arg0, %c0_i32_0 : i32, i32, i32
  }
  func.func @transform_1(%arg0: i32) -> (i32, i32) {
    %c0_i32 = arith.constant 0 : i32
    %c0_i32_0 = arith.constant 0 : i32
    return %arg0, %c0_i32 : i32, i32
  }
  func.func @transform_2(%arg0: i32) -> (i32, i32) {
    %c0_i32 = arith.constant 0 : i32
    %c0_i32_0 = arith.constant 0 : i32
    return %arg0, %c0_i32 : i32, i32
  }
  func.func @transform_3(%arg0: i32) -> (i32, i32) {
    %c0_i32 = arith.constant 0 : i32
    %c0_i32_0 = arith.constant 0 : i32
    %c0_i32_1 = arith.constant 0 : i32
    return %c0_i32, %c0_i32_0 : i32, i32
  }
  func.func @transform_4(%arg0: i32) -> (i32, i32) {
    %c0_i32 = arith.constant 0 : i32
    %c0_i32_0 = arith.constant 0 : i32
    return %arg0, %c0_i32 : i32, i32
  }
}

module attributes {stable_mosaic.version = 14 : i64} {
  func.func @body(%arg0: i32, %arg1: memref<2x512x128xf32, #tpu.memory_space<vmem>>, %arg2: memref<512x1xf32, #tpu.memory_space<vmem>>, %arg3: memref<512x128xf32, #tpu.memory_space<vmem>>, %arg4: memref<128x128xf32, #tpu.memory_space<vmem>>, %arg5: memref<512x1xi32, #tpu.memory_space<vmem>>, %arg6: memref<64x128xf32, #tpu.memory_space<vmem>>, %arg7: memref<64x128xf32, #tpu.memory_space<vmem>>, %arg8: memref<64x128xf32, #tpu.memory_space<vmem>>) attributes {dimension_semantics = [#tpu.dimension_semantics<arbitrary>], iteration_bounds = array<i64: 20>, scalar_prefetch = 0 : i64, scratch_operands = 2 : i64, tpu.core_type = #tpu.core_type<tc>, window_params = [{transform_indices = @transform_0, window_bounds = array<i64: 2, 512, 128>}, {transform_indices = @transform_1, window_bounds = array<i64: 512, 1>}, {transform_indices = @transform_2, window_bounds = array<i64: 512, 128>}, {pipeline_mode = #tpu.pipeline_mode<synchronous>, transform_indices = @transform_3, window_bounds = array<i64: 128, 128>}, {transform_indices = @transform_4, window_bounds = array<i64: 512, 1>}, {pipeline_mode = #tpu.pipeline_mode<synchronous>, transform_indices = @transform_5, window_bounds = array<i64: 64, 128>}]} {
    %eq3A = arith.constant 0 : i32
    %eq3A_0 = arith.cmpi eq, %arg0, %eq3A : i32
    %convert_element_type3A = arith.extui %eq3A_0 : i1 to i32
    %cond3A = arith.constant 0 : i32
    %cond3A_1 = arith.cmpi ne, %convert_element_type3A, %cond3A : i32
    scf.if %cond3A_1 {
      %broadcast_in_dim3A_53 = arith.constant 0.000000e+00 : f32
      %broadcast_in_dim3A_54 = vector.broadcast %broadcast_in_dim3A_53 : f32 to vector<64x128xf32>
      %swap3A_55 = arith.constant 0 : index
      %swap3A_56 = arith.constant 0 : index
      %swap3A_57 = vector.load %arg7[%swap3A_55, %swap3A_56] : memref<64x128xf32, #tpu.memory_space<vmem>>, vector<64x128xf32>
      tpu.vector_store %arg7[%swap3A_55, %swap3A_56], %broadcast_in_dim3A_54 {strides = array<i32>} : memref<64x128xf32, #tpu.memory_space<vmem>>, vector<64x128xf32>,
      %broadcast_in_dim3A_58 = arith.constant 0.000000e+00 : f32
      %broadcast_in_dim3A_59 = vector.broadcast %broadcast_in_dim3A_58 : f32 to vector<64x128xf32>
      %swap3A_60 = arith.constant 0 : index
      %swap3A_61 = arith.constant 0 : index
      %swap3A_62 = vector.load %arg8[%swap3A_60, %swap3A_61] : memref<64x128xf32, #tpu.memory_space<vmem>>, vector<64x128xf32>
      tpu.vector_store %arg8[%swap3A_60, %swap3A_61], %broadcast_in_dim3A_59 {strides = array<i32>} : memref<64x128xf32, #tpu.memory_space<vmem>>, vector<64x128xf32>,
    } else {
    }
    %get3A = arith.constant 0 : index
    %get3A_2 = arith.constant 0 : index
    %get3A_3 = arith.constant 0 : index
    %get3A_4 = vector.load %arg1[%get3A, %get3A_2, %get3A_3] : memref<2x512x128xf32, #tpu.memory_space<vmem>>, vector<1x512x128xf32>
    %get3A_5 = vector.shape_cast %get3A_4 : vector<1x512x128xf32> to vector<512x128xf32>
    %get3A_6 = arith.constant 1 : index
    %get3A_7 = arith.constant 0 : index
    %get3A_8 = arith.constant 0 : index
    %get3A_9 = vector.load %arg1[%get3A_6, %get3A_7, %get3A_8] : memref<2x512x128xf32, #tpu.memory_space<vmem>>, vector<1x512x128xf32>
    %get3A_10 = vector.shape_cast %get3A_9 : vector<1x512x128xf32> to vector<512x128xf32>
    %add3A = arith.addf %get3A_5, %get3A_10 : vector<512x128xf32>
    %get3A_11 = arith.constant 0 : index
    %get3A_12 = arith.constant 0 : index
    %get3A_13 = vector.load %arg2[%get3A_11, %get3A_12] : memref<512x1xf32, #tpu.memory_space<vmem>>, vector<512x1xf32>
    %mul3A = vector.broadcast %get3A_13 : vector<512x1xf32> to vector<512x128xf32>
    %mul3A_14 = arith.mulf %add3A, %mul3A : vector<512x128xf32>
    %get3A_15 = arith.constant 0 : index
    %get3A_16 = arith.constant 0 : index
    %get3A_17 = vector.load %arg4[%get3A_15, %get3A_16] : memref<128x128xf32, #tpu.memory_space<vmem>>, vector<128x128xf32>
    %dot_general3A = arith.constant dense<0.000000e+00> : vector<512x128xf32>
    %dot_general3A_18 = tpu.matmul %mul3A_14, %get3A_17, %dot_general3A {dimension_numbers = #tpu.dot_dimension_numbers<[1], [0], [0], [1], [0, 0, 1, 1], [], []>, precision = #tpu.contract_precision<fp32>, transpose_lhs_hint = false} : vector<512x128xf32>, vector<128x128xf32>, vector<512x128xf32> -> vector<512x128xf32>
    %get3A_19 = arith.constant 0 : index
    %get3A_20 = arith.constant 0 : index
    %get3A_21 = vector.load %arg3[%get3A_19, %get3A_20] : memref<512x128xf32, #tpu.memory_space<vmem>>, vector<512x128xf32>
    %add3A_22 = arith.addf %dot_general3A_18, %get3A_21 : vector<512x128xf32>
    %get3A_23 = arith.constant 0 : index
    %get3A_24 = arith.constant 0 : index
    %get3A_25 = vector.load %arg5[%get3A_23, %get3A_24] : memref<512x1xi32, #tpu.memory_space<vmem>>, vector<512x1xi32>
    %iota3A = tpu.iota {dimensions = array<i32: 1>} : vector<512x64xi32>
    %eq3A_26 = vector.broadcast %get3A_25 : vector<512x1xi32> to vector<512x64xi32>
    %eq3A_27 = arith.cmpi eq, %eq3A_26, %iota3A : vector<512x64xi32>
    %convert_element_type3A_28 = arith.extui %eq3A_27 : vector<512x64xi1> to vector<512x64xi32>
    %convert_element_type3A_29 = arith.sitofp %convert_element_type3A_28 : vector<512x64xi32> to vector<512x64xf32>
    %get3A_30 = arith.constant 0 : index
    %get3A_31 = arith.constant 0 : index
    %get3A_32 = vector.load %arg7[%get3A_30, %get3A_31] : memref<64x128xf32, #tpu.memory_space<vmem>>, vector<64x128xf32>
    %dot_general3A_33 = arith.constant dense<0.000000e+00> : vector<64x128xf32>
    %dot_general3A_34 = tpu.matmul %convert_element_type3A_29, %add3A_22, %dot_general3A_33 {dimension_numbers = #tpu.dot_dimension_numbers<[0], [0], [1], [1], [0, 1, 1, 1], [], []>, precision = #tpu.contract_precision<fp32>, transpose_lhs_hint = false} : vector<512x64xf32>, vector<512x128xf32>, vector<64x128xf32> -> vector<64x128xf32>
    %add3A_35 = arith.addf %get3A_32, %dot_general3A_34 : vector<64x128xf32>
    %swap3A = arith.constant 0 : index
    %swap3A_36 = arith.constant 0 : index
    %swap3A_37 = vector.load %arg7[%swap3A, %swap3A_36] : memref<64x128xf32, #tpu.memory_space<vmem>>, vector<64x128xf32>
    tpu.vector_store %arg7[%swap3A, %swap3A_36], %add3A_35 {strides = array<i32>} : memref<64x128xf32, #tpu.memory_space<vmem>>, vector<64x128xf32>,
    %get3A_38 = arith.constant 0 : index
    %get3A_39 = arith.constant 0 : index
    %get3A_40 = vector.load %arg8[%get3A_38, %get3A_39] : memref<64x128xf32, #tpu.memory_space<vmem>>, vector<64x128xf32>
    %broadcast_in_dim3A = arith.constant 1.000000e+00 : f32
    %broadcast_in_dim3A_41 = vector.broadcast %broadcast_in_dim3A : f32 to vector<512x128xf32>
    %dot_general3A_42 = arith.constant dense<0.000000e+00> : vector<64x128xf32>
    %dot_general3A_43 = tpu.matmul %convert_element_type3A_29, %broadcast_in_dim3A_41, %dot_general3A_42 {dimension_numbers = #tpu.dot_dimension_numbers<[0], [0], [1], [1], [0, 1, 1, 1], [], []>, precision = #tpu.contract_precision<fp32>, transpose_lhs_hint = false} : vector<512x64xf32>, vector<512x128xf32>, vector<64x128xf32> -> vector<64x128xf32>
    %add3A_44 = arith.addf %get3A_40, %dot_general3A_43 : vector<64x128xf32>
    %swap3A_45 = arith.constant 0 : index
    %swap3A_46 = arith.constant 0 : index
    %swap3A_47 = vector.load %arg8[%swap3A_45, %swap3A_46] : memref<64x128xf32, #tpu.memory_space<vmem>>, vector<64x128xf32>
    tpu.vector_store %arg8[%swap3A_45, %swap3A_46], %add3A_44 {strides = array<i32>} : memref<64x128xf32, #tpu.memory_space<vmem>>, vector<64x128xf32>,
    %eq3A_48 = arith.constant 19 : i32
    %eq3A_49 = arith.cmpi eq, %arg0, %eq3A_48 : i32
    %convert_element_type3A_50 = arith.extui %eq3A_49 : i1 to i32
    %cond3A_51 = arith.constant 0 : i32
    %cond3A_52 = arith.cmpi ne, %convert_element_type3A_50, %cond3A_51 : i32
    scf.if %cond3A_52 {
      %get3A_53 = arith.constant 0 : index
      %get3A_54 = arith.constant 0 : index
      %get3A_55 = vector.load %arg7[%get3A_53, %get3A_54] : memref<64x128xf32, #tpu.memory_space<vmem>>, vector<64x128xf32>
      %get3A_56 = arith.constant 0 : index
      %get3A_57 = arith.constant 0 : index
      %get3A_58 = vector.load %arg8[%get3A_56, %get3A_57] : memref<64x128xf32, #tpu.memory_space<vmem>>, vector<64x128xf32>
      %max3A = arith.constant 1.000000e+00 : f32
      %max3A_59 = vector.broadcast %max3A : f32 to vector<64x128xf32>
      %max3A_60 = arith.maximumf %get3A_58, %max3A_59 : vector<64x128xf32>
      %div3A = arith.divf %get3A_55, %max3A_60 : vector<64x128xf32>
      %swap3A_61 = arith.constant 0 : index
      %swap3A_62 = arith.constant 0 : index
      %swap3A_63 = vector.load %arg6[%swap3A_61, %swap3A_62] : memref<64x128xf32, #tpu.memory_space<vmem>>, vector<64x128xf32>
      tpu.vector_store %arg6[%swap3A_61, %swap3A_62], %div3A {strides = array<i32>} : memref<64x128xf32, #tpu.memory_space<vmem>>, vector<64x128xf32>,
    } else {
    }
    return
  }
  func.func @transform_0(%arg0: i32) -> (i32, i32, i32) {
    %c0_i32 = arith.constant 0 : i32
    %c0_i32_0 = arith.constant 0 : i32
    %c0_i32_1 = arith.constant 0 : i32
    return %c0_i32, %arg0, %c0_i32_0 : i32, i32, i32
  }
  func.func @transform_1(%arg0: i32) -> (i32, i32) {
    %c0_i32 = arith.constant 0 : i32
    %c0_i32_0 = arith.constant 0 : i32
    return %arg0, %c0_i32 : i32, i32
  }
  func.func @transform_2(%arg0: i32) -> (i32, i32) {
    %c0_i32 = arith.constant 0 : i32
    %c0_i32_0 = arith.constant 0 : i32
    return %arg0, %c0_i32 : i32, i32
  }
  func.func @transform_3(%arg0: i32) -> (i32, i32) {
    %c0_i32 = arith.constant 0 : i32
    %c0_i32_0 = arith.constant 0 : i32
    %c0_i32_1 = arith.constant 0 : i32
    return %c0_i32, %c0_i32_0 : i32, i32
  }
  func.func @transform_4(%arg0: i32) -> (i32, i32) {
    %c0_i32 = arith.constant 0 : i32
    %c0_i32_0 = arith.constant 0 : i32
    return %arg0, %c0_i32 : i32, i32
  }
  func.func @transform_5(%arg0: i32) -> (i32, i32) {
    %c0_i32 = arith.constant 0 : i32
    %c0_i32_0 = arith.constant 0 : i32
    %c0_i32_1 = arith.constant 0 : i32
    return %c0_i32, %c0_i32_0 : i32, i32
  }
}

</mosaic_0001>

<sc_bundles>
// kernel: kernel.11.cloned.1.call-start
scs
__scs_entry_jumppad:
0x0: {  	(pc) =	sbr.rel $0x88, $3  }
0x1: {  	(tag) =	ssettag $0x0;
	lr =	simm.s32 $0x1  }
0x2: {  	[smem:$0x3F98] =	sst lr;
	_ =	strace $0xD0000000  }
0x3: {  	_ = 	snop  }
0x4: {  	_ = 	snop  }
0x5: {  	_ = 	snop  }
0x6: {  	_ = 	snop  }
0x7: {  	_ = 	snop  }
__scs_overlays_trampoline_lowered:
0x8: {  	[smem:$0x3FA7] =	sst s0  }
0x9: {  	[smem:$0x3FA8] =	sst s1  }
0xa: {  	[smem:$0x3FA9] =	sst s2  }
0xb: {  	[smem:$0x3FAA] =	sst s3  }
0xc: {  	[smem:$0x3FAB] =	sst s4  }
0xd: {  	[smem:$0x3FAC] =	sst s5  }
0xe: {  	[smem:$0x3FAD] =	sst s6  }
0xf: {  	[smem:$0x3FAE] =	sst s7  }
0x10: {  	[smem:$0x3FAF] =	sst s8  }
0x11: {  	[smem:$0x3FB0] =	sst s9;
	s0 =	simm.s32 @!p0 $0x0  }
0x12: {  	s1 =	sld [smem:$0x3F96];
	s0 =	simm.s32 @p0 $0x1  }
0x13: {  	[smem:$0x3FB1] =	sst s0;
	s0 =	simm.s32 @!p1 $0x0  }
0x14: {  	s2 =	sld [smem:$0x3F95];
	s0 =	simm.s32 @p1 $0x1  }
0x15: {  	[smem:$0x3FB2] =	sst s0;
	s0 =	simm.s32 @!p2 $0x0  }
0x16: {  	s3 =	sld [smem:$0x3FDB];
	s0 =	simm.s32 @p2 $0x1  }
0x17: {  	s4 =	simm.s32 $0x1BF5;
	[smem:$0x3FB4] =	sst s0  }
0x18: {  	s0 =	sld [smem:$0x3F97];
	_ =	swait.ge [sflag:s4], $0x0  }
0x19: {  	s7 =	sld [smem:$0x3F98]  }
0x1a: {  	s8 =	sadd.s32 $0xFFFFE003, lr  }
0x1b: {  	s9 =	sadd.s32 $0xFFFFFEF7, lr;
	s5 =	simm.s32 $0xFFFFFFFF;
	p2 =	slt.u32 s8, $0xFFFFF086  }
0x1c: {  	p1 =	slt.u32 s9, $0xF7A;
	s5 =	simm.s32 @!p2 $0x0  }
0x1d: {  	s5 =	simm.s32 @p1 $0x1;
	p0 =	seq.s32 s7, s2  }
0x1e: {  	s7 =	smul.u32 @!p0 $0xF7A, s2;
	p2 =	seq.s32 @!p0 s5, $0x0  }
0x1f: {  	s9 =	smul.u32 $0xF7A, s1;
	s8 =	simm.s32 @!p0 $0x1BF5;
	p2 =	por !p2, p0  }
0x20: {  	[sflag:s8] =	ssyncset.s32 @!p0 $0xFFFFF086;
	s6 =	sadd.s32 @!p0 s3, s7;
	s7 =	simm.s32 @!p0 $0x108  }
0x21: {  	s3 =	sadd.s32 s3, s9;
	s6 =	sadd.s32 @!p0 $0x88, s6;
	s7 =	simm.s32 @p2 $0x1082  }
0x22: {  	[simem:s7], [sflag:s8] =	dma.local @!p0 [hbm:s6], $0xF7A  }
0x23: {  	s9 =	sor.u32 $0xD0000000, s2;
	s6 =	simm.s32 $0x108;
	_ =	swait.ge @!p0 [sflag:s8], $0x0  }
0x24: {  	s3 =	sadd.s32 $0x88, s3;
	s6 =	simm.s32 @!p1 $0x1082;
	[sflag:s4] =	ssyncset.s32 $0xFFFFF086  }
0x25: {  	[simem:s6], [sflag:s4] =	dma.local [hbm:s3], $0xF7A  }
0x26: {  	[smem:$0x3F98] =	sst s1;
	(tag) =	ssettag s2;
	_ =	strace s9  }
0x27: {  	s1 =	sld [smem:$0x3FA8]  }
0x28: {  	s2 =	sld [smem:$0x3FA9]  }
0x29: {  	s4 =	sld [smem:$0x3FAB]  }
0x2a: {  	p0 =	seq.s32 s5, $0x0;
	s5 =	sld [smem:$0x3FAC]  }
0x2b: {  	s6 =	sld [smem:$0x3FAD]  }
0x2c: {  	s7 =	sld [smem:$0x3FAE]  }
0x2d: {  	s3 =	simm.s32 $0x108;
	s8 =	sld [smem:$0x3FAF]  }
0x2e: {  	s3 =	simm.s32 @!p0 $0x1082;
	s9 =	sld [smem:$0x3FB0]  }
0x2f: {  	lr =	sadd.s32 s0, s3;
	s0 =	sld [smem:$0x3FA7]  }
0x30: {  	s3 =	sld [smem:$0x3FAA]  }
0x31: {  	[smem:$0x3FB3] =	sst s10  }
0x32: {  	s10 =	sld [smem:$0x3FB1];
	_ =	sdelay $0x3  }
0x33: {  	p0 =	seq.s32 s10, $0x1;
	s10 =	sld [smem:$0x3FB3];
	_ =	sdelay $0x3  }
0x34: {  	[smem:$0x3FB3] =	sst s10  }
0x35: {  	s10 =	sld [smem:$0x3FB2];
	_ =	sdelay $0x3  }
0x36: {  	p1 =	seq.s32 s10, $0x1;
	s10 =	sld [smem:$0x3FB3];
	_ =	sdelay $0x3  }
0x37: {  	[smem:$0x3FB3] =	sst s10  }
0x38: {  	s10 =	sld [smem:$0x3FB4]  }
0x39: {  	_ = 	snop;
	(pc) =	sbr.ind lr, $3  }
0x3a: {  	_ = 	snop  }
0x3b: {  	_ = 	snop  }
0x3c: {  	p2 =	seq.s32 s10, $0x1;
	s10 =	sld [smem:$0x3FB3]  }
0x3d: {  	_ =	shalt  }
0x3e: {  	_ =	shalt  }
0x3f: {  	_ =	shalt  }
0x40: {  	_ =	shalt  }
0x41: {  	_ =	shalt  }
0x42: {  	_ =	shalt  }
0x43: {  	_ =	shalt  }
0x44: {  	_ =	shalt  }
0x45: {  	_ =	shalt  }
0x46: {  	_ =	shalt  }
0x47: {  	_ =	shalt  }
0x48: {  	_ =	shalt  }
0x49: {  	_ =	shalt  }
0x4a: {  	_ =	shalt  }
0x4b: {  	_ =	shalt  }
0x4c: {  	_ =	shalt  }
0x4d: {  	_ =	shalt  }
0x4e: {  	_ =	shalt  }
0x4f: {  	_ =	shalt  }
0x50: {  	_ =	shalt  }
0x51: {  	_ =	shalt  }
0x52: {  	_ =	shalt  }
0x53: {  	_ =	shalt  }
0x54: {  	_ =	shalt  }
0x55: {  	_ =	shalt  }
0x56: {  	_ =	shalt  }
0x57: {  	_ =	shalt  }
0x58: {  	_ =	shalt  }
0x59: {  	_ =	shalt  }
0x5a: {  	_ =	shalt  }
0x5b: {  	_ =	shalt  }
0x5c: {  	_ =	shalt  }
0x5d: {  	_ =	shalt  }
0x5e: {  	_ =	shalt  }
0x5f: {  	_ =	shalt  }
0x60: {  	_ =	shalt  }
0x61: {  	_ =	shalt  }
0x62: {  	_ =	shalt  }
0x63: {  	_ =	shalt  }
0x64: {  	_ =	shalt  }
0x65: {  	_ =	shalt  }
0x66: {  	_ =	shalt  }
0x67: {  	_ =	shalt  }
0x68: {  	_ =	shalt  }
0x69: {  	_ =	shalt  }
0x6a: {  	_ =	shalt  }
0x6b: {  	_ =	shalt  }
0x6c: {  	_ =	shalt  }
0x6d: {  	_ =	shalt  }
0x6e: {  	_ =	shalt  }
0x6f: {  	_ =	shalt  }
0x70: {  	_ =	shalt  }
0x71: {  	_ =	shalt  }
0x72: {  	_ =	shalt  }
0x73: {  	_ =	shalt  }
0x74: {  	_ =	shalt  }
0x75: {  	_ =	shalt  }
0x76: {  	_ =	shalt  }
0x77: {  	_ =	shalt  }
0x78: {  	_ =	shalt  }
0x79: {  	_ =	shalt  }
0x7a: {  	_ =	shalt  }
0x7b: {  	_ =	shalt  }
0x7c: {  	_ =	shalt  }
0x7d: {  	_ =	shalt  }
0x7e: {  	_ =	shalt  }
0x7f: {  	_ =	shalt  }
0x80: {  	_ =	shalt  }
0x81: {  	_ =	shalt  }
0x82: {  	_ =	shalt  }
0x83: {  	_ =	shalt  }
0x84: {  	_ =	shalt  }
0x85: {  	_ =	shalt  }
0x86: {  	_ =	shalt  }
0x87: {  	_ =	shalt  }
.Lfunc_end0:
.L_simem_size_0:
called_computation.1_lowered:
.L_overlay_start_0:
0x88: {  	s2 =	sld [smem:$0x3FD9]  }
0x89: {  	s3 =	sld [smem:$0x3FFE];
	_ =	sdelay $0x1  }
0x8a: {  	s1 =	srdreg.scid  }
0x8b: {  	s0 =	sand.u32 $0x1, s1  }
0x8c: {  	s16 =	sshll.u32 s0, $0xA;
	s2 =	sadd.s32 s3, s2  }
0x8d: {  	s2 =	sadd.s32 s2, s16  }
0x8e: {  	[smem:$0x3FBF] =	sst s2  }
0x8f: {  	_ = 	snop  }
0x90: {  	(tm) =	ssettm $0x1  }
0x91: {  	s17 =	sld [smem:$0x3FFB];
	_ =	sdelay $0x3  }
0x92: {  	_ =	strace s17  }
0x93: {  	s2 =	sld [smem:$0x3FFC];
	_ =	sdelay $0x3  }
0x94: {  	_ =	strace s2  }
0x95: {  	s2 =	sld [smem:$0x3FFD];
	_ =	sdelay $0x3  }
0x96: {  	_ =	strace s2  }
0x97: {  	_ =	strace $0x8FFFFFFF  }
0x98: {  	s18 =	sld [smem:$0x3FDB];
	_ =	sdelay $0x1  }
0x99: {  	s19 =	simm.s32 $_scs_section_size  }
0x9a: {  	s4 =	simm.s32 $_size__tile_overlayer_lowered;
	s5 =	simm.s32 $_tile_overlayer_lowered  }
0x9b: {  	s22 =	simm.s32 $0x1BFF;
	s21 =	sshll.u32 s5, $0x1;
	s2 =	sadd.s32 s19, s18  }
0x9c: {  	s6 =	simm.s32 $0x0;
	s20 =	sshll.u32 s4, $0x1;
	s4 =	sadd.s32 s21, s2  }
0x9d: {  	[timem:s6], [sflag:s22] =	dma.local [hbm:s4], s20  }
0x9e: {  	_ =	swait.ge [sflag:s22], s20  }
0x9f: {  	s3 =	ssub.s32 $0x0, s20;
	[sflag:s22] =	ssyncset.done $0x0  }
0xa0: {  	[sflag:s22] =	ssyncadd.s32 s3;
	_ =	sdelay $0x1  }
0xa1: {  	s23 =	simm.s32 $0x1B8B  }
0xa2: {  	_ =	swait.ge [sflag:s23], $0x1  }
0xa3: {  	[sflag:s23] =	ssyncset.done $0x0  }
0xa4: {  	s25 =	simm.s32 $0x1B8E;
	s24 =	sld [smem:$0x3FFE];
	[sflag:s23] =	ssyncadd.s32 $0xFFFFFFFF  }
0xa5: {  	s26 =	simm.s32 $execute0_lowered;
	[smem:$0x3FD2] =	sst s25  }
0xa6: {  	s4 =	sshll.u32 s26, $0x1;
	_ =	strace $0x80000049;
	[dreg:$0x1] =	wrdreg $0xFFFFFFFF  }
0xa7: {  	s28 =	simm.s32 $_size_execute0_lowered;
	s2 =	sadd.s32 s2, s4;
	[dreg:$0x0] =	wrdreg $0x0  }
0xa8: {  	s4 =	sshll.u32 s28, $0x1;
	[dreg:$0x2] =	wrdreg s2  }
0xa9: {  	[dreg:$0x3] =	wrdreg s4  }
0xaa: {  	[dreg:$0x4] =	wrdreg $0xC0  }
0xab: {  	_ =	task [dreg:s6], $0x5FFFF  }
0xac: {  	[dreg:$0x1] =	wrdreg $0xFFFFFFFF  }
0xad: {  	[dreg:$0x0] =	wrdreg $0x60  }
0xae: {  	[dreg:$0x2] =	wrdreg s24  }
0xaf: {  	[dreg:$0x3] =	wrdreg $0xA0000  }
0xb0: {  	[dreg:$0x4] =	wrdreg $0x9  }
0xb1: {  	_ =	task.clear_ibuf [dreg:s6], $0x5FFFF;
	_ =	strace $0x90000049  }
0xb2: {  	s29 =	simm.s32 $0x9;
	_ =	strace $0x8000004B  }
0xb3: {  	_ =	swait.ge [sflag:s29], $0x1  }
0xb4: {  	[sflag:s29] =	ssyncadd.s32 $0xFFFFFFFF  }
0xb5: {  	_ =	strace $0x9000004B  }
0xb6: {  	_ =	sfence  }
0xb7: {  	s30 =	sld [smem:$0x0];
	_ =	sdelay $0x2  }
0xb8: {  	s31 =	sshll.u32 s1, $0xD;
	s1 =	sshrl.u32 s1, $0x2  }
0xb9: {  	s3 =	sand.u32 $0x4000, s31;
	s1 =	sadd.s32 s1, s30  }
0xba: {  	s0 =	sor.u32 s3, s0;
	s1 =	sshll.u32 s1, $0x11  }
0xbb: {  	s0 =	sor.u32 s1, s0  }
0xbc: {  	s0 =	sadd.s32 $0x8F2B, s0  }
0xbd: {  	[sflag:s0] =	ssyncadd.remote.s32 $0x1  }
0xbe: {  	_ =	sfence.sel $0xFFFF  }
0xbf: {  	[dreg:$0x0] =	wrdreg $0xFFFFFFFF;
	(pc) =	sbr.abs _section_cstart, $3  }
0xc0: {  	[dreg:$0x1] =	wrdreg $0xFFFFFFFF  }
0xc1: {  	_ =	task.clear_ibuf [dreg:s6], $0x2FFFF;
	_ =	strace $0x9FFFFFFF  }
0xc2: {  	(tm) =	ssettm $0x7FFFFFFF  }
0xc3: {  	_ =	shalt  }
tec
execute0_lowered:
.L_overlay_start_1:
0x0: {  	(tag) =	ssettag $0x1  }
0x1: {  	s0 =	srdreg.scid;
	s3 =	rddreg [dreg:$0x0]  }
0x2: {  	s18 =	stileid.u32;
	s1 =	rddreg [dreg:$0x1]  }
0x3: {  	s2 =	simm.s32 $0x0;
	s28 =	simm.s32 $0x3;
	s29 =	simm.s32 $0x4  }
0x4: {  	s30 =	simm.s32 $0x1E00;
	s31 =	simm.s32 $0x1E80;
	s4 =	smul.u32 $0x280, s18  }
0x5: {  	s0 =	sand.u32 $0x1, s0;
	[smem:$0x7FF] =	sst s2;
	s19 =	smul.u32 $0x50000, s18  }
0x6: {  	s6 =	sadd.s32 $0x52600, s3;
	s5 =	smul.u32 $0x2800, s0;
	s7 =	ssub.s32 $0x2, s0  }
0x7: {  	s0 =	sshll.u32 s0, $0x4;
	s9 =	sshrl.u32 s7, $0x1;
	s10 =	sor.u32 $0x40, s4  }
0x8: {  	s11 =	sadd.s32 $0xC0, s4;
	s13 =	sadd.s32 $0x100, s4;
	s17 =	sadd.s32 $0x180, s4  }
0x9: {  	s20 =	sadd.s32 $0x1C0, s4;
	s21 =	sadd.s32 $0x200, s4;
	s0 =	sor.u32 s18, s0  }
0xa: {  	s8 =	sadd.s32 s5, s4;
	s7 =	ssub.s32 s7, s9;
	s22 =	sadd.s32 s5, s10  }
0xb: {  	s9 =	sadd.s32 $0x80, s4;
	s12 =	sadd.s32 s5, s11;
	s25 =	sadd.s32 s5, s13  }
0xc: {  	s14 =	sadd.s32 s5, s17;
	s15 =	sadd.s32 s5, s20;
	s16 =	sadd.s32 s5, s21  }
0xd: {  	s8 =	sshll.u32 s8, $0x4;
	s23 =	sadd.s32 s5, s9;
	s12 =	sshll.u32 s12, $0x4  }
0xe: {  	s14 =	sshll.u32 s14, $0x4;
	s8 =	sadd.s32 s6, s8;
	s24 =	sadd.s32 s6, s12  }
0xf: {  	s12 =	sadd.s32 $0x140, s4;
	[dreg:$0x3] =	wrdreg s8;
	s8 =	sshll.u32 s22, $0x4  }
0x10: {  	s14 =	sadd.s32 s6, s14;
	[dreg:$0x6] =	wrdreg s24;
	s8 =	sadd.s32 s6, s8  }
0x11: {  	s4 =	sadd.s32 $0x240, s4;
	[dreg:$0x4] =	wrdreg s8;
	s8 =	sshll.u32 s23, $0x4  }
0x12: {  	s26 =	sadd.s32 s5, s12;
	[dreg:$0x9] =	wrdreg s14;
	s8 =	sadd.s32 s6, s8  }
0x13: {  	s5 =	sadd.s32 s5, s4;
	[dreg:$0x5] =	wrdreg s8;
	s8 =	sshll.u32 s25, $0x4  }
0x14: {  	s22 =	sshrl.u32 s19, $0x2;
	s14 =	sadd.s32 $0x2A600, s3;
	s8 =	sadd.s32 s6, s8  }
0x15: {  	s19 =	smul.u32 $0x5000, s0;
	[dreg:$0x7] =	wrdreg s8;
	s8 =	sshll.u32 s26, $0x4  }
0x16: {  	s24 =	sshll.u32 s10, $0x7;
	s10 =	sshll.u32 s20, $0x7;
	s8 =	sadd.s32 s6, s8  }
0x17: {  	s5 =	sshll.u32 s5, $0x4;
	[dreg:$0x8] =	wrdreg s8;
	s8 =	sshll.u32 s15, $0x4  }
0x18: {  	s18 =	sadd.s32 s22, s1;
	s0 =	sadd.s32 s24, s1;
	s8 =	sadd.s32 s6, s8  }
0x19: {  	s5 =	sadd.s32 s6, s5;
	[dreg:$0xa] =	wrdreg s8;
	s8 =	sshll.u32 s16, $0x4  }
0x1a: {  	[dreg:$0xc] =	wrdreg s5;
	s15 =	sadd.s32 $0x15E00, s3;
	s8 =	sadd.s32 s6, s8  }
0x1b: {  	s16 =	sadd.s32 $0x1E00, s3;
	s3 =	sadd.s32 $0x29E00, s3;
	[dreg:$0xb] =	wrdreg s8  }
0x1c: {  	s23 =	smax.u32 s7, $0x1;
	_ =	strace $0x8000004A;
	[dreg:$0xd] =	wrdreg s3  }
0x1d: {  	s7 =	sshll.u32 s12, $0x7;
	s26 =	sshll.u32 s11, $0x7;
	[dreg:$0xe] =	wrdreg s23  }
0x1e: {  	s12 =	sshll.u32 s4, $0x7;
	s5 =	sadd.s32 s26, s1;
	[dreg:$0xf] =	wrdreg s0  }
0x1f: {  	s6 =	sshll.u32 s13, $0x7;
	s13 =	sadd.s32 s12, s1;
	[dreg:$0x11] =	wrdreg s5  }
0x20: {  	s8 =	sshll.u32 s17, $0x7;
	s17 =	sadd.s32 $0x2000, s18;
	[dreg:$0x17] =	wrdreg s13  }
0x21: {  	s20 =	sadd.s32 $0x4000, s18;
	s22 =	sadd.s32 $0x8000, s18;
	[dreg:$0x18] =	wrdreg s17  }
0x22: {  	s11 =	sshll.u32 s21, $0x7;
	s21 =	sadd.s32 $0x6000, s18;
	[dreg:$0x19] =	wrdreg s20  }
0x23: {  	s24 =	sadd.s32 $0xC000, s18;
	s25 =	sshll.u32 s9, $0x7;
	[dreg:$0x1a] =	wrdreg s21  }
0x24: {  	s26 =	sadd.s32 $0x10000, s18;
	s12 =	simm.s32 $0x1000;
	[dreg:$0x1b] =	wrdreg s22  }
0x25: {  	s0 =	sadd.s32 s25, s1;
	s9 =	sadd.s32 s8, s1;
	[dreg:$0x1d] =	wrdreg s24  }
0x26: {  	s23 =	sadd.s32 $0xA000, s18;
	s25 =	sadd.s32 $0xE000, s18;
	[dreg:$0x1f] =	wrdreg s26  }
0x27: {  	s8 =	sadd.s32 $0x12000, s18;
	s13 =	simm.s32 $0x40;
	s17 =	simm.s32 $0x80  }
0x28: {  	s20 =	simm.s32 $0x4000;
	s21 =	simm.s32 $0x100;
	[dreg:$0x10] =	wrdreg s0  }
0x29: {  	s22 =	simm.s32 $0x6000;
	s24 =	simm.s32 $0x8000;
	[dreg:$0x14] =	wrdreg s9  }
0x2a: {  	s26 =	simm.s32 $0x2;
	s3 =	simm.s32 $0x0;
	[dreg:$0x1c] =	wrdreg s23  }
0x2b: {  	s0 =	sadd.s32 s6, s1;
	[dreg:$0x1e] =	wrdreg s25;
	s9 =	simm.s32 $0x2000  }
0x2c: {  	s23 =	simm.s32 $0x180;
	[dreg:$0x12] =	wrdreg s0;
	s0 =	sadd.s32 s7, s1  }
0x2d: {  	s25 =	simm.s32 $0x1;
	[dreg:$0x13] =	wrdreg s0;
	s0 =	sadd.s32 s10, s1  }
0x2e: {  	s10 =	simm.s32 $0x5;
	[dreg:$0x15] =	wrdreg s0;
	s0 =	sadd.s32 s11, s1  }
0x2f: {  	s11 =	simm.s32 $0x1F00;
	[dreg:$0x16] =	wrdreg s0;
	s0 =	simm.s32 $0x1F80  }
.LBB2_1:
0x30: {  	s4 =	rddreg [dreg:$0xd]  }
0x31: {  	[tilespmem:s9], [sflag:$0x5] =	stream.linear.gather [hbm4b:s4+s2], $0x2000, $0x38;
	[tilespmem:$0x1E400] =	vst v63  }
0x32: {  	_ =	swait.ge [sflag:s10], $0x2000  }
0x33: {  	[sflag:s10] =	ssyncset.done $0x0  }
0x34: {  	[sflag:s10] =	ssyncadd.s32 $0xFFFFE000  }
0x35: {  	[spmem:s18] =	stream.linear.scatter [tilespmem:s9], [sflag:$0x5], $0x2000, $0x38;
	[tilespmem:$0x1E400] =	vst v63  }
0x36: {  	_ =	swait.ge [sflag:s10], $0x2000  }
0x37: {  	[sflag:s10] =	ssyncset.done $0x0  }
0x38: {  	s6 =	rddreg [dreg:$0x18];
	[sflag:s10] =	ssyncadd.s32 $0xFFFFE000  }
0x39: {  	[spmem:s6] =	stream.linear.scatter [tilespmem:s9], [sflag:$0x5], $0x2000, $0x38;
	[tilespmem:$0x1E400] =	vst v63  }
0x3a: {  	_ =	swait.ge [sflag:s10], $0x2000  }
0x3b: {  	[sflag:s10] =	ssyncset.done $0x0  }
0x3c: {  	s7 =	rddreg [dreg:$0x19];
	[sflag:s10] =	ssyncadd.s32 $0xFFFFE000  }
0x3d: {  	[spmem:s7] =	stream.linear.scatter [tilespmem:s9], [sflag:$0x5], $0x2000, $0x38;
	[tilespmem:$0x1E400] =	vst v63  }
0x3e: {  	_ =	swait.ge [sflag:s10], $0x2000  }
0x3f: {  	[sflag:s10] =	ssyncset.done $0x0  }
0x40: {  	s5 =	rddreg [dreg:$0x1a];
	[sflag:s10] =	ssyncadd.s32 $0xFFFFE000  }
0x41: {  	[spmem:s5] =	stream.linear.scatter [tilespmem:s9], [sflag:$0x5], $0x2000, $0x38;
	[tilespmem:$0x1E400] =	vst v63  }
0x42: {  	_ =	swait.ge [sflag:s10], $0x2000  }
0x43: {  	[sflag:s10] =	ssyncset.done $0x0  }
0x44: {  	s6 =	rddreg [dreg:$0x1b];
	[sflag:s10] =	ssyncadd.s32 $0xFFFFE000  }
0x45: {  	[spmem:s6] =	stream.linear.scatter [tilespmem:s9], [sflag:$0x5], $0x2000, $0x38;
	[tilespmem:$0x1E400] =	vst v63  }
0x46: {  	_ =	swait.ge [sflag:s10], $0x2000  }
0x47: {  	[sflag:s10] =	ssyncset.done $0x0  }
0x48: {  	s7 =	rddreg [dreg:$0x1c];
	[sflag:s10] =	ssyncadd.s32 $0xFFFFE000  }
0x49: {  	[spmem:s7] =	stream.linear.scatter [tilespmem:s9], [sflag:$0x5], $0x2000, $0x38;
	[tilespmem:$0x1E400] =	vst v63  }
0x4a: {  	_ =	swait.ge [sflag:s10], $0x2000  }
0x4b: {  	[sflag:s10] =	ssyncset.done $0x0  }
0x4c: {  	s5 =	rddreg [dreg:$0x1d];
	[sflag:s10] =	ssyncadd.s32 $0xFFFFE000  }
0x4d: {  	[spmem:s5] =	stream.linear.scatter [tilespmem:s9], [sflag:$0x5], $0x2000, $0x38;
	[tilespmem:$0x1E400] =	vst v63  }
0x4e: {  	_ =	swait.ge [sflag:s10], $0x2000  }
0x4f: {  	[sflag:s10] =	ssyncset.done $0x0  }
0x50: {  	s6 =	rddreg [dreg:$0x1e];
	[sflag:s10] =	ssyncadd.s32 $0xFFFFE000  }
0x51: {  	[spmem:s6] =	stream.linear.scatter [tilespmem:s9], [sflag:$0x5], $0x2000, $0x38;
	[tilespmem:$0x1E400] =	vst v63  }
0x52: {  	_ =	swait.ge [sflag:s10], $0x2000  }
0x53: {  	[sflag:s10] =	ssyncset.done $0x0  }
0x54: {  	s7 =	rddreg [dreg:$0x1f];
	[sflag:s10] =	ssyncadd.s32 $0xFFFFE000  }
0x55: {  	[spmem:s7] =	stream.linear.scatter [tilespmem:s9], [sflag:$0x5], $0x2000, $0x38;
	[tilespmem:$0x1E400] =	vst v63  }
0x56: {  	_ =	swait.ge [sflag:s10], $0x2000  }
0x57: {  	[sflag:s10] =	ssyncset.done $0x0  }
0x58: {  	[sflag:s10] =	ssyncadd.s32 $0xFFFFE000  }
0x59: {  	[spmem:s8] =	stream.linear.scatter [tilespmem:s9], [sflag:$0x5], $0x2000, $0x38;
	[tilespmem:$0x1E400] =	vst v63  }
0x5a: {  	_ =	swait.ge [sflag:s10], $0x2000  }
0x5b: {  	[sflag:s10] =	ssyncset.done $0x0  }
0x5c: {  	[sflag:s10] =	ssyncadd.s32 $0xFFFFE000  }
0x5d: {  	s4 =	simm.s32 $0x0;
	[bflag:$0x0] =	sbarrier.arrive $0xFFFF  }
.LBB2_2:
0x5e: {  	s5 =	sshll.u32 s4, $0xC  }
0x5f: {  	s5 =	sadd.s32 s19, s5  }
0x60: {  	s5 =	sshrl.u32 s5, $0x3  }
0x61: {  	s7 =	simm.s32 $0x0;
	s6 =	sadd.s32 s15, s5  }
0x62: {  	[tilespmem:s7], [sflag:$0x5] =	stream.linear.gather [hbm4b:s6+s7], $0x1000, $0x38;
	[tilespmem:$0x1E400] =	vst v63  }
0x63: {  	_ =	swait.ge [sflag:s10], $0x1000  }
0x64: {  	[sflag:s10] =	ssyncset.done $0x0  }
0x65: {  	s5 =	sadd.s32 s16, s5;
	[sflag:s10] =	ssyncadd.s32 $0xFFFFF000  }
0x66: {  	[tilespmem:s12], [sflag:$0x5] =	stream.linear.gather [hbm4b:s5+s7], $0x1000, $0x38;
	[tilespmem:$0x1E400] =	vst v63  }
0x67: {  	_ =	swait.ge [sflag:s10], $0x1000  }
0x68: {  	[sflag:s10] =	ssyncset.done $0x0  }
0x69: {  	[sflag:s10] =	ssyncadd.s32 $0xFFFFF000  }
0x6a: {  	[tilespmem:s9], [sflag:$0x1] =	stream.indirect.gather [hbm4b:s14+s13], $0x80, s7, s13, $0xb8;
	[tilespmem:$0x1E400] =	vst v63  }
0x6b: {  	_ = 	snop  }
0x6c: {  	[tilespmem:s20], [sflag:$0x2] =	stream.indirect.gather [hbm4b:s14+s13], $0x80, s17, s13, $0xb8;
	[tilespmem:$0x1E400] =	vst v63  }
0x6d: {  	_ = 	snop  }
0x6e: {  	[tilespmem:s22], [sflag:$0x3] =	stream.indirect.gather [hbm4b:s14+s13], $0x80, s21, s13, $0xb8;
	[tilespmem:$0x1E400] =	vst v63  }
0x6f: {  	_ = 	snop  }
0x70: {  	[tilespmem:s24], [sflag:$0x4] =	stream.indirect.gather [hbm4b:s14+s13], $0x80, s23, s13, $0xb8;
	[tilespmem:$0x1E400] =	vst v63  }
0x71: {  	_ =	swait.ge [sflag:s25], $0x2000  }
0x72: {  	[sflag:s25] =	ssyncset.done $0x0  }
0x73: {  	s7 =	simm.s32 $0x1000;
	[sflag:s25] =	ssyncadd.s32 $0xFFFFE000  }
0x74: {  	[spmem:s1] =	stream.indirect.scatter.add.f32 [tilespmem:s9], [sflag:$0x5], $0x80, s7, s13, $0xb8;
	[tilespmem:$0x1E400] =	vst v63  }
0x75: {  	_ =	swait.ge [sflag:s10], $0x2000  }
0x76: {  	[sflag:s10] =	ssyncset.done $0x0  }
0x77: {  	s6 =	simm.s32 $0x200;
	[sflag:s10] =	ssyncadd.s32 $0xFFFFE000  }
0x78: {  	[tilespmem:s9], [sflag:$0x1] =	stream.indirect.gather [hbm4b:s14+s13], $0x80, s6, s13, $0xb8;
	[tilespmem:$0x1E400] =	vst v63  }
0x79: {  	_ =	swait.ge [sflag:s26], $0x2000  }
0x7a: {  	[sflag:s26] =	ssyncset.done $0x0  }
0x7b: {  	s7 =	simm.s32 $0x1080;
	[sflag:s26] =	ssyncadd.s32 $0xFFFFE000  }
0x7c: {  	[spmem:s1] =	stream.indirect.scatter.add.f32 [tilespmem:s20], [sflag:$0x5], $0x80, s7, s13, $0xb8;
	[tilespmem:$0x1E400] =	vst v63  }
0x7d: {  	_ =	swait.ge [sflag:s10], $0x2000  }
0x7e: {  	[sflag:s10] =	ssyncset.done $0x0  }
0x7f: {  	s6 =	simm.s32 $0x280;
	[sflag:s10] =	ssyncadd.s32 $0xFFFFE000  }
0x80: {  	[tilespmem:s20], [sflag:$0x2] =	stream.indirect.gather [hbm4b:s14+s13], $0x80, s6, s13, $0xb8;
	[tilespmem:$0x1E400] =	vst v63  }
0x81: {  	_ =	swait.ge [sflag:s28], $0x2000  }
0x82: {  	[sflag:s28] =	ssyncset.done $0x0  }
0x83: {  	s7 =	simm.s32 $0x1100;
	[sflag:s28] =	ssyncadd.s32 $0xFFFFE000  }
0x84: {  	[spmem:s1] =	stream.indirect.scatter.add.f32 [tilespmem:s22], [sflag:$0x5], $0x80, s7, s13, $0xb8;
	[tilespmem:$0x1E400] =	vst v63  }
0x85: {  	_ =	swait.ge [sflag:s10], $0x2000  }
0x86: {  	[sflag:s10] =	ssyncset.done $0x0  }
0x87: {  	s6 =	simm.s32 $0x300;
	[sflag:s10] =	ssyncadd.s32 $0xFFFFE000  }
0x88: {  	[tilespmem:s22], [sflag:$0x3] =	stream.indirect.gather [hbm4b:s14+s13], $0x80, s6, s13, $0xb8;
	[tilespmem:$0x1E400] =	vst v63  }
0x89: {  	_ =	swait.ge [sflag:s29], $0x2000  }
0x8a: {  	[sflag:s29] =	ssyncset.done $0x0  }
0x8b: {  	s7 =	simm.s32 $0x1180;
	[sflag:s29] =	ssyncadd.s32 $0xFFFFE000  }
0x8c: {  	[spmem:s1] =	stream.indirect.scatter.add.f32 [tilespmem:s24], [sflag:$0x5], $0x80, s7, s13, $0xb8;
	[tilespmem:$0x1E400] =	vst v63  }
0x8d: {  	_ =	swait.ge [sflag:s10], $0x2000  }
0x8e: {  	[sflag:s10] =	ssyncset.done $0x0  }
0x8f: {  	s5 =	simm.s32 $0x800;
	s6 =	simm.s32 $0x380;
	[sflag:s10] =	ssyncadd.s32 $0xFFFFE000  }
.LBB2_3:
0x90: {  	[tilespmem:s24], [sflag:$0x4] =	stream.indirect.gather [hbm4b:s14+s13], $0x80, s6, s13, $0xb8;
	[tilespmem:$0x1E400] =	vst v63  }
0x91: {  	s6 =	smov.u32 s5  }
0x92: {  	p0 =	sne.s32 s5, $0x3000;
	s5 =	sadd.s32 $0x800, s5;
	_ =	swait.ge [sflag:s25], $0x2000  }
0x93: {  	s6 =	sshra.s32 s6, $0x2;
	[sflag:s25] =	ssyncset.done $0x0  }
0x94: {  	s7 =	sadd.s32 $0x1000, s6;
	[sflag:s25] =	ssyncadd.s32 $0xFFFFE000  }
0x95: {  	[spmem:s1] =	stream.indirect.scatter.add.f32 [tilespmem:s9], [sflag:$0x5], $0x80, s7, s13, $0xb8;
	[tilespmem:$0x1E400] =	vst v63  }
0x96: {  	_ =	swait.ge [sflag:s10], $0x2000  }
0x97: {  	[sflag:s10] =	ssyncset.done $0x0  }
0x98: {  	s7 =	sadd.s32 $0x200, s6;
	[sflag:s10] =	ssyncadd.s32 $0xFFFFE000  }
0x99: {  	[tilespmem:s9], [sflag:$0x1] =	stream.indirect.gather [hbm4b:s14+s13], $0x80, s7, s13, $0xb8;
	[tilespmem:$0x1E400] =	vst v63  }
0x9a: {  	_ =	swait.ge [sflag:s26], $0x2000  }
0x9b: {  	[sflag:s26] =	ssyncset.done $0x0  }
0x9c: {  	s7 =	sadd.s32 $0x1080, s6;
	[sflag:s26] =	ssyncadd.s32 $0xFFFFE000  }
0x9d: {  	[spmem:s1] =	stream.indirect.scatter.add.f32 [tilespmem:s20], [sflag:$0x5], $0x80, s7, s13, $0xb8;
	[tilespmem:$0x1E400] =	vst v63  }
0x9e: {  	_ =	swait.ge [sflag:s10], $0x2000  }
0x9f: {  	[sflag:s10] =	ssyncset.done $0x0  }
0xa0: {  	s7 =	sadd.s32 $0x280, s6;
	[sflag:s10] =	ssyncadd.s32 $0xFFFFE000  }
0xa1: {  	[tilespmem:s20], [sflag:$0x2] =	stream.indirect.gather [hbm4b:s14+s13], $0x80, s7, s13, $0xb8;
	[tilespmem:$0x1E400] =	vst v63  }
0xa2: {  	_ =	swait.ge [sflag:s28], $0x2000  }
0xa3: {  	[sflag:s28] =	ssyncset.done $0x0  }
0xa4: {  	s7 =	sadd.s32 $0x1100, s6;
	[sflag:s28] =	ssyncadd.s32 $0xFFFFE000  }
0xa5: {  	[spmem:s1] =	stream.indirect.scatter.add.f32 [tilespmem:s22], [sflag:$0x5], $0x80, s7, s13, $0xb8;
	[tilespmem:$0x1E400] =	vst v63  }
0xa6: {  	_ =	swait.ge [sflag:s10], $0x2000  }
0xa7: {  	[sflag:s10] =	ssyncset.done $0x0  }
0xa8: {  	s7 =	sadd.s32 $0x300, s6;
	[sflag:s10] =	ssyncadd.s32 $0xFFFFE000  }
0xa9: {  	[tilespmem:s22], [sflag:$0x3] =	stream.indirect.gather [hbm4b:s14+s13], $0x80, s7, s13, $0xb8;
	[tilespmem:$0x1E400] =	vst v63  }
0xaa: {  	_ =	swait.ge [sflag:s29], $0x2000  }
0xab: {  	[sflag:s29] =	ssyncset.done $0x0  }
.Ltmp0:
0xac: {  	s7 =	sadd.s32 $0x1180, s6;
	[sflag:s29] =	ssyncadd.s32 $0xFFFFE000;
	(pc) =	sbr.rel @p0 .LBB2_3-.Ltmp0, $4  }
0xad: {  	[spmem:s1] =	stream.indirect.scatter.add.f32 [tilespmem:s24], [sflag:$0x5], $0x80, s7, s13, $0xb8;
	[tilespmem:$0x1E400] =	vst v63  }
0xae: {  	_ =	swait.ge [sflag:s10], $0x2000  }
0xaf: {  	[sflag:s10] =	ssyncset.done $0x0  }
0xb0: {  	s6 =	sadd.s32 $0x380, s6;
	[sflag:s10] =	ssyncadd.s32 $0xFFFFE000  }
0xb1: {  	[tilespmem:s24], [sflag:$0x4] =	stream.indirect.gather [hbm4b:s14+s13], $0x80, s6, s13, $0xb8;
	[tilespmem:$0x1E400] =	vst v63  }
0xb2: {  	_ =	swait.ge [sflag:s25], $0x2000  }
0xb3: {  	[sflag:s25] =	ssyncset.done $0x0  }
0xb4: {  	[sflag:s25] =	ssyncadd.s32 $0xFFFFE000  }
0xb5: {  	[spmem:s1] =	stream.indirect.scatter.add.f32 [tilespmem:s9], [sflag:$0x5], $0x80, s30, s13, $0xb8;
	[tilespmem:$0x1E400] =	vst v63  }
0xb6: {  	_ =	swait.ge [sflag:s10], $0x2000  }
0xb7: {  	[sflag:s10] =	ssyncset.done $0x0  }
0xb8: {  	[sflag:s10] =	ssyncadd.s32 $0xFFFFE000  }
0xb9: {  	_ =	swait.ge [sflag:s26], $0x2000  }
0xba: {  	[sflag:s26] =	ssyncset.done $0x0  }
0xbb: {  	[sflag:s26] =	ssyncadd.s32 $0xFFFFE000  }
0xbc: {  	[spmem:s1] =	stream.indirect.scatter.add.f32 [tilespmem:s20], [sflag:$0x5], $0x80, s31, s13, $0xb8;
	[tilespmem:$0x1E400] =	vst v63  }
0xbd: {  	_ =	swait.ge [sflag:s10], $0x2000  }
0xbe: {  	[sflag:s10] =	ssyncset.done $0x0  }
0xbf: {  	[sflag:s10] =	ssyncadd.s32 $0xFFFFE000  }
0xc0: {  	_ =	swait.ge [sflag:s28], $0x2000  }
0xc1: {  	[sflag:s28] =	ssyncset.done $0x0  }
0xc2: {  	[sflag:s28] =	ssyncadd.s32 $0xFFFFE000  }
0xc3: {  	[spmem:s1] =	stream.indirect.scatter.add.f32 [tilespmem:s22], [sflag:$0x5], $0x80, s11, s13, $0xb8;
	[tilespmem:$0x1E400] =	vst v63  }
0xc4: {  	_ =	swait.ge [sflag:s10], $0x2000  }
0xc5: {  	[sflag:s10] =	ssyncset.done $0x0  }
0xc6: {  	[sflag:s10] =	ssyncadd.s32 $0xFFFFE000  }
0xc7: {  	s4 =	sadd.s32 $0x1, s4;
	_ =	swait.ge [sflag:s29], $0x2000  }
0xc8: {  	p0 =	sne.s32 s4, $0x5;
	[sflag:s29] =	ssyncset.done $0x0  }
.Ltmp1:
0xc9: {  	[sflag:s29] =	ssyncadd.s32 $0xFFFFE000;
	(pc) =	sbr.rel @p0 .LBB2_2-.Ltmp1, $4  }
0xca: {  	[spmem:s1] =	stream.indirect.scatter.add.f32 [tilespmem:s24], [sflag:$0x5], $0x80, s0, s13, $0xb8;
	[tilespmem:$0x1E400] =	vst v63  }
0xcb: {  	_ =	swait.ge [sflag:s10], $0x2000  }
0xcc: {  	[sflag:s10] =	ssyncset.done $0x0  }
0xcd: {  	[sflag:s10] =	ssyncadd.s32 $0xFFFFE000  }
0xce: {  	[bflag:$0x0] =	sbarrier.arrive $0xFFFF  }
0xcf: {  	[tilespmem:s9], [sflag:$0x5] =	stream.linear.gather [spmem:s18], $0x2000, $0x38;
	[tilespmem:$0x1E400] =	vst v63  }
0xd0: {  	_ =	swait.ge [sflag:s10], $0x2000  }
0xd1: {  	[sflag:s10] =	ssyncset.done $0x0  }
0xd2: {  	s4 =	rddreg [dreg:$0x3];
	[sflag:s10] =	ssyncadd.s32 $0xFFFFE000  }
0xd3: {  	[hbm4b:s4+s2] =	stream.linear.scatter [tilespmem:s9], [sflag:$0x5], $0x2000, $0x38;
	[tilespmem:$0x1E400] =	vst v63  }
0xd4: {  	_ =	swait.ge [sflag:s10], $0x2000  }
0xd5: {  	[sflag:s10] =	ssyncset.done $0x0  }
0xd6: {  	s7 =	rddreg [dreg:$0xf];
	[sflag:s10] =	ssyncadd.s32 $0xFFFFE000  }
0xd7: {  	[tilespmem:s9], [sflag:$0x5] =	stream.linear.gather [spmem:s7], $0x2000, $0x38;
	[tilespmem:$0x1E400] =	vst v63  }
0xd8: {  	_ =	swait.ge [sflag:s10], $0x2000  }
0xd9: {  	[sflag:s10] =	ssyncset.done $0x0  }
0xda: {  	s5 =	rddreg [dreg:$0x4];
	[sflag:s10] =	ssyncadd.s32 $0xFFFFE000  }
0xdb: {  	[hbm4b:s5+s2] =	stream.linear.scatter [tilespmem:s9], [sflag:$0x5], $0x2000, $0x38;
	[tilespmem:$0x1E400] =	vst v63  }
0xdc: {  	_ =	swait.ge [sflag:s10], $0x2000  }
0xdd: {  	[sflag:s10] =	ssyncset.done $0x0  }
0xde: {  	s6 =	rddreg [dreg:$0x10];
	[sflag:s10] =	ssyncadd.s32 $0xFFFFE000  }
0xdf: {  	[tilespmem:s9], [sflag:$0x5] =	stream.linear.gather [spmem:s6], $0x2000, $0x38;
	[tilespmem:$0x1E400] =	vst v63  }
0xe0: {  	_ =	swait.ge [sflag:s10], $0x2000  }
0xe1: {  	[sflag:s10] =	ssyncset.done $0x0  }
0xe2: {  	s7 =	rddreg [dreg:$0x5];
	[sflag:s10] =	ssyncadd.s32 $0xFFFFE000  }
0xe3: {  	[hbm4b:s7+s2] =	stream.linear.scatter [tilespmem:s9], [sflag:$0x5], $0x2000, $0x38;
	[tilespmem:$0x1E400] =	vst v63  }
0xe4: {  	_ =	swait.ge [sflag:s10], $0x2000  }
0xe5: {  	[sflag:s10] =	ssyncset.done $0x0  }
0xe6: {  	s5 =	rddreg [dreg:$0x11];
	[sflag:s10] =	ssyncadd.s32 $0xFFFFE000  }
0xe7: {  	[tilespmem:s9], [sflag:$0x5] =	stream.linear.gather [spmem:s5], $0x2000, $0x38;
	[tilespmem:$0x1E400] =	vst v63  }
0xe8: {  	_ =	swait.ge [sflag:s10], $0x2000  }
0xe9: {  	[sflag:s10] =	ssyncset.done $0x0  }
0xea: {  	s6 =	rddreg [dreg:$0x6];
	[sflag:s10] =	ssyncadd.s32 $0xFFFFE000  }
0xeb: {  	[hbm4b:s6+s2] =	stream.linear.scatter [tilespmem:s9], [sflag:$0x5], $0x2000, $0x38;
	[tilespmem:$0x1E400] =	vst v63  }
0xec: {  	_ =	swait.ge [sflag:s10], $0x2000  }
0xed: {  	[sflag:s10] =	ssyncset.done $0x0  }
0xee: {  	s7 =	rddreg [dreg:$0x12];
	[sflag:s10] =	ssyncadd.s32 $0xFFFFE000  }
0xef: {  	[tilespmem:s9], [sflag:$0x5] =	stream.linear.gather [spmem:s7], $0x2000, $0x38;
	[tilespmem:$0x1E400] =	vst v63  }
0xf0: {  	_ =	swait.ge [sflag:s10], $0x2000  }
0xf1: {  	[sflag:s10] =	ssyncset.done $0x0  }
0xf2: {  	s5 =	rddreg [dreg:$0x7];
	[sflag:s10] =	ssyncadd.s32 $0xFFFFE000  }
0xf3: {  	[hbm4b:s5+s2] =	stream.linear.scatter [tilespmem:s9], [sflag:$0x5], $0x2000, $0x38;
	[tilespmem:$0x1E400] =	vst v63  }
0xf4: {  	_ =	swait.ge [sflag:s10], $0x2000  }
0xf5: {  	[sflag:s10] =	ssyncset.done $0x0  }
0xf6: {  	s6 =	rddreg [dreg:$0x13];
	[sflag:s10] =	ssyncadd.s32 $0xFFFFE000  }
0xf7: {  	[tilespmem:s9], [sflag:$0x5] =	stream.linear.gather [spmem:s6], $0x2000, $0x38;
	[tilespmem:$0x1E400] =	vst v63  }
0xf8: {  	_ =	swait.ge [sflag:s10], $0x2000  }
0xf9: {  	[sflag:s10] =	ssyncset.done $0x0  }
0xfa: {  	s7 =	rddreg [dreg:$0x8];
	[sflag:s10] =	ssyncadd.s32 $0xFFFFE000  }
0xfb: {  	[hbm4b:s7+s2] =	stream.linear.scatter [tilespmem:s9], [sflag:$0x5], $0x2000, $0x38;
	[tilespmem:$0x1E400] =	vst v63  }
0xfc: {  	_ =	swait.ge [sflag:s10], $0x2000  }
0xfd: {  	[sflag:s10] =	ssyncset.done $0x0  }
0xfe: {  	s5 =	rddreg [dreg:$0x14];
	[sflag:s10] =	ssyncadd.s32 $0xFFFFE000  }
0xff: {  	[tilespmem:s9], [sflag:$0x5] =	stream.linear.gather [spmem:s5], $0x2000, $0x38;
	[tilespmem:$0x1E400] =	vst v63  }
0x100: {  	_ =	swait.ge [sflag:s10], $0x2000  }
0x101: {  	[sflag:s10] =	ssyncset.done $0x0  }
0x102: {  	s6 =	rddreg [dreg:$0x9];
	[sflag:s10] =	ssyncadd.s32 $0xFFFFE000  }
0x103: {  	[hbm4b:s6+s2] =	stream.linear.scatter [tilespmem:s9], [sflag:$0x5], $0x2000, $0x38;
	[tilespmem:$0x1E400] =	vst v63  }
0x104: {  	_ =	swait.ge [sflag:s10], $0x2000  }
0x105: {  	[sflag:s10] =	ssyncset.done $0x0  }
0x106: {  	s7 =	rddreg [dreg:$0x15];
	[sflag:s10] =	ssyncadd.s32 $0xFFFFE000  }
0x107: {  	[tilespmem:s9], [sflag:$0x5] =	stream.linear.gather [spmem:s7], $0x2000, $0x38;
	[tilespmem:$0x1E400] =	vst v63  }
0x108: {  	_ =	swait.ge [sflag:s10], $0x2000  }
0x109: {  	[sflag:s10] =	ssyncset.done $0x0  }
0x10a: {  	s5 =	rddreg [dreg:$0xa];
	[sflag:s10] =	ssyncadd.s32 $0xFFFFE000  }
0x10b: {  	[hbm4b:s5+s2] =	stream.linear.scatter [tilespmem:s9], [sflag:$0x5], $0x2000, $0x38;
	[tilespmem:$0x1E400] =	vst v63  }
0x10c: {  	_ =	swait.ge [sflag:s10], $0x2000  }
0x10d: {  	[sflag:s10] =	ssyncset.done $0x0  }
0x10e: {  	s6 =	rddreg [dreg:$0x16];
	[sflag:s10] =	ssyncadd.s32 $0xFFFFE000  }
0x10f: {  	[tilespmem:s9], [sflag:$0x5] =	stream.linear.gather [spmem:s6], $0x2000, $0x38;
	[tilespmem:$0x1E400] =	vst v63  }
0x110: {  	_ =	swait.ge [sflag:s10], $0x2000  }
0x111: {  	[sflag:s10] =	ssyncset.done $0x0  }
0x112: {  	s7 =	rddreg [dreg:$0xb];
	[sflag:s10] =	ssyncadd.s32 $0xFFFFE000  }
0x113: {  	[hbm4b:s7+s2] =	stream.linear.scatter [tilespmem:s9], [sflag:$0x5], $0x2000, $0x38;
	[tilespmem:$0x1E400] =	vst v63  }
0x114: {  	_ =	swait.ge [sflag:s10], $0x2000  }
0x115: {  	[sflag:s10] =	ssyncset.done $0x0  }
0x116: {  	s5 =	rddreg [dreg:$0x17];
	[sflag:s10] =	ssyncadd.s32 $0xFFFFE000  }
0x117: {  	[tilespmem:s9], [sflag:$0x5] =	stream.linear.gather [spmem:s5], $0x2000, $0x38;
	[tilespmem:$0x1E400] =	vst v63  }
0x118: {  	_ =	swait.ge [sflag:s10], $0x2000  }
0x119: {  	[sflag:s10] =	ssyncset.done $0x0  }
0x11a: {  	s6 =	rddreg [dreg:$0xc];
	[sflag:s10] =	ssyncadd.s32 $0xFFFFE000  }
0x11b: {  	[hbm4b:s6+s2] =	stream.linear.scatter [tilespmem:s9], [sflag:$0x5], $0x2000, $0x38;
	[tilespmem:$0x1E400] =	vst v63  }
0x11c: {  	_ =	swait.ge [sflag:s10], $0x2000  }
0x11d: {  	s3 =	sadd.s32 $0x1, s3;
	s7 =	rddreg [dreg:$0xe]  }
0x11e: {  	p0 =	sne.s32 s3, s7  }
.Ltmp2:
0x11f: {  	_ = 	snop;
	(pc) =	sbr.rel @p0 .LBB2_1-.Ltmp2, $3  }
0x120: {  	_ =	sdelay $0x1  }
0x121: {  	[sflag:s10] =	ssyncset.done $0x0  }
0x122: {  	[sflag:s10] =	ssyncadd.s32 $0xFFFFE000  }
0x123: {  	_ =	sfence.sel $0x180000  }
0x124: {  	[bflag:$0x0] =	sbarrier.arrive $0xFFFF  }
0x125: {  	_ =	strace $0x9000004A  }
0x126: {  	s0 =	stileid.u32;
	[bflag:$0x2] =	sbarrier.arrive $0xFFFF  }
0x127: {  	p0 =	sne.s32 s0, $0x0;
	s0 =	rddreg [dreg:$0x2]  }
0x128: {  	s0 =	sadd.s32 @!p0 $0x100000, s0  }
0x129: {  	[sflag:s0] =	ssyncadd.tile.s32 @!p0 $0x1;
	_ =	shalt  }
.Lfunc_end2:
_tile_overlayer_lowered:
.L_overlay_start_2:
0x12a: {  	(tag) =	ssettag $0x2  }
0x12b: {  	s0 =	rddreg [dreg:$0x0];
	s2 =	stileid.u32  }
0x12c: {  	s1 =	rddreg [dreg:$0x1];
	p0 =	sne.s32 s2, $0x0  }
0x12d: {  	s3 =	rddreg [dreg:$0x2];
	[bflag:$0x3] =	sbarrier.arrive $0xFFFF;
	s2 =	simm.s32 @!p0 $0x1C05  }
0x12e: {  	[timem:s3], [sflag:s2] =	dma.local @!p0 [hbm:s0], s1  }
0x12f: {  	s0 =	simm.s32 @!p0 $0x5  }
0x130: {  	_ =	swait.ge @!p0 [sflag:s0], s1  }
0x131: {  	s1 =	ssub.s32 @!p0 $0x0, s1;
	[sflag:s0] =	ssyncset.done @!p0 $0x0  }
0x132: {  	[sflag:s0] =	ssyncadd.s32 @!p0 s1  }
0x133: {  	[bflag:$0x3] =	sbarrier.arrive $0xFFFF  }
0x134: {  	_ =	shalt  }

// kernel: kernel.8.cloned.1.call-start
scs
__scs_entry_jumppad:
0x0: {  	(pc) =	sbr.rel $0x88, $3  }
0x1: {  	(tag) =	ssettag $0x0;
	lr =	simm.s32 $0x1  }
0x2: {  	[smem:$0x3F98] =	sst lr;
	_ =	strace $0xD0000000  }
0x3: {  	_ = 	snop  }
0x4: {  	_ = 	snop  }
0x5: {  	_ = 	snop  }
0x6: {  	_ = 	snop  }
0x7: {  	_ = 	snop  }
__scs_overlays_trampoline_lowered:
0x8: {  	[smem:$0x3FA7] =	sst s0  }
0x9: {  	[smem:$0x3FA8] =	sst s1  }
0xa: {  	[smem:$0x3FA9] =	sst s2  }
0xb: {  	[smem:$0x3FAA] =	sst s3  }
0xc: {  	[smem:$0x3FAB] =	sst s4  }
0xd: {  	[smem:$0x3FAC] =	sst s5  }
0xe: {  	[smem:$0x3FAD] =	sst s6  }
0xf: {  	[smem:$0x3FAE] =	sst s7  }
0x10: {  	[smem:$0x3FAF] =	sst s8  }
0x11: {  	[smem:$0x3FB0] =	sst s9;
	s0 =	simm.s32 @!p0 $0x0  }
0x12: {  	s1 =	sld [smem:$0x3F96];
	s0 =	simm.s32 @p0 $0x1  }
0x13: {  	[smem:$0x3FB1] =	sst s0;
	s0 =	simm.s32 @!p1 $0x0  }
0x14: {  	s2 =	sld [smem:$0x3F95];
	s0 =	simm.s32 @p1 $0x1  }
0x15: {  	[smem:$0x3FB2] =	sst s0;
	s0 =	simm.s32 @!p2 $0x0  }
0x16: {  	s3 =	sld [smem:$0x3FDB];
	s0 =	simm.s32 @p2 $0x1  }
0x17: {  	s4 =	simm.s32 $0x1BF5;
	[smem:$0x3FB4] =	sst s0  }
0x18: {  	s0 =	sld [smem:$0x3F97];
	_ =	swait.ge [sflag:s4], $0x0  }
0x19: {  	s7 =	sld [smem:$0x3F98]  }
0x1a: {  	s8 =	sadd.s32 $0xFFFFE003, lr  }
0x1b: {  	s9 =	sadd.s32 $0xFFFFFEF7, lr;
	s5 =	simm.s32 $0xFFFFFFFF;
	p2 =	slt.u32 s8, $0xFFFFF086  }
0x1c: {  	p1 =	slt.u32 s9, $0xF7A;
	s5 =	simm.s32 @!p2 $0x0  }
0x1d: {  	s5 =	simm.s32 @p1 $0x1;
	p0 =	seq.s32 s7, s2  }
0x1e: {  	s7 =	smul.u32 @!p0 $0xF7A, s2;
	p2 =	seq.s32 @!p0 s5, $0x0  }
0x1f: {  	s9 =	smul.u32 $0xF7A, s1;
	s8 =	simm.s32 @!p0 $0x1BF5;
	p2 =	por !p2, p0  }
0x20: {  	[sflag:s8] =	ssyncset.s32 @!p0 $0xFFFFF086;
	s6 =	sadd.s32 @!p0 s3, s7;
	s7 =	simm.s32 @!p0 $0x108  }
0x21: {  	s3 =	sadd.s32 s3, s9;
	s6 =	sadd.s32 @!p0 $0x88, s6;
	s7 =	simm.s32 @p2 $0x1082  }
0x22: {  	[simem:s7], [sflag:s8] =	dma.local @!p0 [hbm:s6], $0xF7A  }
0x23: {  	s9 =	sor.u32 $0xD0000000, s2;
	s6 =	simm.s32 $0x108;
	_ =	swait.ge @!p0 [sflag:s8], $0x0  }
0x24: {  	s3 =	sadd.s32 $0x88, s3;
	s6 =	simm.s32 @!p1 $0x1082;
	[sflag:s4] =	ssyncset.s32 $0xFFFFF086  }
0x25: {  	[simem:s6], [sflag:s4] =	dma.local [hbm:s3], $0xF7A  }
0x26: {  	[smem:$0x3F98] =	sst s1;
	(tag) =	ssettag s2;
	_ =	strace s9  }
0x27: {  	s1 =	sld [smem:$0x3FA8]  }
0x28: {  	s2 =	sld [smem:$0x3FA9]  }
0x29: {  	s4 =	sld [smem:$0x3FAB]  }
0x2a: {  	p0 =	seq.s32 s5, $0x0;
	s5 =	sld [smem:$0x3FAC]  }
0x2b: {  	s6 =	sld [smem:$0x3FAD]  }
0x2c: {  	s7 =	sld [smem:$0x3FAE]  }
0x2d: {  	s3 =	simm.s32 $0x108;
	s8 =	sld [smem:$0x3FAF]  }
0x2e: {  	s3 =	simm.s32 @!p0 $0x1082;
	s9 =	sld [smem:$0x3FB0]  }
0x2f: {  	lr =	sadd.s32 s0, s3;
	s0 =	sld [smem:$0x3FA7]  }
0x30: {  	s3 =	sld [smem:$0x3FAA]  }
0x31: {  	[smem:$0x3FB3] =	sst s10  }
0x32: {  	s10 =	sld [smem:$0x3FB1];
	_ =	sdelay $0x3  }
0x33: {  	p0 =	seq.s32 s10, $0x1;
	s10 =	sld [smem:$0x3FB3];
	_ =	sdelay $0x3  }
0x34: {  	[smem:$0x3FB3] =	sst s10  }
0x35: {  	s10 =	sld [smem:$0x3FB2];
	_ =	sdelay $0x3  }
0x36: {  	p1 =	seq.s32 s10, $0x1;
	s10 =	sld [smem:$0x3FB3];
	_ =	sdelay $0x3  }
0x37: {  	[smem:$0x3FB3] =	sst s10  }
0x38: {  	s10 =	sld [smem:$0x3FB4]  }
0x39: {  	_ = 	snop;
	(pc) =	sbr.ind lr, $3  }
0x3a: {  	_ = 	snop  }
0x3b: {  	_ = 	snop  }
0x3c: {  	p2 =	seq.s32 s10, $0x1;
	s10 =	sld [smem:$0x3FB3]  }
0x3d: {  	_ =	shalt  }
0x3e: {  	_ =	shalt  }
0x3f: {  	_ =	shalt  }
0x40: {  	_ =	shalt  }
0x41: {  	_ =	shalt  }
0x42: {  	_ =	shalt  }
0x43: {  	_ =	shalt  }
0x44: {  	_ =	shalt  }
0x45: {  	_ =	shalt  }
0x46: {  	_ =	shalt  }
0x47: {  	_ =	shalt  }
0x48: {  	_ =	shalt  }
0x49: {  	_ =	shalt  }
0x4a: {  	_ =	shalt  }
0x4b: {  	_ =	shalt  }
0x4c: {  	_ =	shalt  }
0x4d: {  	_ =	shalt  }
0x4e: {  	_ =	shalt  }
0x4f: {  	_ =	shalt  }
0x50: {  	_ =	shalt  }
0x51: {  	_ =	shalt  }
0x52: {  	_ =	shalt  }
0x53: {  	_ =	shalt  }
0x54: {  	_ =	shalt  }
0x55: {  	_ =	shalt  }
0x56: {  	_ =	shalt  }
0x57: {  	_ =	shalt  }
0x58: {  	_ =	shalt  }
0x59: {  	_ =	shalt  }
0x5a: {  	_ =	shalt  }
0x5b: {  	_ =	shalt  }
0x5c: {  	_ =	shalt  }
0x5d: {  	_ =	shalt  }
0x5e: {  	_ =	shalt  }
0x5f: {  	_ =	shalt  }
0x60: {  	_ =	shalt  }
0x61: {  	_ =	shalt  }
0x62: {  	_ =	shalt  }
0x63: {  	_ =	shalt  }
0x64: {  	_ =	shalt  }
0x65: {  	_ =	shalt  }
0x66: {  	_ =	shalt  }
0x67: {  	_ =	shalt  }
0x68: {  	_ =	shalt  }
0x69: {  	_ =	shalt  }
0x6a: {  	_ =	shalt  }
0x6b: {  	_ =	shalt  }
0x6c: {  	_ =	shalt  }
0x6d: {  	_ =	shalt  }
0x6e: {  	_ =	shalt  }
0x6f: {  	_ =	shalt  }
0x70: {  	_ =	shalt  }
0x71: {  	_ =	shalt  }
0x72: {  	_ =	shalt  }
0x73: {  	_ =	shalt  }
0x74: {  	_ =	shalt  }
0x75: {  	_ =	shalt  }
0x76: {  	_ =	shalt  }
0x77: {  	_ =	shalt  }
0x78: {  	_ =	shalt  }
0x79: {  	_ =	shalt  }
0x7a: {  	_ =	shalt  }
0x7b: {  	_ =	shalt  }
0x7c: {  	_ =	shalt  }
0x7d: {  	_ =	shalt  }
0x7e: {  	_ =	shalt  }
0x7f: {  	_ =	shalt  }
0x80: {  	_ =	shalt  }
0x81: {  	_ =	shalt  }
0x82: {  	_ =	shalt  }
0x83: {  	_ =	shalt  }
0x84: {  	_ =	shalt  }
0x85: {  	_ =	shalt  }
0x86: {  	_ =	shalt  }
0x87: {  	_ =	shalt  }
.Lfunc_end0:
.L_simem_size_0:
called_computation_lowered:
.L_overlay_start_0:
0x88: {  	s2 =	sld [smem:$0x3FD9]  }
0x89: {  	s3 =	sld [smem:$0x3FFE];
	_ =	sdelay $0x1  }
0x8a: {  	s1 =	srdreg.scid  }
0x8b: {  	s0 =	sand.u32 $0x1, s1  }
0x8c: {  	s17 =	sshll.u32 s0, $0xA;
	s2 =	sadd.s32 s3, s2  }
0x8d: {  	s2 =	sadd.s32 s2, s17  }
0x8e: {  	[smem:$0x3FBF] =	sst s2  }
0x8f: {  	_ = 	snop  }
0x90: {  	s2 =	sld [smem:$0x3FC9]  }
0x91: {  	s18 =	sld [smem:$0x3FD0];
	(tm) =	ssettm $0x1  }
0x92: {  	s4 =	sld [smem:$0x3FFB];
	_ =	sdelay $0x3  }
0x93: {  	_ =	strace s4  }
0x94: {  	s4 =	sld [smem:$0x3FFC];
	_ =	sdelay $0x3  }
0x95: {  	_ =	strace s4  }
0x96: {  	s4 =	sld [smem:$0x3FFD];
	_ =	sdelay $0x3  }
0x97: {  	_ =	strace s4  }
0x98: {  	_ =	strace $0x8FFFFFFF  }
0x99: {  	s19 =	sld [smem:$0x3FDB];
	_ =	sdelay $0x1  }
0x9a: {  	s5 =	simm.s32 $_scs_section_size  }
0x9b: {  	s6 =	simm.s32 $_size__tile_overlayer_lowered;
	s7 =	simm.s32 $_tile_overlayer_lowered  }
0x9c: {  	s22 =	simm.s32 $0x1BFF;
	s21 =	sshll.u32 s7, $0x1;
	s4 =	sadd.s32 s5, s19  }
0x9d: {  	s8 =	simm.s32 $0x0;
	s20 =	sshll.u32 s6, $0x1;
	s6 =	sadd.s32 s21, s4  }
0x9e: {  	[timem:s8], [sflag:s22] =	dma.local [hbm:s6], s20  }
0x9f: {  	_ =	swait.ge [sflag:s22], s20  }
0xa0: {  	s5 =	ssub.s32 $0x0, s20;
	[sflag:s22] =	ssyncset.done $0x0  }
0xa1: {  	[sflag:s22] =	ssyncadd.s32 s5;
	_ =	sdelay $0x1  }
0xa2: {  	s23 =	simm.s32 $0x1B8B  }
0xa3: {  	_ =	swait.ge [sflag:s23], $0x1  }
0xa4: {  	[sflag:s23] =	ssyncset.done $0x0  }
0xa5: {  	s25 =	simm.s32 $0x1B8E;
	s24 =	sld [smem:$0x3FFE];
	[sflag:s23] =	ssyncadd.s32 $0xFFFFFFFF  }
0xa6: {  	s26 =	simm.s32 $execute0_lowered;
	[smem:$0x3FD2] =	sst s25  }
0xa7: {  	s6 =	sshll.u32 s26, $0x1;
	_ =	strace $0x80000046;
	[dreg:$0x1] =	wrdreg $0xFFFFFFFF  }
0xa8: {  	s28 =	simm.s32 $_size_execute0_lowered;
	s4 =	sadd.s32 s4, s6;
	[dreg:$0x0] =	wrdreg $0x0  }
0xa9: {  	s6 =	sshll.u32 s28, $0x1;
	[dreg:$0x2] =	wrdreg s4  }
0xaa: {  	[dreg:$0x3] =	wrdreg s6  }
0xab: {  	[dreg:$0x4] =	wrdreg $0xC0  }
0xac: {  	_ =	task [dreg:s8], $0x5FFFF  }
0xad: {  	[dreg:$0x1] =	wrdreg $0xFFFFFFFF  }
0xae: {  	[dreg:$0x0] =	wrdreg $0x60  }
0xaf: {  	[dreg:$0x2] =	wrdreg s2  }
0xb0: {  	[dreg:$0x3] =	wrdreg s24  }
0xb1: {  	[dreg:$0x4] =	wrdreg s18  }
0xb2: {  	[dreg:$0x5] =	wrdreg $0x60000  }
0xb3: {  	[dreg:$0x6] =	wrdreg $0x9  }
0xb4: {  	_ =	task.clear_ibuf [dreg:s8], $0x7FFFF;
	_ =	strace $0x90000046  }
0xb5: {  	s29 =	simm.s32 $0x9;
	_ =	strace $0x80000048  }
0xb6: {  	_ =	swait.ge [sflag:s29], $0x1  }
0xb7: {  	[sflag:s29] =	ssyncadd.s32 $0xFFFFFFFF  }
0xb8: {  	_ =	strace $0x90000048  }
0xb9: {  	_ =	sfence  }
0xba: {  	s30 =	sld [smem:$0x0];
	_ =	sdelay $0x2  }
0xbb: {  	s31 =	sshll.u32 s1, $0xD;
	s1 =	sshrl.u32 s1, $0x2  }
0xbc: {  	s3 =	sand.u32 $0x4000, s31;
	s1 =	sadd.s32 s1, s30  }
0xbd: {  	s0 =	sor.u32 s3, s0;
	s1 =	sshll.u32 s1, $0x11  }
0xbe: {  	s0 =	sor.u32 s1, s0  }
0xbf: {  	s0 =	sadd.s32 $0x8F2B, s0  }
0xc0: {  	[sflag:s0] =	ssyncadd.remote.s32 $0x1  }
0xc1: {  	_ =	sfence.sel $0xFFFF  }
0xc2: {  	[dreg:$0x0] =	wrdreg $0xFFFFFFFF;
	(pc) =	sbr.abs _section_cstart, $3  }
0xc3: {  	[dreg:$0x1] =	wrdreg $0xFFFFFFFF  }
0xc4: {  	_ =	task.clear_ibuf [dreg:s8], $0x2FFFF;
	_ =	strace $0x9FFFFFFF  }
0xc5: {  	(tm) =	ssettm $0x7FFFFFFF  }
tec
execute0_lowered:
.L_overlay_start_1:
0x0: {  	(tag) =	ssettag $0x1  }
0x1: {  	s0 =	srdreg.scid  }
0x2: {  	s1 =	rddreg [dreg:$0x0];
	s24 =	stileid.u32  }
0x3: {  	s4 =	rddreg [dreg:$0x1];
	s2 =	simm.s32 $0x0;
	s28 =	simm.s32 $0x4000  }
0x4: {  	s29 =	simm.s32 $0x1;
	s30 =	simm.s32 $0x2;
	s31 =	simm.s32 $0x1F00  }
0x5: {  	s0 =	sand.u32 $0x1, s0;
	s5 =	smul.u32 $0x280, s24;
	[smem:$0x7FF] =	sst s2  }
0x6: {  	s6 =	sadd.s32 $0x2B000, s4;
	p0 =	sgt.u32 s24, $0x9;
	s3 =	smul.u32 $0xA, s0  }
0x7: {  	s7 =	smul.u32 $0x2800, s0;
	s8 =	ssub.s32 $0x2, s0;
	s0 =	sshll.u32 s0, $0x4  }
0x8: {  	s9 =	sor.u32 $0x40, s5;
	s10 =	sshrl.u32 s8, $0x1;
	s14 =	sadd.s32 $0x100, s5  }
0x9: {  	s0 =	sor.u32 s24, s0;
	s3 =	sadd.s32 s24, s3;
	s11 =	sadd.s32 s7, s5  }
0xa: {  	s12 =	sadd.s32 s7, s9;
	s8 =	ssub.s32 s8, s10;
	s15 =	sadd.s32 s7, s14  }
0xb: {  	s9 =	sshll.u32 s9, $0x7;
	s18 =	sshll.u32 s11, $0x4;
	s19 =	sshll.u32 s12, $0x4  }
0xc: {  	s12 =	sadd.s32 $0xC0, s5;
	s23 =	sshll.u32 s15, $0x4;
	s15 =	sadd.s32 $0x180, s5  }
0xd: {  	s3 =	sshll.u32 s3, $0x7;
	s8 =	smax.u32 s8, $0x1;
	s10 =	sadd.s32 s6, s18  }
0xe: {  	s20 =	sadd.s32 s6, s19;
	s13 =	sadd.s32 s7, s12;
	s25 =	sadd.s32 s6, s23  }
0xf: {  	s16 =	sadd.s32 s7, s15;
	s23 =	sadd.s32 $0x200, s5;
	[dreg:$0x5] =	wrdreg s10  }
0x10: {  	s3 =	sadd.s32 s3, s4;
	[dreg:$0x6] =	wrdreg s20;
	s10 =	sadd.s32 $0x80, s5  }
0x11: {  	s22 =	sshll.u32 s13, $0x4;
	[dreg:$0x9] =	wrdreg s25;
	s21 =	sadd.s32 s7, s10  }
0x12: {  	s16 =	sshll.u32 s16, $0x4;
	s20 =	sadd.s32 s7, s23;
	s11 =	sshll.u32 s21, $0x4  }
0x13: {  	s25 =	smul.u32 $0x50000, s24;
	s21 =	sshll.u32 s20, $0x4;
	s11 =	sadd.s32 s6, s11  }
0x14: {  	[dreg:$0x7] =	wrdreg s11;
	s11 =	sadd.s32 s6, s22;
	s22 =	sadd.s32 $0x1C0, s5  }
0x15: {  	[dreg:$0x8] =	wrdreg s11;
	s11 =	sadd.s32 $0x140, s5;
	s17 =	sadd.s32 s7, s22  }
0x16: {  	s5 =	sadd.s32 $0x240, s5;
	s26 =	sadd.s32 s7, s11;
	s18 =	sshll.u32 s17, $0x4  }
0x17: {  	s7 =	sadd.s32 s7, s5;
	s13 =	sshll.u32 s26, $0x4;
	s19 =	sadd.s32 s6, s18  }
0x18: {  	s17 =	sadd.s32 $0x1E00, s4;
	s13 =	sadd.s32 s6, s13;
	[dreg:$0xc] =	wrdreg s19  }
0x19: {  	s7 =	sshll.u32 s7, $0x4;
	[dreg:$0xa] =	wrdreg s13;
	s13 =	sadd.s32 s6, s16  }
0x1a: {  	s18 =	sadd.s32 $0x29E00, s4;
	s26 =	sshll.u32 s24, $0xA;
	[dreg:$0xb] =	wrdreg s13  }
0x1b: {  	s16 =	sadd.s32 s6, s21;
	s6 =	sadd.s32 s6, s7;
	s13 =	rddreg [dreg:$0x3]  }
0x1c: {  	s21 =	smul.u32 $0x5000, s0;
	s7 =	sadd.s32 $0x2A600, s3;
	[dreg:$0xd] =	wrdreg s16  }
0x1d: {  	[dreg:$0xe] =	wrdreg s6;
	s16 =	sadd.s32 $0x15E00, s4;
	s6 =	sshrl.u32 s25, $0x2  }
0x1e: {  	s25 =	sshll.u32 s10, $0x7;
	_ =	strace $0x80000047;
	[dreg:$0xf] =	wrdreg s7  }
0x1f: {  	s4 =	sadd.s32 s26, s13;
	s19 =	sadd.s32 s6, s13;
	[dreg:$0x10] =	wrdreg s8  }
0x20: {  	s26 =	sshll.u32 s12, $0x7;
	s0 =	sadd.s32 s9, s13;
	s3 =	sadd.s32 s25, s13  }
0x21: {  	s6 =	sshll.u32 s14, $0x7;
	s7 =	sshll.u32 s11, $0x7;
	[dreg:$0x11] =	wrdreg s0  }
0x22: {  	s20 =	sadd.s32 $0x140000, s4;
	[dreg:$0x12] =	wrdreg s3;
	s4 =	sadd.s32 s26, s13  }
0x23: {  	s8 =	sshll.u32 s15, $0x7;
	s0 =	sadd.s32 s6, s13;
	[dreg:$0x13] =	wrdreg s4  }
0x24: {  	s11 =	sshll.u32 s22, $0x7;
	s9 =	sadd.s32 s7, s13;
	[dreg:$0x14] =	wrdreg s0  }
0x25: {  	s12 =	sshll.u32 s23, $0x7;
	s10 =	sadd.s32 s8, s13;
	[dreg:$0x15] =	wrdreg s9  }
0x26: {  	s14 =	sshll.u32 s5, $0x7;
	s15 =	sadd.s32 s12, s13;
	[dreg:$0x16] =	wrdreg s10  }
0x27: {  	s22 =	sadd.s32 s14, s13;
	s23 =	sadd.s32 $0x2000, s19;
	[dreg:$0x18] =	wrdreg s15  }
0x28: {  	s24 =	sadd.s32 $0x4000, s19;
	s25 =	sadd.s32 $0x6000, s19;
	[dreg:$0x19] =	wrdreg s22  }
0x29: {  	s26 =	sadd.s32 $0x8000, s19;
	s6 =	sadd.s32 $0xA000, s19;
	[dreg:$0x1a] =	wrdreg s23  }
0x2a: {  	s7 =	sadd.s32 $0xC000, s19;
	s8 =	sadd.s32 $0xE000, s19;
	[dreg:$0x1b] =	wrdreg s24  }
0x2b: {  	s14 =	simm.s32 $0x2000;
	s12 =	simm.s32 $0x1F80;
	[dreg:$0x1c] =	wrdreg s25  }
0x2c: {  	s0 =	sadd.s32 s11, s13;
	[dreg:$0x1d] =	wrdreg s26;
	s9 =	sadd.s32 $0x10000, s19  }
0x2d: {  	s10 =	sadd.s32 $0x12000, s19;
	s15 =	simm.s32 $0x3;
	s22 =	simm.s32 $0x1A400  }
0x2e: {  	s23 =	simm.s32 $0x1CC00;
	s24 =	simm.s32 $0x1000;
	s25 =	simm.s32 $0x40  }
0x2f: {  	v0 =	vimm.f32 $1.000000000e+00;
	s26 =	simm.s32 $0x80;
	[dreg:$0x17] =	wrdreg s0;
	s0 =	simm.s32 $0x0  }
.LBB2_1:
0x30: {  	[tilespmem:s14], [sflag:$0x3] =	stream.linear.gather [hbm4b:s18+s2], $0x2000, $0x38;
	[tilespmem:$0x1CC80] =	vst v63  }
0x31: {  	_ =	swait.ge [sflag:s15], $0x2000  }
0x32: {  	[sflag:s15] =	ssyncset.done $0x0  }
0x33: {  	[sflag:s15] =	ssyncadd.s32 $0xFFFFE000  }
0x34: {  	[spmem:s19] =	stream.linear.scatter [tilespmem:s14], [sflag:$0x3], $0x2000, $0x38;
	[tilespmem:$0x1CC80] =	vst v63  }
0x35: {  	_ =	swait.ge [sflag:s15], $0x2000  }
0x36: {  	[sflag:s15] =	ssyncset.done $0x0  }
0x37: {  	s3 =	rddreg [dreg:$0x1a];
	[sflag:s15] =	ssyncadd.s32 $0xFFFFE000  }
0x38: {  	[spmem:s3] =	stream.linear.scatter [tilespmem:s14], [sflag:$0x3], $0x2000, $0x38;
	[tilespmem:$0x1CC80] =	vst v63  }
0x39: {  	_ =	swait.ge [sflag:s15], $0x2000  }
0x3a: {  	[sflag:s15] =	ssyncset.done $0x0  }
0x3b: {  	s11 =	rddreg [dreg:$0x1b];
	[sflag:s15] =	ssyncadd.s32 $0xFFFFE000  }
0x3c: {  	[spmem:s11] =	stream.linear.scatter [tilespmem:s14], [sflag:$0x3], $0x2000, $0x38;
	[tilespmem:$0x1CC80] =	vst v63  }
0x3d: {  	_ =	swait.ge [sflag:s15], $0x2000  }
0x3e: {  	[sflag:s15] =	ssyncset.done $0x0  }
0x3f: {  	s4 =	rddreg [dreg:$0x1c];
	[sflag:s15] =	ssyncadd.s32 $0xFFFFE000  }
0x40: {  	[spmem:s4] =	stream.linear.scatter [tilespmem:s14], [sflag:$0x3], $0x2000, $0x38;
	[tilespmem:$0x1CC80] =	vst v63  }
0x41: {  	_ =	swait.ge [sflag:s15], $0x2000  }
0x42: {  	[sflag:s15] =	ssyncset.done $0x0  }
0x43: {  	s5 =	rddreg [dreg:$0x1d];
	[sflag:s15] =	ssyncadd.s32 $0xFFFFE000  }
0x44: {  	[spmem:s5] =	stream.linear.scatter [tilespmem:s14], [sflag:$0x3], $0x2000, $0x38;
	[tilespmem:$0x1CC80] =	vst v63  }
0x45: {  	_ =	swait.ge [sflag:s15], $0x2000  }
0x46: {  	[sflag:s15] =	ssyncset.done $0x0  }
0x47: {  	[sflag:s15] =	ssyncadd.s32 $0xFFFFE000  }
0x48: {  	[spmem:s6] =	stream.linear.scatter [tilespmem:s14], [sflag:$0x3], $0x2000, $0x38;
	[tilespmem:$0x1CC80] =	vst v63  }
0x49: {  	_ =	swait.ge [sflag:s15], $0x2000  }
0x4a: {  	[sflag:s15] =	ssyncset.done $0x0  }
0x4b: {  	[sflag:s15] =	ssyncadd.s32 $0xFFFFE000  }
0x4c: {  	[spmem:s7] =	stream.linear.scatter [tilespmem:s14], [sflag:$0x3], $0x2000, $0x38;
	[tilespmem:$0x1CC80] =	vst v63  }
0x4d: {  	_ =	swait.ge [sflag:s15], $0x2000  }
0x4e: {  	[sflag:s15] =	ssyncset.done $0x0  }
0x4f: {  	[sflag:s15] =	ssyncadd.s32 $0xFFFFE000  }
0x50: {  	[spmem:s8] =	stream.linear.scatter [tilespmem:s14], [sflag:$0x3], $0x2000, $0x38;
	[tilespmem:$0x1CC80] =	vst v63  }
0x51: {  	_ =	swait.ge [sflag:s15], $0x2000  }
0x52: {  	[sflag:s15] =	ssyncset.done $0x0  }
0x53: {  	[sflag:s15] =	ssyncadd.s32 $0xFFFFE000  }
0x54: {  	[spmem:s9] =	stream.linear.scatter [tilespmem:s14], [sflag:$0x3], $0x2000, $0x38;
	[tilespmem:$0x1CC80] =	vst v63  }
0x55: {  	_ =	swait.ge [sflag:s15], $0x2000  }
0x56: {  	[sflag:s15] =	ssyncset.done $0x0  }
0x57: {  	[sflag:s15] =	ssyncadd.s32 $0xFFFFE000  }
0x58: {  	[spmem:s10] =	stream.linear.scatter [tilespmem:s14], [sflag:$0x3], $0x2000, $0x38;
	[tilespmem:$0x1CC80] =	vst v63  }
0x59: {  	_ =	swait.ge [sflag:s15], $0x2000  }
0x5a: {  	[sflag:s15] =	ssyncset.done $0x0  }
0x5b: {  	[sflag:s15] =	ssyncadd.s32 $0xFFFFE000  }
0x5c: {  	[spmem:s20] =	stream.linear.scatter [tilespmem:s14], [sflag:$0x3], $0x400, $0x38;
	[tilespmem:$0x1CC80] =	vst v63  }
0x5d: {  	_ =	swait.ge [sflag:s15], $0x400  }
0x5e: {  	[sflag:s15] =	ssyncset.done $0x0  }
0x5f: {  	[sflag:s15] =	ssyncadd.s32 $0xFFFFFC00  }
0x60: {  	[tilespmem:s22], [sflag:$0x3] =	stream.linear.gather [hbm4b:s18+s2], $0x2800, $0x38;
	[tilespmem:$0x1CC80] =	vst v63  }
0x61: {  	_ =	swait.ge [sflag:s15], $0x2800  }
0x62: {  	[sflag:s15] =	ssyncset.done $0x0  }
0x63: {  	[sflag:s15] =	ssyncadd.s32 $0xFFFFD800  }
0x64: {  	s11 =	rddreg [dreg:$0x2]  }
0x65: {  	[tilespmem:s23], [sflag:$0x3] =	stream.linear.gather [hbm4b:s11+s2], $0x80, $0x38;
	[tilespmem:$0x1CC80] =	vst v63  }
0x66: {  	_ =	swait.ge [sflag:s15], $0x80  }
0x67: {  	[sflag:s15] =	ssyncset.done $0x0  }
0x68: {  	[sflag:s15] =	ssyncadd.s32 $0xFFFFFF80  }
0x69: {  	s11 =	simm.s32 $0x0;
	[bflag:$0x0] =	sbarrier.arrive $0xFFFF  }
.LBB2_2:
0x6a: {  	s3 =	sshll.u32 s11, $0xC  }
0x6b: {  	s3 =	sadd.s32 s21, s3  }
0x6c: {  	s4 =	sshrl.u32 s3, $0x3  }
0x6d: {  	s3 =	simm.s32 $0x0;
	s5 =	sadd.s32 s16, s4  }
0x6e: {  	[tilespmem:s3], [sflag:$0x3] =	stream.linear.gather [hbm4b:s5+s3], $0x1000, $0x38;
	[tilespmem:$0x1CC80] =	vst v63  }
0x6f: {  	_ =	swait.ge [sflag:s15], $0x1000  }
0x70: {  	[sflag:s15] =	ssyncset.done $0x0  }
0x71: {  	s4 =	sadd.s32 s17, s4;
	[sflag:s15] =	ssyncadd.s32 $0xFFFFF000  }
0x72: {  	[tilespmem:s24], [sflag:$0x3] =	stream.linear.gather [hbm4b:s4+s3], $0x1000, $0x38;
	[tilespmem:$0x1CC80] =	vst v63  }
0x73: {  	_ =	swait.ge [sflag:s15], $0x1000  }
0x74: {  	[sflag:s15] =	ssyncset.done $0x0  }
0x75: {  	[sflag:s15] =	ssyncadd.s32 $0xFFFFF000  }
0x76: {  	[tilespmem:s14], [sflag:$0x1] =	stream.indirect.gather [hbm4b:s1+s25], $0x80, s3, s25, $0xb8;
	[tilespmem:$0x1CC80] =	vst v63  }
0x77: {  	_ = 	snop  }
0x78: {  	[tilespmem:s28], [sflag:$0x2] =	stream.indirect.gather [hbm4b:s1+s25], $0x80, s26, s25, $0xb8;
	[tilespmem:$0x1CC80] =	vst v63  }
.LBB2_3:
0x79: {  	_ =	swait.ge [sflag:s29], $0x2000  }
0x7a: {  	s4 =	sshra.s32 s3, $0x2;
	[sflag:s29] =	ssyncset.done $0x0  }
0x7b: {  	s5 =	sadd.s32 $0x1000, s4;
	[sflag:s29] =	ssyncadd.s32 $0xFFFFE000  }
0x7c: {  	[spmem:s13] =	stream.indirect.scatter.add.f32 [tilespmem:s14], [sflag:$0x3], $0x80, s5, s25, $0xb8;
	[tilespmem:$0x1CC80] =	vst v63  }
0x7d: {  	_ =	swait.ge [sflag:s15], $0x2000  }
0x7e: {  	[sflag:s15] =	ssyncset.done $0x0  }
0x7f: {  	[sflag:s15] =	ssyncadd.s32 $0xFFFFE000  }
0x80: {  	v1 =	vld [tilespmem:s4+$0x1000];
	_ =	sdelay $0x7  }
0x81: {  	[tilespmem:v1+s22+$0x0] =	vst.idx.add.f32.msk $0xffff, v0  }
0x82: {  	v1 =	vld [tilespmem:s4+$0x1010];
	_ =	sdelay $0x7  }
0x83: {  	[tilespmem:v1+s22+$0x0] =	vst.idx.add.f32.msk $0xffff, v0  }
0x84: {  	v1 =	vld [tilespmem:s4+$0x1020];
	_ =	sdelay $0x7  }
0x85: {  	[tilespmem:v1+s22+$0x0] =	vst.idx.add.f32.msk $0xffff, v0  }
0x86: {  	v1 =	vld [tilespmem:s4+$0x1030];
	_ =	sdelay $0x7  }
0x87: {  	s5 =	sadd.s32 $0x100, s4;
	[tilespmem:v1+s22+$0x0] =	vst.idx.add.f32.msk $0xffff, v0  }
0x88: {  	[tilespmem:s14], [sflag:$0x1] =	stream.indirect.gather [hbm4b:s1+s25], $0x80, s5, s25, $0xb8;
	[tilespmem:$0x1CC80] =	vst v63  }
0x89: {  	_ =	swait.ge [sflag:s30], $0x2000  }
0x8a: {  	[sflag:s30] =	ssyncset.done $0x0  }
0x8b: {  	s5 =	sadd.s32 $0x1080, s4;
	[sflag:s30] =	ssyncadd.s32 $0xFFFFE000  }
0x8c: {  	[spmem:s13] =	stream.indirect.scatter.add.f32 [tilespmem:s28], [sflag:$0x3], $0x80, s5, s25, $0xb8;
	[tilespmem:$0x1CC80] =	vst v63  }
0x8d: {  	_ =	swait.ge [sflag:s15], $0x2000  }
0x8e: {  	[sflag:s15] =	ssyncset.done $0x0  }
0x8f: {  	[sflag:s15] =	ssyncadd.s32 $0xFFFFE000  }
0x90: {  	v1 =	vld [tilespmem:s4+$0x1080];
	_ =	sdelay $0x7  }
0x91: {  	[tilespmem:v1+s22+$0x0] =	vst.idx.add.f32.msk $0xffff, v0  }
0x92: {  	v1 =	vld [tilespmem:s4+$0x1090];
	_ =	sdelay $0x7  }
0x93: {  	[tilespmem:v1+s22+$0x0] =	vst.idx.add.f32.msk $0xffff, v0  }
0x94: {  	v1 =	vld [tilespmem:s4+$0x10A0];
	_ =	sdelay $0x7  }
0x95: {  	[tilespmem:v1+s22+$0x0] =	vst.idx.add.f32.msk $0xffff, v0  }
0x96: {  	v1 =	vld [tilespmem:s4+$0x10B0];
	_ =	sdelay $0x3  }
0x97: {  	p1 =	sne.s32 s3, $0x3800  }
.Ltmp0:
0x98: {  	_ = 	snop;
	(pc) =	sbr.rel @p1 .LBB2_3-.Ltmp0, $3  }
0x99: {  	_ =	sdelay $0x1  }
0x9a: {  	s3 =	sadd.s32 $0x400, s3;
	s4 =	sadd.s32 $0x180, s4;
	[tilespmem:v1+s22+$0x0] =	vst.idx.add.f32.msk $0xffff, v0  }
0x9b: {  	[tilespmem:s28], [sflag:$0x2] =	stream.indirect.gather [hbm4b:s1+s25], $0x80, s4, s25, $0xb8;
	[tilespmem:$0x1CC80] =	vst v63  }
0x9c: {  	_ =	swait.ge [sflag:s29], $0x2000  }
0x9d: {  	[sflag:s29] =	ssyncset.done $0x0  }
0x9e: {  	[sflag:s29] =	ssyncadd.s32 $0xFFFFE000  }
0x9f: {  	[spmem:s13] =	stream.indirect.scatter.add.f32 [tilespmem:s14], [sflag:$0x3], $0x80, s31, s25, $0xb8;
	[tilespmem:$0x1CC80] =	vst v63  }
0xa0: {  	_ =	swait.ge [sflag:s15], $0x2000  }
0xa1: {  	[sflag:s15] =	ssyncset.done $0x0  }
0xa2: {  	[sflag:s15] =	ssyncadd.s32 $0xFFFFE000  }
0xa3: {  	v1 =	vld [tilespmem:$0x1F00];
	_ =	sdelay $0x7  }
0xa4: {  	[tilespmem:v1+s22+$0x0] =	vst.idx.add.f32.msk $0xffff, v0  }
0xa5: {  	v1 =	vld [tilespmem:$0x1F10];
	_ =	sdelay $0x7  }
0xa6: {  	[tilespmem:v1+s22+$0x0] =	vst.idx.add.f32.msk $0xffff, v0  }
0xa7: {  	v1 =	vld [tilespmem:$0x1F20];
	_ =	sdelay $0x7  }
0xa8: {  	[tilespmem:v1+s22+$0x0] =	vst.idx.add.f32.msk $0xffff, v0  }
0xa9: {  	v1 =	vld [tilespmem:$0x1F30];
	_ =	sdelay $0x7  }
0xaa: {  	[tilespmem:v1+s22+$0x0] =	vst.idx.add.f32.msk $0xffff, v0  }
0xab: {  	_ =	swait.ge [sflag:s30], $0x2000  }
0xac: {  	[sflag:s30] =	ssyncset.done $0x0  }
0xad: {  	[sflag:s30] =	ssyncadd.s32 $0xFFFFE000  }
0xae: {  	[spmem:s13] =	stream.indirect.scatter.add.f32 [tilespmem:s28], [sflag:$0x3], $0x80, s12, s25, $0xb8;
	[tilespmem:$0x1CC80] =	vst v63  }
0xaf: {  	_ =	swait.ge [sflag:s15], $0x2000  }
0xb0: {  	[sflag:s15] =	ssyncset.done $0x0  }
0xb1: {  	[sflag:s15] =	ssyncadd.s32 $0xFFFFE000  }
0xb2: {  	v1 =	vld [tilespmem:$0x1F80];
	_ =	sdelay $0x7  }
0xb3: {  	[tilespmem:v1+s22+$0x0] =	vst.idx.add.f32.msk $0xffff, v0  }
0xb4: {  	v1 =	vld [tilespmem:$0x1F90];
	_ =	sdelay $0x7  }
0xb5: {  	[tilespmem:v1+s22+$0x0] =	vst.idx.add.f32.msk $0xffff, v0  }
0xb6: {  	v1 =	vld [tilespmem:$0x1FA0];
	_ =	sdelay $0x7  }
0xb7: {  	[tilespmem:v1+s22+$0x0] =	vst.idx.add.f32.msk $0xffff, v0  }
0xb8: {  	v1 =	vld [tilespmem:$0x1FB0];
	_ =	sdelay $0x1  }
0xb9: {  	s11 =	sadd.s32 $0x1, s11  }
0xba: {  	p1 =	sne.s32 s11, $0x5  }
.Ltmp1:
0xbb: {  	_ = 	snop;
	(pc) =	sbr.rel @p1 .LBB2_2-.Ltmp1, $2  }
0xbc: {  	_ =	sdelay $0x2  }
0xbd: {  	[tilespmem:v1+s22+$0x0] =	vst.idx.add.f32.msk $0xffff, v0  }
0xbe: {  	[bflag:$0x0] =	sbarrier.arrive $0xFFFF;
	s3 =	simm.s32 $0x50  }
0xbf: {  	[spmem:s13] =	stream.indirect.scatter.add.f32 [tilespmem:s22], [sflag:$0x3], $0x80, s23, s3, $0xb8;
	[tilespmem:$0x1CC80] =	vst v63  }
0xc0: {  	_ =	swait.ge [sflag:s15], $0x2800  }
0xc1: {  	[sflag:s15] =	ssyncset.done $0x0  }
0xc2: {  	[sflag:s15] =	ssyncadd.s32 $0xFFFFD800  }
0xc3: {  	[bflag:$0x0] =	sbarrier.arrive $0xFFFF  }
0xc4: {  	[tilespmem:s14], [sflag:$0x3] =	stream.linear.gather [spmem:s19], $0x2000, $0x38;
	[tilespmem:$0x1CC80] =	vst v63  }
0xc5: {  	_ =	swait.ge [sflag:s15], $0x2000  }
0xc6: {  	[sflag:s15] =	ssyncset.done $0x0  }
0xc7: {  	s5 =	rddreg [dreg:$0x5];
	[sflag:s15] =	ssyncadd.s32 $0xFFFFE000  }
0xc8: {  	[hbm4b:s5+s2] =	stream.linear.scatter [tilespmem:s14], [sflag:$0x3], $0x2000, $0x38;
	[tilespmem:$0x1CC80] =	vst v63  }
0xc9: {  	_ =	swait.ge [sflag:s15], $0x2000  }
0xca: {  	[sflag:s15] =	ssyncset.done $0x0  }
0xcb: {  	s11 =	rddreg [dreg:$0x11];
	[sflag:s15] =	ssyncadd.s32 $0xFFFFE000  }
0xcc: {  	[tilespmem:s14], [sflag:$0x3] =	stream.linear.gather [spmem:s11], $0x2000, $0x38;
	[tilespmem:$0x1CC80] =	vst v63  }
0xcd: {  	_ =	swait.ge [sflag:s15], $0x2000  }
0xce: {  	[sflag:s15] =	ssyncset.done $0x0  }
0xcf: {  	s4 =	rddreg [dreg:$0x6];
	[sflag:s15] =	ssyncadd.s32 $0xFFFFE000  }
0xd0: {  	[hbm4b:s4+s2] =	stream.linear.scatter [tilespmem:s14], [sflag:$0x3], $0x2000, $0x38;
	[tilespmem:$0x1CC80] =	vst v63  }
0xd1: {  	_ =	swait.ge [sflag:s15], $0x2000  }
0xd2: {  	[sflag:s15] =	ssyncset.done $0x0  }
0xd3: {  	s5 =	rddreg [dreg:$0x12];
	[sflag:s15] =	ssyncadd.s32 $0xFFFFE000  }
0xd4: {  	[tilespmem:s14], [sflag:$0x3] =	stream.linear.gather [spmem:s5], $0x2000, $0x38;
	[tilespmem:$0x1CC80] =	vst v63  }
0xd5: {  	_ =	swait.ge [sflag:s15], $0x2000  }
0xd6: {  	[sflag:s15] =	ssyncset.done $0x0  }
0xd7: {  	s11 =	rddreg [dreg:$0x7];
	[sflag:s15] =	ssyncadd.s32 $0xFFFFE000  }
0xd8: {  	[hbm4b:s11+s2] =	stream.linear.scatter [tilespmem:s14], [sflag:$0x3], $0x2000, $0x38;
	[tilespmem:$0x1CC80] =	vst v63  }
0xd9: {  	_ =	swait.ge [sflag:s15], $0x2000  }
0xda: {  	[sflag:s15] =	ssyncset.done $0x0  }
0xdb: {  	s4 =	rddreg [dreg:$0x13];
	[sflag:s15] =	ssyncadd.s32 $0xFFFFE000  }
0xdc: {  	[tilespmem:s14], [sflag:$0x3] =	stream.linear.gather [spmem:s4], $0x2000, $0x38;
	[tilespmem:$0x1CC80] =	vst v63  }
0xdd: {  	_ =	swait.ge [sflag:s15], $0x2000  }
0xde: {  	[sflag:s15] =	ssyncset.done $0x0  }
0xdf: {  	s5 =	rddreg [dreg:$0x8];
	[sflag:s15] =	ssyncadd.s32 $0xFFFFE000  }
0xe0: {  	[hbm4b:s5+s2] =	stream.linear.scatter [tilespmem:s14], [sflag:$0x3], $0x2000, $0x38;
	[tilespmem:$0x1CC80] =	vst v63  }
0xe1: {  	_ =	swait.ge [sflag:s15], $0x2000  }
0xe2: {  	[sflag:s15] =	ssyncset.done $0x0  }
0xe3: {  	s11 =	rddreg [dreg:$0x14];
	[sflag:s15] =	ssyncadd.s32 $0xFFFFE000  }
0xe4: {  	[tilespmem:s14], [sflag:$0x3] =	stream.linear.gather [spmem:s11], $0x2000, $0x38;
	[tilespmem:$0x1CC80] =	vst v63  }
0xe5: {  	_ =	swait.ge [sflag:s15], $0x2000  }
0xe6: {  	[sflag:s15] =	ssyncset.done $0x0  }
0xe7: {  	s4 =	rddreg [dreg:$0x9];
	[sflag:s15] =	ssyncadd.s32 $0xFFFFE000  }
0xe8: {  	[hbm4b:s4+s2] =	stream.linear.scatter [tilespmem:s14], [sflag:$0x3], $0x2000, $0x38;
	[tilespmem:$0x1CC80] =	vst v63  }
0xe9: {  	_ =	swait.ge [sflag:s15], $0x2000  }
0xea: {  	[sflag:s15] =	ssyncset.done $0x0  }
0xeb: {  	s5 =	rddreg [dreg:$0x15];
	[sflag:s15] =	ssyncadd.s32 $0xFFFFE000  }
0xec: {  	[tilespmem:s14], [sflag:$0x3] =	stream.linear.gather [spmem:s5], $0x2000, $0x38;
	[tilespmem:$0x1CC80] =	vst v63  }
0xed: {  	_ =	swait.ge [sflag:s15], $0x2000  }
0xee: {  	[sflag:s15] =	ssyncset.done $0x0  }
0xef: {  	s11 =	rddreg [dreg:$0xa];
	[sflag:s15] =	ssyncadd.s32 $0xFFFFE000  }
0xf0: {  	[hbm4b:s11+s2] =	stream.linear.scatter [tilespmem:s14], [sflag:$0x3], $0x2000, $0x38;
	[tilespmem:$0x1CC80] =	vst v63  }
0xf1: {  	_ =	swait.ge [sflag:s15], $0x2000  }
0xf2: {  	[sflag:s15] =	ssyncset.done $0x0  }
0xf3: {  	s4 =	rddreg [dreg:$0x16];
	[sflag:s15] =	ssyncadd.s32 $0xFFFFE000  }
0xf4: {  	[tilespmem:s14], [sflag:$0x3] =	stream.linear.gather [spmem:s4], $0x2000, $0x38;
	[tilespmem:$0x1CC80] =	vst v63  }
0xf5: {  	_ =	swait.ge [sflag:s15], $0x2000  }
0xf6: {  	[sflag:s15] =	ssyncset.done $0x0  }
0xf7: {  	s5 =	rddreg [dreg:$0xb];
	[sflag:s15] =	ssyncadd.s32 $0xFFFFE000  }
0xf8: {  	[hbm4b:s5+s2] =	stream.linear.scatter [tilespmem:s14], [sflag:$0x3], $0x2000, $0x38;
	[tilespmem:$0x1CC80] =	vst v63  }
0xf9: {  	_ =	swait.ge [sflag:s15], $0x2000  }
0xfa: {  	[sflag:s15] =	ssyncset.done $0x0  }
0xfb: {  	s11 =	rddreg [dreg:$0x17];
	[sflag:s15] =	ssyncadd.s32 $0xFFFFE000  }
0xfc: {  	[tilespmem:s14], [sflag:$0x3] =	stream.linear.gather [spmem:s11], $0x2000, $0x38;
	[tilespmem:$0x1CC80] =	vst v63  }
0xfd: {  	_ =	swait.ge [sflag:s15], $0x2000  }
0xfe: {  	[sflag:s15] =	ssyncset.done $0x0  }
0xff: {  	s4 =	rddreg [dreg:$0xc];
	[sflag:s15] =	ssyncadd.s32 $0xFFFFE000  }
0x100: {  	[hbm4b:s4+s2] =	stream.linear.scatter [tilespmem:s14], [sflag:$0x3], $0x2000, $0x38;
	[tilespmem:$0x1CC80] =	vst v63  }
0x101: {  	_ =	swait.ge [sflag:s15], $0x2000  }
0x102: {  	[sflag:s15] =	ssyncset.done $0x0  }
0x103: {  	s5 =	rddreg [dreg:$0x18];
	[sflag:s15] =	ssyncadd.s32 $0xFFFFE000  }
0x104: {  	[tilespmem:s14], [sflag:$0x3] =	stream.linear.gather [spmem:s5], $0x2000, $0x38;
	[tilespmem:$0x1CC80] =	vst v63  }
0x105: {  	_ =	swait.ge [sflag:s15], $0x2000  }
0x106: {  	[sflag:s15] =	ssyncset.done $0x0  }
0x107: {  	s11 =	rddreg [dreg:$0xd];
	[sflag:s15] =	ssyncadd.s32 $0xFFFFE000  }
0x108: {  	[hbm4b:s11+s2] =	stream.linear.scatter [tilespmem:s14], [sflag:$0x3], $0x2000, $0x38;
	[tilespmem:$0x1CC80] =	vst v63  }
0x109: {  	_ =	swait.ge [sflag:s15], $0x2000  }
0x10a: {  	[sflag:s15] =	ssyncset.done $0x0  }
0x10b: {  	s4 =	rddreg [dreg:$0x19];
	[sflag:s15] =	ssyncadd.s32 $0xFFFFE000  }
0x10c: {  	[tilespmem:s14], [sflag:$0x3] =	stream.linear.gather [spmem:s4], $0x2000, $0x38;
	[tilespmem:$0x1CC80] =	vst v63  }
0x10d: {  	_ =	swait.ge [sflag:s15], $0x2000  }
0x10e: {  	[sflag:s15] =	ssyncset.done $0x0  }
0x10f: {  	s5 =	rddreg [dreg:$0xe];
	[sflag:s15] =	ssyncadd.s32 $0xFFFFE000  }
0x110: {  	[hbm4b:s5+s2] =	stream.linear.scatter [tilespmem:s14], [sflag:$0x3], $0x2000, $0x38;
	[tilespmem:$0x1CC80] =	vst v63  }
0x111: {  	_ =	swait.ge [sflag:s15], $0x2000  }
0x112: {  	[sflag:s15] =	ssyncset.done $0x0  }
0x113: {  	s3 =	simm.s32 @!p0 $0x4000;
	s4 =	simm.s32 @!p0 $0x3;
	[sflag:s15] =	ssyncadd.s32 $0xFFFFE000  }
0x114: {  	[tilespmem:s3], [sflag:$0x3] =	stream.linear.gather @!p0 [spmem:s20], $0x400, $0x38;
	[tilespmem:$0x1CC80] =	vst v63  }
0x115: {  	_ =	swait.ge @!p0 [sflag:s4], $0x400  }
0x116: {  	[sflag:s4] =	ssyncset.done @!p0 $0x0  }
0x117: {  	s5 =	simm.s32 @!p0 $0x0;
	s11 =	rddreg [dreg:$0xf];
	[sflag:s4] =	ssyncadd.s32 @!p0 $0xFFFFFC00  }
0x118: {  	[hbm4b:s11+s5] =	stream.linear.scatter @!p0 [tilespmem:s3], [sflag:$0x3], $0x400, $0x38;
	[tilespmem:$0x1CC80] =	vst v63  }
0x119: {  	_ =	swait.ge @!p0 [sflag:s4], $0x400  }
0x11a: {  	s0 =	sadd.s32 $0x1, s0;
	s11 =	rddreg [dreg:$0x10]  }
0x11b: {  	p1 =	sne.s32 s0, s11  }
.Ltmp2:
0x11c: {  	_ = 	snop;
	(pc) =	sbr.rel @p1 .LBB2_1-.Ltmp2, $3  }
0x11d: {  	_ =	sdelay $0x1  }
0x11e: {  	[sflag:s4] =	ssyncset.done @!p0 $0x0  }
0x11f: {  	[sflag:s4] =	ssyncadd.s32 @!p0 $0xFFFFFC00  }
0x120: {  	_ =	sfence.sel $0x180000  }
0x121: {  	[bflag:$0x0] =	sbarrier.arrive $0xFFFF  }
0x122: {  	_ =	strace $0x90000047  }
0x123: {  	s0 =	stileid.u32;
	[bflag:$0x2] =	sbarrier.arrive $0xFFFF  }
0x124: {  	p0 =	sne.s32 s0, $0x0;
	s0 =	rddreg [dreg:$0x4]  }
0x125: {  	s0 =	sadd.s32 @!p0 $0x100000, s0  }
0x126: {  	[sflag:s0] =	ssyncadd.tile.s32 @!p0 $0x1;
	_ =	shalt  }
.Lfunc_end2:
_tile_overlayer_lowered:
.L_overlay_start_2:
0x127: {  	(tag) =	ssettag $0x2  }
0x128: {  	s0 =	rddreg [dreg:$0x0];
	s2 =	stileid.u32  }
0x129: {  	s1 =	rddreg [dreg:$0x1];
	p0 =	sne.s32 s2, $0x0  }
0x12a: {  	s3 =	rddreg [dreg:$0x2];
	[bflag:$0x3] =	sbarrier.arrive $0xFFFF;
	s2 =	simm.s32 @!p0 $0x1C03  }
0x12b: {  	[timem:s3], [sflag:s2] =	dma.local @!p0 [hbm:s0], s1  }
0x12c: {  	s0 =	simm.s32 @!p0 $0x3  }
0x12d: {  	_ =	swait.ge @!p0 [sflag:s0], s1  }
0x12e: {  	s1 =	ssub.s32 @!p0 $0x0, s1;
	[sflag:s0] =	ssyncset.done @!p0 $0x0  }
0x12f: {  	[sflag:s0] =	ssyncadd.s32 @!p0 s1  }
0x130: {  	[bflag:$0x3] =	sbarrier.arrive $0xFFFF  }
0x131: {  	_ =	shalt  }

</sc_bundles>
